<compile_context>
chip_gen: v7x
topology: tpu7x:2x2x1
jax: 0.10.2.dev20260603
libtpu: 0.0.44.dev20260713+nightly
codegen_flags: <defaults>
</compile_context>

<pallas_src>
import functools

import jax
import jax.numpy as jnp
import numpy as np
from jax import lax
from jax.experimental import pallas as pl
from jax.experimental.pallas import tpu as pltpu
from jax.experimental.pallas import tpu_sc as plsc

N = 50000
E = 800000
B = 2500
H = 60
HP = 64
NB = 50
RMAX = 10.0
NLAYERS = 3
NUM_NEIGHBORS = 20.0
NUM_NODES = 20.0

BE = 4000
CE = 800
NSC = 2
NTILE = 16


def _feat_body(geom_ref, feat_ref):
    geom = geom_ref[...]
    x = geom[:, 0:1]
    y = geom[:, 1:2]
    z = geom[:, 2:3]
    length = geom[:, 3:4]

    s3 = 3.0 ** 0.5
    s5 = 5.0 ** 0.5
    s15 = 15.0 ** 0.5
    sh = jnp.concatenate([
        jnp.ones_like(x),
        s3 * x, s3 * y, s3 * z,
        s15 * x * y, s15 * y * z, (s5 / 2.0) * (3.0 * z * z - 1.0),
        s15 * x * z, (s15 / 2.0) * (x * x - y * y)
    ], axis=1)

    step = RMAX / (NB + 1)
    cols = jax.lax.broadcasted_iota(jnp.int32, (length.shape[0], NB), 1)
    u = length / step - (cols.astype(jnp.float32) + 1.0)
    inside = jnp.abs(u) < 1.0
    denom = jnp.where(inside, u * u - 1.0, -1.0)
    emb = jnp.where(inside, 1.14136 * np.exp(2.0) * jnp.exp(1.0 / denom), 0.0)
    emb = emb * (NB ** 0.5)

    feat = jnp.concatenate(
        [sh, emb, jnp.zeros((geom.shape[0], 128 - 9 - NB), jnp.float32)],
        axis=1)
    feat_ref[...] = feat.astype(jnp.bfloat16)


def _build_feat(geom):
    return pl.pallas_call(
        _feat_body,
        grid=(E // BE,),
        in_specs=[pl.BlockSpec((BE, 4), lambda i: (i, 0))],
        out_specs=pl.BlockSpec((BE, 128), lambda i: (i, 0)),
        out_shape=jax.ShapeDtypeStruct((E, 128), jnp.bfloat16),
    )(geom)


def _edge_layer_body(feat_ref, xs_ref, fc1_ref, fc1b_ref, fc2_ref, fc2b_ref,
                     fc3_ref, fc3b_ref, wsh_ref, msg_ref):
    feat = feat_ref[...]

    def mm(a, b):
        return jax.lax.dot(a, b, preferred_element_type=jnp.float32)

    h = mm(feat, fc1_ref[...]) + fc1b_ref[...]
    h = h * jax.nn.sigmoid(h)
    h = mm(h.astype(jnp.bfloat16), fc2_ref[...]) + fc2b_ref[...]
    h = h * jax.nn.sigmoid(h)
    we = mm(h.astype(jnp.bfloat16), fc3_ref[...]) + fc3b_ref[...]
    shp = mm(feat, wsh_ref[...])
    msg = xs_ref[:, :HP] * shp * we * (1.0 / (NUM_NEIGHBORS ** 0.5))
    msg_ref[...] = jnp.concatenate(
        [msg, jnp.zeros((msg.shape[0], 128 - HP), jnp.float32)], axis=1)


def _edge_layer(feat, xs, fc1_ext, fc1_b, fc2_w, fc2_b, fc3_w, fc3_b, wsh_ext):
    grid = (E // BE,)
    full = lambda shape: pl.BlockSpec(shape, lambda i: (0,) * len(shape))
    return pl.pallas_call(
        _edge_layer_body,
        grid=grid,
        in_specs=[
            pl.BlockSpec((BE, 128), lambda i: (i, 0)),
            pl.BlockSpec((BE, 128), lambda i: (i, 0)),
            full((128, 128)),
            full((1, 128)),
            full((128, 128)),
            full((1, 128)),
            full((128, HP)),
            full((1, HP)),
            full((128, HP)),
        ],
        out_specs=pl.BlockSpec((BE, 128), lambda i: (i, 0)),
        out_shape=jax.ShapeDtypeStruct((E, 128), jnp.float32),
    )(feat, xs, fc1_ext, fc1_b.reshape(1, 128), fc2_w, fc2_b.reshape(1, 128),
      fc3_w, fc3_b.reshape(1, HP), wsh_ext)


_SC_MESH = plsc.VectorSubcoreMesh(core_axis_name="c", subcore_axis_name="s")
_NCHUNK = E // CE
_CPT = (_NCHUNK + NTILE - 1) // NTILE
_ZROWS = 1000
_ZCHUNKS = N // _ZROWS
assert _ZROWS * _ZCHUNKS == N and _ZROWS % 8 == 0


@functools.partial(
    pl.kernel,
    out_type=jax.ShapeDtypeStruct((NSC, N, 32), jnp.float32),
    mesh=_SC_MESH,
    compiler_params=pltpu.CompilerParams(use_tc_tiling_on_sc=False),
    scratch_types=[
        pltpu.VMEM((CE,), jnp.int32),
        pltpu.VMEM((CE, 32), jnp.float32),
        pltpu.VMEM_SHARED((N, 32), jnp.float32),
    ],
)
def _sc_scatter_add(msg_hbm, dst_hbm, zeros_hbm, out_hbm, idx_v, upd_v, acc):
    c = lax.axis_index("c")
    s = lax.axis_index("s")

    @pl.when(s == 0)
    def _():
        pltpu.sync_copy(zeros_hbm.at[c], acc)

    plsc.subcore_barrier()

    def chunk(j, carry):
        g = j * NTILE + s

        @pl.when(g < _NCHUNK)
        def _():
            base = g * CE
            pltpu.sync_copy(dst_hbm.at[pl.ds(base, CE)], idx_v)
            pltpu.sync_copy(msg_hbm.at[pl.ds(base, CE), pl.ds(c * 32, 32)],
                            upd_v)
            pltpu.sync_copy(upd_v, acc.at[idx_v], add=True)

        return carry

    lax.fori_loop(0, _CPT, chunk, 0)
    plsc.subcore_barrier()

    for q in range((_ZCHUNKS + NTILE - 1) // NTILE):
        g = q * NTILE + s

        @pl.when(g < _ZCHUNKS)
        def _():
            r0 = g * _ZROWS
            pltpu.sync_copy(acc.at[pl.ds(r0, _ZROWS)],
                            out_hbm.at[c, pl.ds(r0, _ZROWS)])


@functools.partial(
    pl.kernel,
    out_type=jax.ShapeDtypeStruct((E, 128), jnp.float32),
    mesh=_SC_MESH,
    compiler_params=pltpu.CompilerParams(use_tc_tiling_on_sc=False),
    scratch_types=[
        pltpu.VMEM((CE,), jnp.int32),
        pltpu.VMEM((CE, 32), jnp.float32),
        pltpu.SemaphoreType.DMA,
    ],
)
def _sc_gather(x2_hbm, src_hbm, out_hbm, idx_v, rows_v, sem):
    c = lax.axis_index("c")
    s = lax.axis_index("s")

    def chunk(j, carry):
        g = j * NTILE + s

        @pl.when(g < _NCHUNK)
        def _():
            base = g * CE
            pltpu.sync_copy(src_hbm.at[pl.ds(base, CE)], idx_v)
            pltpu.async_copy(x2_hbm.at[c].at[idx_v], rows_v, sem).wait()
            pltpu.sync_copy(rows_v,
                            out_hbm.at[pl.ds(base, CE), pl.ds(c * 32, 32)])

        return carry

    lax.fori_loop(0, _CPT, chunk, 0)


def kernel(z, pos, batch, edge_src, edge_dst, W_embed, W_attr,
           fc1_w, fc1_b, fc2_w, fc2_b, fc3_w, fc3_b, Wsh, Wself, Wout):
    edge_vec = pos[edge_src] - pos[edge_dst]
    length = jnp.sqrt(jnp.sum(edge_vec * edge_vec, axis=1) + 1e-12)
    unit = edge_vec / length[:, None]
    geom = jnp.concatenate([unit, length[:, None]], axis=1)

    table = jnp.array([-1, 0, -1, -1, -1, -1, 1, 2, 3, 4])
    node_attr = jax.nn.one_hot(table[z], 5, dtype=jnp.float32) * (5.0 ** 0.5)
    ones = jnp.ones((pos.shape[0], 1), jnp.float32)
    x = ones @ W_embed + node_attr @ W_attr

    zeros2 = jnp.zeros((NSC, N, 32), jnp.float32)
    feat = _build_feat(geom)

    pad = lambda w: jnp.pad(w, ((0, 0),) * (w.ndim - 1) + ((0, HP - H),))
    fc1_ext = jnp.pad(fc1_w, ((0, 0), (9, 128 - 9 - NB), (0, 0))
                      ).astype(jnp.bfloat16)
    wsh_ext = jnp.pad(pad(Wsh), ((0, 0), (0, 128 - 9), (0, 0))
                      ).astype(jnp.bfloat16)
    fc2_wb = fc2_w.astype(jnp.bfloat16)
    fc3_wb = pad(fc3_w).astype(jnp.bfloat16)
    fc3_bp = pad(fc3_b)

    for k in range(NLAYERS):
        x_pad = jnp.pad(x, ((0, 0), (0, HP - H)))
        x2 = jnp.stack([x_pad[:, :32], x_pad[:, 32:]], axis=0)
        xs = _sc_gather(x2, edge_src)
        msg2 = _edge_layer(feat, xs, fc1_ext[k], fc1_b[k], fc2_wb[k], fc2_b[k],
                           fc3_wb[k], fc3_bp[k], wsh_ext[k])
        agg2 = _sc_scatter_add(msg2, edge_dst, zeros2)
        agg = jnp.moveaxis(agg2, 0, 1).reshape(N, HP)[:, :H]
        x = jax.nn.silu((x + agg) @ Wself[k])

    node_out = x @ Wout
    s = node_out[:, 0] + 0.5 * node_out[:, 1] ** 2
    s = (s / (NUM_NODES ** 0.5))[:, None]
    out = jax.ops.segment_sum(s, batch, num_segments=B, indices_are_sorted=True)
    return out

# --- scband reference (transcript-rebuilt; emitter-appended) ---
"""Pipeline reference for scband-network-57707180589124 (READ-ONLY COPY).

The authoritative reference and input builder live on the scoring server;
editing this copy changes nothing except your own understanding.
"""

import jax, jax.numpy as jnp
import numpy as np

N = 50000
E = 800000
B = 2500
H = 60
NB = 50
RMAX = 10.0
NLAYERS = 3
NUM_NEIGHBORS = 20.0
NUM_NODES = 20.0


def _sph_harm(unit):
    # real spherical harmonics l=0..2, e3nn 'component' normalization
    x = unit[:, 0]; y = unit[:, 1]; z = unit[:, 2]
    s3 = 3.0 ** 0.5; s5 = 5.0 ** 0.5; s15 = 15.0 ** 0.5
    sh = [jnp.ones_like(x),
          s3 * x, s3 * y, s3 * z,
          s15 * x * y, s15 * y * z, (s5 / 2.0) * (3.0 * z * z - 1.0), s15 * x * z, (s15 / 2.0) * (x * x - y * y)]
    return jnp.stack(sh, axis=1)


def _soft_one_hot_smooth_finite(lengths):
    values = jnp.linspace(0.0, RMAX, NB + 2)[1:-1]
    step = RMAX / (NB + 1)
    u = (lengths[:, None] - values[None, :]) / step
    inside = jnp.abs(u) < 1.0
    denom = jnp.where(inside, u * u - 1.0, -1.0)
    f = jnp.where(inside, 1.14136 * np.exp(2.0) * jnp.exp(1.0 / denom), 0.0)
    return f * (NB ** 0.5)


def setup_inputs(seed: int = 0):
    key = jax.random.key(seed)
    ks = jax.random.split(key, 16)
    z = jax.random.randint(ks[0], (N,), 0, 10)
    pos = jax.random.uniform(ks[1], (N, 3), dtype=jnp.float32) * 5.0  # box so edges fall inside max_radius
    batch = jnp.sort(jax.random.randint(ks[2], (N,), 0, B))
    edge_src = jax.random.randint(ks[3], (E,), 0, N)
    edge_dst = jax.random.randint(ks[4], (E,), 0, N)

    def nrm(k, shape, fan):
        return jax.random.normal(k, shape, dtype=jnp.float32) / np.sqrt(fan)

    W_embed = nrm(ks[5], (1, H), 1)
    W_attr = nrm(ks[6], (5, H), 5)
    fc1_w = nrm(ks[7], (NLAYERS, NB, 128), NB)
    fc1_b = jnp.zeros((NLAYERS, 128), jnp.float32)
    fc2_w = nrm(ks[8], (NLAYERS, 128, 128), 128)
    fc2_b = jnp.zeros((NLAYERS, 128), jnp.float32)
    fc3_w = nrm(ks[9], (NLAYERS, 128, H), 128)
    fc3_b = jnp.zeros((NLAYERS, H), jnp.float32)
    Wsh = nrm(ks[10], (NLAYERS, 9, H), 9)
    Wself = nrm(ks[11], (NLAYERS, H, H), H)
    Wout = nrm(ks[12], (H, 2), H)
    return {"z": z, "pos": pos, "batch": batch, "edge_src": edge_src, "edge_dst": edge_dst,
            "W_embed": W_embed, "W_attr": W_attr,
            "fc1_w": fc1_w, "fc1_b": fc1_b, "fc2_w": fc2_w, "fc2_b": fc2_b,
            "fc3_w": fc3_w, "fc3_b": fc3_b, "Wsh": Wsh, "Wself": Wself, "Wout": Wout}


def reference(z, pos, batch, edge_src, edge_dst, W_embed, W_attr,
              fc1_w, fc1_b, fc2_w, fc2_b, fc3_w, fc3_b, Wsh, Wself, Wout):
    edge_vec = pos[edge_src] - pos[edge_dst]
    length = jnp.sqrt(jnp.sum(edge_vec * edge_vec, axis=1) + 1e-12)
    unit = edge_vec / length[:, None]
    edge_sh = _sph_harm(unit)
    emb = _soft_one_hot_smooth_finite(length)

    table = jnp.array([-1, 0, -1, -1, -1, -1, 1, 2, 3, 4])
    node_attr = jax.nn.one_hot(table[z], 5, dtype=jnp.float32) * (5.0 ** 0.5)
    ones = jnp.ones((pos.shape[0], 1), jnp.float32)
    x = ones @ W_embed + node_attr @ W_attr

    for k in range(NLAYERS):
        h = jax.nn.silu(emb @ fc1_w[k] + fc1_b[k])
        h = jax.nn.silu(h @ fc2_w[k] + fc2_b[k])
        we = h @ fc3_w[k] + fc3_b[k]
        shp = edge_sh @ Wsh[k]
        msg = x[edge_src] * shp * we
        agg = jax.ops.segment_sum(msg, edge_dst, num_segments=pos.shape[0]) / (NUM_NEIGHBORS ** 0.5)
        x = jax.nn.silu((x + agg) @ Wself[k])

    node_out = x @ Wout
    s = node_out[:, 0] + 0.5 * node_out[:, 1] ** 2
    s = (s / (NUM_NODES ** 0.5))[:, None]
    out = jax.ops.segment_sum(s, batch, num_segments=B)
    return out

if __name__ == "__main__":
    import jax
    _d = setup_inputs()
    print(jax.jit(kernel)(*tuple(_d.values())))

</pallas_src>

<mosaic_0001>
#map = affine_map<(d0, d1) -> (0, 0)>
#map1 = affine_map<(d0, d1) -> (0)>
#map2 = affine_map<(d0, d1) -> (0, 0, 0)>
module attributes {stable_mosaic.version = 14 : i64} {
  func.func @_sc_scatter_add(%arg0: i32, %arg1: i32, %arg2: memref<800000x128xf32, #tpu.memory_space<hbm>>, %arg3: memref<800000xi32, #tpu.memory_space<hbm>>, %arg4: memref<2x50000x32xf32, #tpu.memory_space<hbm>>, %arg5: memref<2x50000x32xf32, #tpu.memory_space<hbm>>, %arg6: memref<800xi32, #tpu.memory_space<vmem>>, %arg7: memref<800x32xf32, #tpu.memory_space<vmem>>, %arg8: memref<50000x32xf32, #tpu.memory_space<vmem_shared>>) attributes {dimension_semantics = [#tpu.dimension_semantics<core_parallel>, #tpu.dimension_semantics<subcore_parallel>], iteration_bounds = array<i64: 2, 16>, scalar_prefetch = 0 : i64, scratch_operands = 3 : i64, tpu.core_type = #tpu.core_type<sc_vector_subcore>, window_params = [{transform_indices = #map}, {transform_indices = #map1}, {transform_indices = #map2}, {transform_indices = #map2}]} {
    %eq3A = arith.constant 0 : i32
    %eq3A_0 = arith.cmpi eq, %arg1, %eq3A : i32
    %convert_element_type3A = arith.extui %eq3A_0 : i1 to i32
    %cond3A = arith.constant 0 : i32
    %cond3A_1 = arith.cmpi ne, %convert_element_type3A, %cond3A : i32
    scf.if %cond3A_1 {
      "tpu.region"() ({
        %run_scoped3A = tpu.sem_alloc : memref<!tpu.dma_semaphore, #tpu.memory_space<semaphore_mem>>
        %dma_start3A = arith.constant 0 : i32
        %dma_start3A_34 = arith.constant 0 : i32
        %dma_start3A_35 = tpu.memref_slice %arg4[%arg0, %dma_start3A, %dma_start3A_34] : memref<2x50000x32xf32, #tpu.memory_space<hbm>> -> memref<1x50000x32xf32, #tpu.memory_space<hbm>>
        %dma_start3A_36 = tpu.memref_squeeze %dma_start3A_35 : memref<1x50000x32xf32, #tpu.memory_space<hbm>> -> memref<50000x32xf32, #tpu.memory_space<hbm>>
        tpu.enqueue_dma source(%dma_start3A_36 : memref<50000x32xf32, #tpu.memory_space<hbm>>) target(%arg8 : memref<50000x32xf32, #tpu.memory_space<vmem_shared>>) target_semaphore(%run_scoped3A : memref<!tpu.dma_semaphore, #tpu.memory_space<semaphore_mem>>)
        %dma_wait3A = arith.constant 0 : i32
        %dma_wait3A_37 = arith.constant 0 : i32
        %dma_wait3A_38 = tpu.memref_slice %arg4[%arg0, %dma_wait3A, %dma_wait3A_37] : memref<2x50000x32xf32, #tpu.memory_space<hbm>> -> memref<1x50000x32xf32, #tpu.memory_space<hbm>>
        %dma_wait3A_39 = tpu.memref_squeeze %dma_wait3A_38 : memref<1x50000x32xf32, #tpu.memory_space<hbm>> -> memref<50000x32xf32, #tpu.memory_space<hbm>>
        tpu.wait_dma2 semaphore(%run_scoped3A : memref<!tpu.dma_semaphore, #tpu.memory_space<semaphore_mem>>) src(%dma_wait3A_39 : memref<50000x32xf32, #tpu.memory_space<hbm>>) dst(%arg8 : memref<50000x32xf32, #tpu.memory_space<vmem_shared>>)
        tpu.yield
      }) : () -> ()
    } else {
    }
    %barrier3A = arith.constant 0 : index
    tpu.barrier barrier_id(%barrier3A)
    %scan3A = arith.constant 0 : i32
    %scan3A_2 = arith.constant 0 : i32
    %scan3A_3 = arith.constant 63 : i32
    %scan3A_4 = arith.addi %scan3A_2, %scan3A_3 : i32
    %scan3A_5 = arith.constant 1 : i32
    scf.for %scan3A_34 = %scan3A_2 to %scan3A_4 step %scan3A_5  : i32 {
      %mul3A = arith.constant 16 : i32
      %mul3A_35 = arith.muli %scan3A_34, %mul3A : i32
      %add3A_36 = arith.addi %mul3A_35, %arg1 : i32
      %lt3A_37 = arith.constant 1000 : i32
      %lt3A_38 = arith.cmpi slt, %add3A_36, %lt3A_37 : i32
      %convert_element_type3A_39 = arith.extui %lt3A_38 : i1 to i32
      %cond3A_40 = arith.constant 0 : i32
      %cond3A_41 = arith.cmpi ne, %convert_element_type3A_39, %cond3A_40 : i32
      scf.if %cond3A_41 {
        %mul3A_42 = arith.constant 800 : i32
        %mul3A_43 = arith.muli %add3A_36, %mul3A_42 : i32
        "tpu.region"() ({
          %run_scoped3A = tpu.sem_alloc : memref<!tpu.dma_semaphore, #tpu.memory_space<semaphore_mem>>
          %dma_start3A = tpu.memref_slice %arg3[%mul3A_43] : memref<800000xi32, #tpu.memory_space<hbm>> -> memref<800xi32, #tpu.memory_space<hbm>>
          %dma_start3A_46 = tpu.memref_slice %arg3[%mul3A_43] : memref<800000xi32, #tpu.memory_space<hbm>> -> memref<800xi32, #tpu.memory_space<hbm>>
          tpu.enqueue_dma source(%dma_start3A_46 : memref<800xi32, #tpu.memory_space<hbm>>) target(%arg6 : memref<800xi32, #tpu.memory_space<vmem>>) target_semaphore(%run_scoped3A : memref<!tpu.dma_semaphore, #tpu.memory_space<semaphore_mem>>)
          %dma_wait3A = tpu.memref_slice %arg3[%mul3A_43] : memref<800000xi32, #tpu.memory_space<hbm>> -> memref<800xi32, #tpu.memory_space<hbm>>
          %dma_wait3A_47 = tpu.memref_slice %arg3[%mul3A_43] : memref<800000xi32, #tpu.memory_space<hbm>> -> memref<800xi32, #tpu.memory_space<hbm>>
          tpu.wait_dma2 semaphore(%run_scoped3A : memref<!tpu.dma_semaphore, #tpu.memory_space<semaphore_mem>>) src(%dma_wait3A_47 : memref<800xi32, #tpu.memory_space<hbm>>) dst(%arg6 : memref<800xi32, #tpu.memory_space<vmem>>)
          tpu.yield
        }) : () -> ()
        %mul3A_44 = arith.constant 32 : i32
        %mul3A_45 = arith.muli %arg0, %mul3A_44 : i32
        "tpu.region"() ({
          %run_scoped3A = tpu.sem_alloc : memref<!tpu.dma_semaphore, #tpu.memory_space<semaphore_mem>>
          %dma_start3A = tpu.memref_slice %arg2[%mul3A_43, %mul3A_45] : memref<800000x128xf32, #tpu.memory_space<hbm>> -> memref<800x32xf32, #tpu.memory_space<hbm>>
          %dma_start3A_46 = tpu.memref_slice %arg2[%mul3A_43, %mul3A_45] : memref<800000x128xf32, #tpu.memory_space<hbm>> -> memref<800x32xf32, #tpu.memory_space<hbm>>
          tpu.enqueue_dma source(%dma_start3A_46 : memref<800x32xf32, #tpu.memory_space<hbm>>) target(%arg7 : memref<800x32xf32, #tpu.memory_space<vmem>>) target_semaphore(%run_scoped3A : memref<!tpu.dma_semaphore, #tpu.memory_space<semaphore_mem>>)
          %dma_wait3A = tpu.memref_slice %arg2[%mul3A_43, %mul3A_45] : memref<800000x128xf32, #tpu.memory_space<hbm>> -> memref<800x32xf32, #tpu.memory_space<hbm>>
          %dma_wait3A_47 = tpu.memref_slice %arg2[%mul3A_43, %mul3A_45] : memref<800000x128xf32, #tpu.memory_space<hbm>> -> memref<800x32xf32, #tpu.memory_space<hbm>>
          tpu.wait_dma2 semaphore(%run_scoped3A : memref<!tpu.dma_semaphore, #tpu.memory_space<semaphore_mem>>) src(%dma_wait3A_47 : memref<800x32xf32, #tpu.memory_space<hbm>>) dst(%arg7 : memref<800x32xf32, #tpu.memory_space<vmem>>)
          tpu.yield
        }) : () -> ()
        "tpu.region"() ({
          %run_scoped3A = tpu.sem_alloc : memref<!tpu.dma_semaphore, #tpu.memory_space<semaphore_mem>>
          %dma_start3A = arith.constant 0 : i32
          %dma_start3A_46 = arith.constant 0 : i32
          %dma_start3A_47 = tpu.memref_slice %arg8[%dma_start3A, %dma_start3A_46] : memref<50000x32xf32, #tpu.memory_space<vmem_shared>> -> memref<50000x32xf32, #tpu.memory_space<vmem_shared>>
          tpu.enqueue_indirect_dma source(%arg7 : memref<800x32xf32, #tpu.memory_space<vmem>>) target(%dma_start3A_47 : memref<50000x32xf32, #tpu.memory_space<vmem_shared>>) offsets(%arg6 : memref<800xi32, #tpu.memory_space<vmem>>) semaphore(%run_scoped3A : memref<!tpu.dma_semaphore, #tpu.memory_space<semaphore_mem>>) {add = true}
          %dma_wait3A = arith.constant 0 : i32
          %dma_wait3A_48 = arith.constant 0 : i32
          %dma_wait3A_49 = tpu.memref_slice %arg8[%dma_wait3A, %dma_wait3A_48] : memref<50000x32xf32, #tpu.memory_space<vmem_shared>> -> memref<50000x32xf32, #tpu.memory_space<vmem_shared>>
          tpu.wait_indirect_dma semaphore(%run_scoped3A : memref<!tpu.dma_semaphore, #tpu.memory_space<semaphore_mem>>) src(%arg7 : memref<800x32xf32, #tpu.memory_space<vmem>>) dst(%dma_wait3A_49 : memref<50000x32xf32, #tpu.memory_space<vmem_shared>>)
          tpu.yield
        }) : () -> ()
      } else {
      }
    }
    %scan3A_6 = arith.constant 63 : i32
    %barrier3A_7 = arith.constant 0 : index
    tpu.barrier barrier_id(%barrier3A_7)
    %add3A = arith.constant 0 : i32
    %add3A_8 = arith.addi %add3A, %arg1 : i32
    %lt3A = arith.constant 50 : i32
    %lt3A_9 = arith.cmpi slt, %add3A_8, %lt3A : i32
    %convert_element_type3A_10 = arith.extui %lt3A_9 : i1 to i32
    %cond3A_11 = arith.constant 0 : i32
    %cond3A_12 = arith.cmpi ne, %convert_element_type3A_10, %cond3A_11 : i32
    scf.if %cond3A_12 {
      %mul3A = arith.constant 1000 : i32
      %mul3A_34 = arith.muli %add3A_8, %mul3A : i32
      "tpu.region"() ({
        %run_scoped3A = tpu.sem_alloc : memref<!tpu.dma_semaphore, #tpu.memory_space<semaphore_mem>>
        %dma_start3A = arith.constant 0 : i32
        %dma_start3A_35 = tpu.memref_slice %arg5[%arg0, %mul3A_34, %dma_start3A] : memref<2x50000x32xf32, #tpu.memory_space<hbm>> -> memref<1x1000x32xf32, #tpu.memory_space<hbm>>
        %dma_start3A_36 = tpu.memref_squeeze %dma_start3A_35 : memref<1x1000x32xf32, #tpu.memory_space<hbm>> -> memref<1000x32xf32, #tpu.memory_space<hbm>>
        %dma_start3A_37 = arith.constant 0 : i32
        %dma_start3A_38 = tpu.memref_slice %arg8[%mul3A_34, %dma_start3A_37] : memref<50000x32xf32, #tpu.memory_space<vmem_shared>> -> memref<1000x32xf32, #tpu.memory_space<vmem_shared>>
        tpu.enqueue_dma source(%dma_start3A_38 : memref<1000x32xf32, #tpu.memory_space<vmem_shared>>) target(%dma_start3A_36 : memref<1000x32xf32, #tpu.memory_space<hbm>>) target_semaphore(%run_scoped3A : memref<!tpu.dma_semaphore, #tpu.memory_space<semaphore_mem>>)
        %dma_wait3A = arith.constant 0 : i32
        %dma_wait3A_39 = tpu.memref_slice %arg5[%arg0, %mul3A_34, %dma_wait3A] : memref<2x50000x32xf32, #tpu.memory_space<hbm>> -> memref<1x1000x32xf32, #tpu.memory_space<hbm>>
        %dma_wait3A_40 = tpu.memref_squeeze %dma_wait3A_39 : memref<1x1000x32xf32, #tpu.memory_space<hbm>> -> memref<1000x32xf32, #tpu.memory_space<hbm>>
        %dma_wait3A_41 = arith.constant 0 : i32
        %dma_wait3A_42 = tpu.memref_slice %arg8[%mul3A_34, %dma_wait3A_41] : memref<50000x32xf32, #tpu.memory_space<vmem_shared>> -> memref<1000x32xf32, #tpu.memory_space<vmem_shared>>
        tpu.wait_dma2 semaphore(%run_scoped3A : memref<!tpu.dma_semaphore, #tpu.memory_space<semaphore_mem>>) src(%dma_wait3A_42 : memref<1000x32xf32, #tpu.memory_space<vmem_shared>>) dst(%dma_wait3A_40 : memref<1000x32xf32, #tpu.memory_space<hbm>>)
        tpu.yield
      }) : () -> ()
    } else {
    }
    %add3A_13 = arith.constant 16 : i32
    %add3A_14 = arith.addi %add3A_13, %arg1 : i32
    %lt3A_15 = arith.constant 50 : i32
    %lt3A_16 = arith.cmpi slt, %add3A_14, %lt3A_15 : i32
    %convert_element_type3A_17 = arith.extui %lt3A_16 : i1 to i32
    %cond3A_18 = arith.constant 0 : i32
    %cond3A_19 = arith.cmpi ne, %convert_element_type3A_17, %cond3A_18 : i32
    scf.if %cond3A_19 {
      %mul3A = arith.constant 1000 : i32
      %mul3A_34 = arith.muli %add3A_14, %mul3A : i32
      "tpu.region"() ({
        %run_scoped3A = tpu.sem_alloc : memref<!tpu.dma_semaphore, #tpu.memory_space<semaphore_mem>>
        %dma_start3A = arith.constant 0 : i32
        %dma_start3A_35 = tpu.memref_slice %arg5[%arg0, %mul3A_34, %dma_start3A] : memref<2x50000x32xf32, #tpu.memory_space<hbm>> -> memref<1x1000x32xf32, #tpu.memory_space<hbm>>
        %dma_start3A_36 = tpu.memref_squeeze %dma_start3A_35 : memref<1x1000x32xf32, #tpu.memory_space<hbm>> -> memref<1000x32xf32, #tpu.memory_space<hbm>>
        %dma_start3A_37 = arith.constant 0 : i32
        %dma_start3A_38 = tpu.memref_slice %arg8[%mul3A_34, %dma_start3A_37] : memref<50000x32xf32, #tpu.memory_space<vmem_shared>> -> memref<1000x32xf32, #tpu.memory_space<vmem_shared>>
        tpu.enqueue_dma source(%dma_start3A_38 : memref<1000x32xf32, #tpu.memory_space<vmem_shared>>) target(%dma_start3A_36 : memref<1000x32xf32, #tpu.memory_space<hbm>>) target_semaphore(%run_scoped3A : memref<!tpu.dma_semaphore, #tpu.memory_space<semaphore_mem>>)
        %dma_wait3A = arith.constant 0 : i32
        %dma_wait3A_39 = tpu.memref_slice %arg5[%arg0, %mul3A_34, %dma_wait3A] : memref<2x50000x32xf32, #tpu.memory_space<hbm>> -> memref<1x1000x32xf32, #tpu.memory_space<hbm>>
        %dma_wait3A_40 = tpu.memref_squeeze %dma_wait3A_39 : memref<1x1000x32xf32, #tpu.memory_space<hbm>> -> memref<1000x32xf32, #tpu.memory_space<hbm>>
        %dma_wait3A_41 = arith.constant 0 : i32
        %dma_wait3A_42 = tpu.memref_slice %arg8[%mul3A_34, %dma_wait3A_41] : memref<50000x32xf32, #tpu.memory_space<vmem_shared>> -> memref<1000x32xf32, #tpu.memory_space<vmem_shared>>
        tpu.wait_dma2 semaphore(%run_scoped3A : memref<!tpu.dma_semaphore, #tpu.memory_space<semaphore_mem>>) src(%dma_wait3A_42 : memref<1000x32xf32, #tpu.memory_space<vmem_shared>>) dst(%dma_wait3A_40 : memref<1000x32xf32, #tpu.memory_space<hbm>>)
        tpu.yield
      }) : () -> ()
    } else {
    }
    %add3A_20 = arith.constant 32 : i32
    %add3A_21 = arith.addi %add3A_20, %arg1 : i32
    %lt3A_22 = arith.constant 50 : i32
    %lt3A_23 = arith.cmpi slt, %add3A_21, %lt3A_22 : i32
    %convert_element_type3A_24 = arith.extui %lt3A_23 : i1 to i32
    %cond3A_25 = arith.constant 0 : i32
    %cond3A_26 = arith.cmpi ne, %convert_element_type3A_24, %cond3A_25 : i32
    scf.if %cond3A_26 {
      %mul3A = arith.constant 1000 : i32
      %mul3A_34 = arith.muli %add3A_21, %mul3A : i32
      "tpu.region"() ({
        %run_scoped3A = tpu.sem_alloc : memref<!tpu.dma_semaphore, #tpu.memory_space<semaphore_mem>>
        %dma_start3A = arith.constant 0 : i32
        %dma_start3A_35 = tpu.memref_slice %arg5[%arg0, %mul3A_34, %dma_start3A] : memref<2x50000x32xf32, #tpu.memory_space<hbm>> -> memref<1x1000x32xf32, #tpu.memory_space<hbm>>
        %dma_start3A_36 = tpu.memref_squeeze %dma_start3A_35 : memref<1x1000x32xf32, #tpu.memory_space<hbm>> -> memref<1000x32xf32, #tpu.memory_space<hbm>>
        %dma_start3A_37 = arith.constant 0 : i32
        %dma_start3A_38 = tpu.memref_slice %arg8[%mul3A_34, %dma_start3A_37] : memref<50000x32xf32, #tpu.memory_space<vmem_shared>> -> memref<1000x32xf32, #tpu.memory_space<vmem_shared>>
        tpu.enqueue_dma source(%dma_start3A_38 : memref<1000x32xf32, #tpu.memory_space<vmem_shared>>) target(%dma_start3A_36 : memref<1000x32xf32, #tpu.memory_space<hbm>>) target_semaphore(%run_scoped3A : memref<!tpu.dma_semaphore, #tpu.memory_space<semaphore_mem>>)
        %dma_wait3A = arith.constant 0 : i32
        %dma_wait3A_39 = tpu.memref_slice %arg5[%arg0, %mul3A_34, %dma_wait3A] : memref<2x50000x32xf32, #tpu.memory_space<hbm>> -> memref<1x1000x32xf32, #tpu.memory_space<hbm>>
        %dma_wait3A_40 = tpu.memref_squeeze %dma_wait3A_39 : memref<1x1000x32xf32, #tpu.memory_space<hbm>> -> memref<1000x32xf32, #tpu.memory_space<hbm>>
        %dma_wait3A_41 = arith.constant 0 : i32
        %dma_wait3A_42 = tpu.memref_slice %arg8[%mul3A_34, %dma_wait3A_41] : memref<50000x32xf32, #tpu.memory_space<vmem_shared>> -> memref<1000x32xf32, #tpu.memory_space<vmem_shared>>
        tpu.wait_dma2 semaphore(%run_scoped3A : memref<!tpu.dma_semaphore, #tpu.memory_space<semaphore_mem>>) src(%dma_wait3A_42 : memref<1000x32xf32, #tpu.memory_space<vmem_shared>>) dst(%dma_wait3A_40 : memref<1000x32xf32, #tpu.memory_space<hbm>>)
        tpu.yield
      }) : () -> ()
    } else {
    }
    %add3A_27 = arith.constant 48 : i32
    %add3A_28 = arith.addi %add3A_27, %arg1 : i32
    %lt3A_29 = arith.constant 50 : i32
    %lt3A_30 = arith.cmpi slt, %add3A_28, %lt3A_29 : i32
    %convert_element_type3A_31 = arith.extui %lt3A_30 : i1 to i32
    %cond3A_32 = arith.constant 0 : i32
    %cond3A_33 = arith.cmpi ne, %convert_element_type3A_31, %cond3A_32 : i32
    scf.if %cond3A_33 {
      %mul3A = arith.constant 1000 : i32
      %mul3A_34 = arith.muli %add3A_28, %mul3A : i32
      "tpu.region"() ({
        %run_scoped3A = tpu.sem_alloc : memref<!tpu.dma_semaphore, #tpu.memory_space<semaphore_mem>>
        %dma_start3A = arith.constant 0 : i32
        %dma_start3A_35 = tpu.memref_slice %arg5[%arg0, %mul3A_34, %dma_start3A] : memref<2x50000x32xf32, #tpu.memory_space<hbm>> -> memref<1x1000x32xf32, #tpu.memory_space<hbm>>
        %dma_start3A_36 = tpu.memref_squeeze %dma_start3A_35 : memref<1x1000x32xf32, #tpu.memory_space<hbm>> -> memref<1000x32xf32, #tpu.memory_space<hbm>>
        %dma_start3A_37 = arith.constant 0 : i32
        %dma_start3A_38 = tpu.memref_slice %arg8[%mul3A_34, %dma_start3A_37] : memref<50000x32xf32, #tpu.memory_space<vmem_shared>> -> memref<1000x32xf32, #tpu.memory_space<vmem_shared>>
        tpu.enqueue_dma source(%dma_start3A_38 : memref<1000x32xf32, #tpu.memory_space<vmem_shared>>) target(%dma_start3A_36 : memref<1000x32xf32, #tpu.memory_space<hbm>>) target_semaphore(%run_scoped3A : memref<!tpu.dma_semaphore, #tpu.memory_space<semaphore_mem>>)
        %dma_wait3A = arith.constant 0 : i32
        %dma_wait3A_39 = tpu.memref_slice %arg5[%arg0, %mul3A_34, %dma_wait3A] : memref<2x50000x32xf32, #tpu.memory_space<hbm>> -> memref<1x1000x32xf32, #tpu.memory_space<hbm>>
        %dma_wait3A_40 = tpu.memref_squeeze %dma_wait3A_39 : memref<1x1000x32xf32, #tpu.memory_space<hbm>> -> memref<1000x32xf32, #tpu.memory_space<hbm>>
        %dma_wait3A_41 = arith.constant 0 : i32
        %dma_wait3A_42 = tpu.memref_slice %arg8[%mul3A_34, %dma_wait3A_41] : memref<50000x32xf32, #tpu.memory_space<vmem_shared>> -> memref<1000x32xf32, #tpu.memory_space<vmem_shared>>
        tpu.wait_dma2 semaphore(%run_scoped3A : memref<!tpu.dma_semaphore, #tpu.memory_space<semaphore_mem>>) src(%dma_wait3A_42 : memref<1000x32xf32, #tpu.memory_space<vmem_shared>>) dst(%dma_wait3A_40 : memref<1000x32xf32, #tpu.memory_space<hbm>>)
        tpu.yield
      }) : () -> ()
    } else {
    }
    return
  }
}

#map = affine_map<(d0, d1) -> (0, 0, 0)>
#map1 = affine_map<(d0, d1) -> (0)>
#map2 = affine_map<(d0, d1) -> (0, 0)>
module attributes {stable_mosaic.version = 14 : i64} {
  func.func @_sc_gather(%arg0: i32, %arg1: i32, %arg2: memref<2x50000x32xf32, #tpu.memory_space<hbm>>, %arg3: memref<800000xi32, #tpu.memory_space<hbm>>, %arg4: memref<800000x128xf32, #tpu.memory_space<hbm>>, %arg5: memref<800xi32, #tpu.memory_space<vmem>>, %arg6: memref<800x32xf32, #tpu.memory_space<vmem>>, %arg7: memref<!tpu.dma_semaphore, #tpu.memory_space<semaphore_mem>>) attributes {dimension_semantics = [#tpu.dimension_semantics<core_parallel>, #tpu.dimension_semantics<subcore_parallel>], iteration_bounds = array<i64: 2, 16>, scalar_prefetch = 0 : i64, scratch_operands = 3 : i64, tpu.core_type = #tpu.core_type<sc_vector_subcore>, window_params = [{transform_indices = #map}, {transform_indices = #map1}, {transform_indices = #map2}]} {
    %scan3A = arith.constant 0 : i32
    %scan3A_0 = arith.constant 0 : i32
    %scan3A_1 = arith.constant 63 : i32
    %scan3A_2 = arith.addi %scan3A_0, %scan3A_1 : i32
    %scan3A_3 = arith.constant 1 : i32
    scf.for %scan3A_5 = %scan3A_0 to %scan3A_2 step %scan3A_3  : i32 {
      %mul3A = arith.constant 16 : i32
      %mul3A_6 = arith.muli %scan3A_5, %mul3A : i32
      %add3A = arith.addi %mul3A_6, %arg1 : i32
      %lt3A = arith.constant 1000 : i32
      %lt3A_7 = arith.cmpi slt, %add3A, %lt3A : i32
      %convert_element_type3A = arith.extui %lt3A_7 : i1 to i32
      %cond3A = arith.constant 0 : i32
      %cond3A_8 = arith.cmpi ne, %convert_element_type3A, %cond3A : i32
      scf.if %cond3A_8 {
        %mul3A_9 = arith.constant 800 : i32
        %mul3A_10 = arith.muli %add3A, %mul3A_9 : i32
        "tpu.region"() ({
          %run_scoped3A = tpu.sem_alloc : memref<!tpu.dma_semaphore, #tpu.memory_space<semaphore_mem>>
          %dma_start3A_25 = tpu.memref_slice %arg3[%mul3A_10] : memref<800000xi32, #tpu.memory_space<hbm>> -> memref<800xi32, #tpu.memory_space<hbm>>
          %dma_start3A_26 = tpu.memref_slice %arg3[%mul3A_10] : memref<800000xi32, #tpu.memory_space<hbm>> -> memref<800xi32, #tpu.memory_space<hbm>>
          tpu.enqueue_dma source(%dma_start3A_26 : memref<800xi32, #tpu.memory_space<hbm>>) target(%arg5 : memref<800xi32, #tpu.memory_space<vmem>>) target_semaphore(%run_scoped3A : memref<!tpu.dma_semaphore, #tpu.memory_space<semaphore_mem>>)
          %dma_wait3A_27 = tpu.memref_slice %arg3[%mul3A_10] : memref<800000xi32, #tpu.memory_space<hbm>> -> memref<800xi32, #tpu.memory_space<hbm>>
          %dma_wait3A_28 = tpu.memref_slice %arg3[%mul3A_10] : memref<800000xi32, #tpu.memory_space<hbm>> -> memref<800xi32, #tpu.memory_space<hbm>>
          tpu.wait_dma2 semaphore(%run_scoped3A : memref<!tpu.dma_semaphore, #tpu.memory_space<semaphore_mem>>) src(%dma_wait3A_28 : memref<800xi32, #tpu.memory_space<hbm>>) dst(%arg5 : memref<800xi32, #tpu.memory_space<vmem>>)
          tpu.yield
        }) : () -> ()
        %dma_start3A = arith.constant 0 : i32
        %dma_start3A_11 = arith.constant 0 : i32
        %dma_start3A_12 = tpu.memref_slice %arg2[%arg0, %dma_start3A, %dma_start3A_11] : memref<2x50000x32xf32, #tpu.memory_space<hbm>> -> memref<1x50000x32xf32, #tpu.memory_space<hbm>>
        %dma_start3A_13 = tpu.memref_squeeze %dma_start3A_12 : memref<1x50000x32xf32, #tpu.memory_space<hbm>> -> memref<50000x32xf32, #tpu.memory_space<hbm>>
        %dma_start3A_14 = arith.constant 0 : i32
        %dma_start3A_15 = arith.constant 0 : i32
        %dma_start3A_16 = tpu.memref_slice %dma_start3A_13[%dma_start3A_14, %dma_start3A_15] : memref<50000x32xf32, #tpu.memory_space<hbm>> -> memref<50000x32xf32, #tpu.memory_space<hbm>>
        tpu.enqueue_indirect_dma source(%dma_start3A_16 : memref<50000x32xf32, #tpu.memory_space<hbm>>) target(%arg6 : memref<800x32xf32, #tpu.memory_space<vmem>>) offsets(%arg5 : memref<800xi32, #tpu.memory_space<vmem>>) semaphore(%arg7 : memref<!tpu.dma_semaphore, #tpu.memory_space<semaphore_mem>>)
        %dma_wait3A = arith.constant 0 : i32
        %dma_wait3A_17 = arith.constant 0 : i32
        %dma_wait3A_18 = tpu.memref_slice %arg2[%arg0, %dma_wait3A, %dma_wait3A_17] : memref<2x50000x32xf32, #tpu.memory_space<hbm>> -> memref<1x50000x32xf32, #tpu.memory_space<hbm>>
        %dma_wait3A_19 = tpu.memref_squeeze %dma_wait3A_18 : memref<1x50000x32xf32, #tpu.memory_space<hbm>> -> memref<50000x32xf32, #tpu.memory_space<hbm>>
        %dma_wait3A_20 = arith.constant 0 : i32
        %dma_wait3A_21 = arith.constant 0 : i32
        %dma_wait3A_22 = tpu.memref_slice %dma_wait3A_19[%dma_wait3A_20, %dma_wait3A_21] : memref<50000x32xf32, #tpu.memory_space<hbm>> -> memref<50000x32xf32, #tpu.memory_space<hbm>>
        tpu.wait_indirect_dma semaphore(%arg7 : memref<!tpu.dma_semaphore, #tpu.memory_space<semaphore_mem>>) src(%dma_wait3A_22 : memref<50000x32xf32, #tpu.memory_space<hbm>>) dst(%arg6 : memref<800x32xf32, #tpu.memory_space<vmem>>)
        %mul3A_23 = arith.constant 32 : i32
        %mul3A_24 = arith.muli %arg0, %mul3A_23 : i32
        "tpu.region"() ({
          %run_scoped3A = tpu.sem_alloc : memref<!tpu.dma_semaphore, #tpu.memory_space<semaphore_mem>>
          %dma_start3A_25 = tpu.memref_slice %arg4[%mul3A_10, %mul3A_24] : memref<800000x128xf32, #tpu.memory_space<hbm>> -> memref<800x32xf32, #tpu.memory_space<hbm>>
          %dma_start3A_26 = tpu.memref_slice %arg4[%mul3A_10, %mul3A_24] : memref<800000x128xf32, #tpu.memory_space<hbm>> -> memref<800x32xf32, #tpu.memory_space<hbm>>
          tpu.enqueue_dma source(%arg6 : memref<800x32xf32, #tpu.memory_space<vmem>>) target(%dma_start3A_26 : memref<800x32xf32, #tpu.memory_space<hbm>>) target_semaphore(%run_scoped3A : memref<!tpu.dma_semaphore, #tpu.memory_space<semaphore_mem>>)
          %dma_wait3A_27 = tpu.memref_slice %arg4[%mul3A_10, %mul3A_24] : memref<800000x128xf32, #tpu.memory_space<hbm>> -> memref<800x32xf32, #tpu.memory_space<hbm>>
          %dma_wait3A_28 = tpu.memref_slice %arg4[%mul3A_10, %mul3A_24] : memref<800000x128xf32, #tpu.memory_space<hbm>> -> memref<800x32xf32, #tpu.memory_space<hbm>>
          tpu.wait_dma2 semaphore(%run_scoped3A : memref<!tpu.dma_semaphore, #tpu.memory_space<semaphore_mem>>) src(%arg6 : memref<800x32xf32, #tpu.memory_space<vmem>>) dst(%dma_wait3A_28 : memref<800x32xf32, #tpu.memory_space<hbm>>)
          tpu.yield
        }) : () -> ()
      } else {
      }
    }
    %scan3A_4 = arith.constant 63 : i32
    return
  }
}

#map = affine_map<(d0, d1) -> (0, 0, 0)>
#map1 = affine_map<(d0, d1) -> (0)>
#map2 = affine_map<(d0, d1) -> (0, 0)>
module attributes {stable_mosaic.version = 14 : i64} {
  func.func @_sc_gather(%arg0: i32, %arg1: i32, %arg2: memref<2x50000x32xf32, #tpu.memory_space<hbm>>, %arg3: memref<800000xi32, #tpu.memory_space<hbm>>, %arg4: memref<800000x128xf32, #tpu.memory_space<hbm>>, %arg5: memref<800xi32, #tpu.memory_space<vmem>>, %arg6: memref<800x32xf32, #tpu.memory_space<vmem>>, %arg7: memref<!tpu.dma_semaphore, #tpu.memory_space<semaphore_mem>>) attributes {dimension_semantics = [#tpu.dimension_semantics<core_parallel>, #tpu.dimension_semantics<subcore_parallel>], iteration_bounds = array<i64: 2, 16>, scalar_prefetch = 0 : i64, scratch_operands = 3 : i64, tpu.core_type = #tpu.core_type<sc_vector_subcore>, window_params = [{transform_indices = #map}, {transform_indices = #map1}, {transform_indices = #map2}]} {
    %scan3A = arith.constant 0 : i32
    %scan3A_0 = arith.constant 0 : i32
    %scan3A_1 = arith.constant 63 : i32
    %scan3A_2 = arith.addi %scan3A_0, %scan3A_1 : i32
    %scan3A_3 = arith.constant 1 : i32
    scf.for %scan3A_5 = %scan3A_0 to %scan3A_2 step %scan3A_3  : i32 {
      %mul3A = arith.constant 16 : i32
      %mul3A_6 = arith.muli %scan3A_5, %mul3A : i32
      %add3A = arith.addi %mul3A_6, %arg1 : i32
      %lt3A = arith.constant 1000 : i32
      %lt3A_7 = arith.cmpi slt, %add3A, %lt3A : i32
      %convert_element_type3A = arith.extui %lt3A_7 : i1 to i32
      %cond3A = arith.constant 0 : i32
      %cond3A_8 = arith.cmpi ne, %convert_element_type3A, %cond3A : i32
      scf.if %cond3A_8 {
        %mul3A_9 = arith.constant 800 : i32
        %mul3A_10 = arith.muli %add3A, %mul3A_9 : i32
        "tpu.region"() ({
          %run_scoped3A = tpu.sem_alloc : memref<!tpu.dma_semaphore, #tpu.memory_space<semaphore_mem>>
          %dma_start3A_25 = tpu.memref_slice %arg3[%mul3A_10] : memref<800000xi32, #tpu.memory_space<hbm>> -> memref<800xi32, #tpu.memory_space<hbm>>
          %dma_start3A_26 = tpu.memref_slice %arg3[%mul3A_10] : memref<800000xi32, #tpu.memory_space<hbm>> -> memref<800xi32, #tpu.memory_space<hbm>>
          tpu.enqueue_dma source(%dma_start3A_26 : memref<800xi32, #tpu.memory_space<hbm>>) target(%arg5 : memref<800xi32, #tpu.memory_space<vmem>>) target_semaphore(%run_scoped3A : memref<!tpu.dma_semaphore, #tpu.memory_space<semaphore_mem>>)
          %dma_wait3A_27 = tpu.memref_slice %arg3[%mul3A_10] : memref<800000xi32, #tpu.memory_space<hbm>> -> memref<800xi32, #tpu.memory_space<hbm>>
          %dma_wait3A_28 = tpu.memref_slice %arg3[%mul3A_10] : memref<800000xi32, #tpu.memory_space<hbm>> -> memref<800xi32, #tpu.memory_space<hbm>>
          tpu.wait_dma2 semaphore(%run_scoped3A : memref<!tpu.dma_semaphore, #tpu.memory_space<semaphore_mem>>) src(%dma_wait3A_28 : memref<800xi32, #tpu.memory_space<hbm>>) dst(%arg5 : memref<800xi32, #tpu.memory_space<vmem>>)
          tpu.yield
        }) : () -> ()
        %dma_start3A = arith.constant 0 : i32
        %dma_start3A_11 = arith.constant 0 : i32
        %dma_start3A_12 = tpu.memref_slice %arg2[%arg0, %dma_start3A, %dma_start3A_11] : memref<2x50000x32xf32, #tpu.memory_space<hbm>> -> memref<1x50000x32xf32, #tpu.memory_space<hbm>>
        %dma_start3A_13 = tpu.memref_squeeze %dma_start3A_12 : memref<1x50000x32xf32, #tpu.memory_space<hbm>> -> memref<50000x32xf32, #tpu.memory_space<hbm>>
        %dma_start3A_14 = arith.constant 0 : i32
        %dma_start3A_15 = arith.constant 0 : i32
        %dma_start3A_16 = tpu.memref_slice %dma_start3A_13[%dma_start3A_14, %dma_start3A_15] : memref<50000x32xf32, #tpu.memory_space<hbm>> -> memref<50000x32xf32, #tpu.memory_space<hbm>>
        tpu.enqueue_indirect_dma source(%dma_start3A_16 : memref<50000x32xf32, #tpu.memory_space<hbm>>) target(%arg6 : memref<800x32xf32, #tpu.memory_space<vmem>>) offsets(%arg5 : memref<800xi32, #tpu.memory_space<vmem>>) semaphore(%arg7 : memref<!tpu.dma_semaphore, #tpu.memory_space<semaphore_mem>>)
        %dma_wait3A = arith.constant 0 : i32
        %dma_wait3A_17 = arith.constant 0 : i32
        %dma_wait3A_18 = tpu.memref_slice %arg2[%arg0, %dma_wait3A, %dma_wait3A_17] : memref<2x50000x32xf32, #tpu.memory_space<hbm>> -> memref<1x50000x32xf32, #tpu.memory_space<hbm>>
        %dma_wait3A_19 = tpu.memref_squeeze %dma_wait3A_18 : memref<1x50000x32xf32, #tpu.memory_space<hbm>> -> memref<50000x32xf32, #tpu.memory_space<hbm>>
        %dma_wait3A_20 = arith.constant 0 : i32
        %dma_wait3A_21 = arith.constant 0 : i32
        %dma_wait3A_22 = tpu.memref_slice %dma_wait3A_19[%dma_wait3A_20, %dma_wait3A_21] : memref<50000x32xf32, #tpu.memory_space<hbm>> -> memref<50000x32xf32, #tpu.memory_space<hbm>>
        tpu.wait_indirect_dma semaphore(%arg7 : memref<!tpu.dma_semaphore, #tpu.memory_space<semaphore_mem>>) src(%dma_wait3A_22 : memref<50000x32xf32, #tpu.memory_space<hbm>>) dst(%arg6 : memref<800x32xf32, #tpu.memory_space<vmem>>)
        %mul3A_23 = arith.constant 32 : i32
        %mul3A_24 = arith.muli %arg0, %mul3A_23 : i32
        "tpu.region"() ({
          %run_scoped3A = tpu.sem_alloc : memref<!tpu.dma_semaphore, #tpu.memory_space<semaphore_mem>>
          %dma_start3A_25 = tpu.memref_slice %arg4[%mul3A_10, %mul3A_24] : memref<800000x128xf32, #tpu.memory_space<hbm>> -> memref<800x32xf32, #tpu.memory_space<hbm>>
          %dma_start3A_26 = tpu.memref_slice %arg4[%mul3A_10, %mul3A_24] : memref<800000x128xf32, #tpu.memory_space<hbm>> -> memref<800x32xf32, #tpu.memory_space<hbm>>
          tpu.enqueue_dma source(%arg6 : memref<800x32xf32, #tpu.memory_space<vmem>>) target(%dma_start3A_26 : memref<800x32xf32, #tpu.memory_space<hbm>>) target_semaphore(%run_scoped3A : memref<!tpu.dma_semaphore, #tpu.memory_space<semaphore_mem>>)
          %dma_wait3A_27 = tpu.memref_slice %arg4[%mul3A_10, %mul3A_24] : memref<800000x128xf32, #tpu.memory_space<hbm>> -> memref<800x32xf32, #tpu.memory_space<hbm>>
          %dma_wait3A_28 = tpu.memref_slice %arg4[%mul3A_10, %mul3A_24] : memref<800000x128xf32, #tpu.memory_space<hbm>> -> memref<800x32xf32, #tpu.memory_space<hbm>>
          tpu.wait_dma2 semaphore(%run_scoped3A : memref<!tpu.dma_semaphore, #tpu.memory_space<semaphore_mem>>) src(%arg6 : memref<800x32xf32, #tpu.memory_space<vmem>>) dst(%dma_wait3A_28 : memref<800x32xf32, #tpu.memory_space<hbm>>)
          tpu.yield
        }) : () -> ()
      } else {
      }
    }
    %scan3A_4 = arith.constant 63 : i32
    return
  }
}

#map = affine_map<(d0, d1) -> (0, 0)>
#map1 = affine_map<(d0, d1) -> (0)>
#map2 = affine_map<(d0, d1) -> (0, 0, 0)>
module attributes {stable_mosaic.version = 14 : i64} {
  func.func @_sc_scatter_add(%arg0: i32, %arg1: i32, %arg2: memref<800000x128xf32, #tpu.memory_space<hbm>>, %arg3: memref<800000xi32, #tpu.memory_space<hbm>>, %arg4: memref<2x50000x32xf32, #tpu.memory_space<hbm>>, %arg5: memref<2x50000x32xf32, #tpu.memory_space<hbm>>, %arg6: memref<800xi32, #tpu.memory_space<vmem>>, %arg7: memref<800x32xf32, #tpu.memory_space<vmem>>, %arg8: memref<50000x32xf32, #tpu.memory_space<vmem_shared>>) attributes {dimension_semantics = [#tpu.dimension_semantics<core_parallel>, #tpu.dimension_semantics<subcore_parallel>], iteration_bounds = array<i64: 2, 16>, scalar_prefetch = 0 : i64, scratch_operands = 3 : i64, tpu.core_type = #tpu.core_type<sc_vector_subcore>, window_params = [{transform_indices = #map}, {transform_indices = #map1}, {transform_indices = #map2}, {transform_indices = #map2}]} {
    %eq3A = arith.constant 0 : i32
    %eq3A_0 = arith.cmpi eq, %arg1, %eq3A : i32
    %convert_element_type3A = arith.extui %eq3A_0 : i1 to i32
    %cond3A = arith.constant 0 : i32
    %cond3A_1 = arith.cmpi ne, %convert_element_type3A, %cond3A : i32
    scf.if %cond3A_1 {
      "tpu.region"() ({
        %run_scoped3A = tpu.sem_alloc : memref<!tpu.dma_semaphore, #tpu.memory_space<semaphore_mem>>
        %dma_start3A = arith.constant 0 : i32
        %dma_start3A_34 = arith.constant 0 : i32
        %dma_start3A_35 = tpu.memref_slice %arg4[%arg0, %dma_start3A, %dma_start3A_34] : memref<2x50000x32xf32, #tpu.memory_space<hbm>> -> memref<1x50000x32xf32, #tpu.memory_space<hbm>>
        %dma_start3A_36 = tpu.memref_squeeze %dma_start3A_35 : memref<1x50000x32xf32, #tpu.memory_space<hbm>> -> memref<50000x32xf32, #tpu.memory_space<hbm>>
        tpu.enqueue_dma source(%dma_start3A_36 : memref<50000x32xf32, #tpu.memory_space<hbm>>) target(%arg8 : memref<50000x32xf32, #tpu.memory_space<vmem_shared>>) target_semaphore(%run_scoped3A : memref<!tpu.dma_semaphore, #tpu.memory_space<semaphore_mem>>)
        %dma_wait3A = arith.constant 0 : i32
        %dma_wait3A_37 = arith.constant 0 : i32
        %dma_wait3A_38 = tpu.memref_slice %arg4[%arg0, %dma_wait3A, %dma_wait3A_37] : memref<2x50000x32xf32, #tpu.memory_space<hbm>> -> memref<1x50000x32xf32, #tpu.memory_space<hbm>>
        %dma_wait3A_39 = tpu.memref_squeeze %dma_wait3A_38 : memref<1x50000x32xf32, #tpu.memory_space<hbm>> -> memref<50000x32xf32, #tpu.memory_space<hbm>>
        tpu.wait_dma2 semaphore(%run_scoped3A : memref<!tpu.dma_semaphore, #tpu.memory_space<semaphore_mem>>) src(%dma_wait3A_39 : memref<50000x32xf32, #tpu.memory_space<hbm>>) dst(%arg8 : memref<50000x32xf32, #tpu.memory_space<vmem_shared>>)
        tpu.yield
      }) : () -> ()
    } else {
    }
    %barrier3A = arith.constant 0 : index
    tpu.barrier barrier_id(%barrier3A)
    %scan3A = arith.constant 0 : i32
    %scan3A_2 = arith.constant 0 : i32
    %scan3A_3 = arith.constant 63 : i32
    %scan3A_4 = arith.addi %scan3A_2, %scan3A_3 : i32
    %scan3A_5 = arith.constant 1 : i32
    scf.for %scan3A_34 = %scan3A_2 to %scan3A_4 step %scan3A_5  : i32 {
      %mul3A = arith.constant 16 : i32
      %mul3A_35 = arith.muli %scan3A_34, %mul3A : i32
      %add3A_36 = arith.addi %mul3A_35, %arg1 : i32
      %lt3A_37 = arith.constant 1000 : i32
      %lt3A_38 = arith.cmpi slt, %add3A_36, %lt3A_37 : i32
      %convert_element_type3A_39 = arith.extui %lt3A_38 : i1 to i32
      %cond3A_40 = arith.constant 0 : i32
      %cond3A_41 = arith.cmpi ne, %convert_element_type3A_39, %cond3A_40 : i32
      scf.if %cond3A_41 {
        %mul3A_42 = arith.constant 800 : i32
        %mul3A_43 = arith.muli %add3A_36, %mul3A_42 : i32
        "tpu.region"() ({
          %run_scoped3A = tpu.sem_alloc : memref<!tpu.dma_semaphore, #tpu.memory_space<semaphore_mem>>
          %dma_start3A = tpu.memref_slice %arg3[%mul3A_43] : memref<800000xi32, #tpu.memory_space<hbm>> -> memref<800xi32, #tpu.memory_space<hbm>>
          %dma_start3A_46 = tpu.memref_slice %arg3[%mul3A_43] : memref<800000xi32, #tpu.memory_space<hbm>> -> memref<800xi32, #tpu.memory_space<hbm>>
          tpu.enqueue_dma source(%dma_start3A_46 : memref<800xi32, #tpu.memory_space<hbm>>) target(%arg6 : memref<800xi32, #tpu.memory_space<vmem>>) target_semaphore(%run_scoped3A : memref<!tpu.dma_semaphore, #tpu.memory_space<semaphore_mem>>)
          %dma_wait3A = tpu.memref_slice %arg3[%mul3A_43] : memref<800000xi32, #tpu.memory_space<hbm>> -> memref<800xi32, #tpu.memory_space<hbm>>
          %dma_wait3A_47 = tpu.memref_slice %arg3[%mul3A_43] : memref<800000xi32, #tpu.memory_space<hbm>> -> memref<800xi32, #tpu.memory_space<hbm>>
          tpu.wait_dma2 semaphore(%run_scoped3A : memref<!tpu.dma_semaphore, #tpu.memory_space<semaphore_mem>>) src(%dma_wait3A_47 : memref<800xi32, #tpu.memory_space<hbm>>) dst(%arg6 : memref<800xi32, #tpu.memory_space<vmem>>)
          tpu.yield
        }) : () -> ()
        %mul3A_44 = arith.constant 32 : i32
        %mul3A_45 = arith.muli %arg0, %mul3A_44 : i32
        "tpu.region"() ({
          %run_scoped3A = tpu.sem_alloc : memref<!tpu.dma_semaphore, #tpu.memory_space<semaphore_mem>>
          %dma_start3A = tpu.memref_slice %arg2[%mul3A_43, %mul3A_45] : memref<800000x128xf32, #tpu.memory_space<hbm>> -> memref<800x32xf32, #tpu.memory_space<hbm>>
          %dma_start3A_46 = tpu.memref_slice %arg2[%mul3A_43, %mul3A_45] : memref<800000x128xf32, #tpu.memory_space<hbm>> -> memref<800x32xf32, #tpu.memory_space<hbm>>
          tpu.enqueue_dma source(%dma_start3A_46 : memref<800x32xf32, #tpu.memory_space<hbm>>) target(%arg7 : memref<800x32xf32, #tpu.memory_space<vmem>>) target_semaphore(%run_scoped3A : memref<!tpu.dma_semaphore, #tpu.memory_space<semaphore_mem>>)
          %dma_wait3A = tpu.memref_slice %arg2[%mul3A_43, %mul3A_45] : memref<800000x128xf32, #tpu.memory_space<hbm>> -> memref<800x32xf32, #tpu.memory_space<hbm>>
          %dma_wait3A_47 = tpu.memref_slice %arg2[%mul3A_43, %mul3A_45] : memref<800000x128xf32, #tpu.memory_space<hbm>> -> memref<800x32xf32, #tpu.memory_space<hbm>>
          tpu.wait_dma2 semaphore(%run_scoped3A : memref<!tpu.dma_semaphore, #tpu.memory_space<semaphore_mem>>) src(%dma_wait3A_47 : memref<800x32xf32, #tpu.memory_space<hbm>>) dst(%arg7 : memref<800x32xf32, #tpu.memory_space<vmem>>)
          tpu.yield
        }) : () -> ()
        "tpu.region"() ({
          %run_scoped3A = tpu.sem_alloc : memref<!tpu.dma_semaphore, #tpu.memory_space<semaphore_mem>>
          %dma_start3A = arith.constant 0 : i32
          %dma_start3A_46 = arith.constant 0 : i32
          %dma_start3A_47 = tpu.memref_slice %arg8[%dma_start3A, %dma_start3A_46] : memref<50000x32xf32, #tpu.memory_space<vmem_shared>> -> memref<50000x32xf32, #tpu.memory_space<vmem_shared>>
          tpu.enqueue_indirect_dma source(%arg7 : memref<800x32xf32, #tpu.memory_space<vmem>>) target(%dma_start3A_47 : memref<50000x32xf32, #tpu.memory_space<vmem_shared>>) offsets(%arg6 : memref<800xi32, #tpu.memory_space<vmem>>) semaphore(%run_scoped3A : memref<!tpu.dma_semaphore, #tpu.memory_space<semaphore_mem>>) {add = true}
          %dma_wait3A = arith.constant 0 : i32
          %dma_wait3A_48 = arith.constant 0 : i32
          %dma_wait3A_49 = tpu.memref_slice %arg8[%dma_wait3A, %dma_wait3A_48] : memref<50000x32xf32, #tpu.memory_space<vmem_shared>> -> memref<50000x32xf32, #tpu.memory_space<vmem_shared>>
          tpu.wait_indirect_dma semaphore(%run_scoped3A : memref<!tpu.dma_semaphore, #tpu.memory_space<semaphore_mem>>) src(%arg7 : memref<800x32xf32, #tpu.memory_space<vmem>>) dst(%dma_wait3A_49 : memref<50000x32xf32, #tpu.memory_space<vmem_shared>>)
          tpu.yield
        }) : () -> ()
      } else {
      }
    }
    %scan3A_6 = arith.constant 63 : i32
    %barrier3A_7 = arith.constant 0 : index
    tpu.barrier barrier_id(%barrier3A_7)
    %add3A = arith.constant 0 : i32
    %add3A_8 = arith.addi %add3A, %arg1 : i32
    %lt3A = arith.constant 50 : i32
    %lt3A_9 = arith.cmpi slt, %add3A_8, %lt3A : i32
    %convert_element_type3A_10 = arith.extui %lt3A_9 : i1 to i32
    %cond3A_11 = arith.constant 0 : i32
    %cond3A_12 = arith.cmpi ne, %convert_element_type3A_10, %cond3A_11 : i32
    scf.if %cond3A_12 {
      %mul3A = arith.constant 1000 : i32
      %mul3A_34 = arith.muli %add3A_8, %mul3A : i32
      "tpu.region"() ({
        %run_scoped3A = tpu.sem_alloc : memref<!tpu.dma_semaphore, #tpu.memory_space<semaphore_mem>>
        %dma_start3A = arith.constant 0 : i32
        %dma_start3A_35 = tpu.memref_slice %arg5[%arg0, %mul3A_34, %dma_start3A] : memref<2x50000x32xf32, #tpu.memory_space<hbm>> -> memref<1x1000x32xf32, #tpu.memory_space<hbm>>
        %dma_start3A_36 = tpu.memref_squeeze %dma_start3A_35 : memref<1x1000x32xf32, #tpu.memory_space<hbm>> -> memref<1000x32xf32, #tpu.memory_space<hbm>>
        %dma_start3A_37 = arith.constant 0 : i32
        %dma_start3A_38 = tpu.memref_slice %arg8[%mul3A_34, %dma_start3A_37] : memref<50000x32xf32, #tpu.memory_space<vmem_shared>> -> memref<1000x32xf32, #tpu.memory_space<vmem_shared>>
        tpu.enqueue_dma source(%dma_start3A_38 : memref<1000x32xf32, #tpu.memory_space<vmem_shared>>) target(%dma_start3A_36 : memref<1000x32xf32, #tpu.memory_space<hbm>>) target_semaphore(%run_scoped3A : memref<!tpu.dma_semaphore, #tpu.memory_space<semaphore_mem>>)
        %dma_wait3A = arith.constant 0 : i32
        %dma_wait3A_39 = tpu.memref_slice %arg5[%arg0, %mul3A_34, %dma_wait3A] : memref<2x50000x32xf32, #tpu.memory_space<hbm>> -> memref<1x1000x32xf32, #tpu.memory_space<hbm>>
        %dma_wait3A_40 = tpu.memref_squeeze %dma_wait3A_39 : memref<1x1000x32xf32, #tpu.memory_space<hbm>> -> memref<1000x32xf32, #tpu.memory_space<hbm>>
        %dma_wait3A_41 = arith.constant 0 : i32
        %dma_wait3A_42 = tpu.memref_slice %arg8[%mul3A_34, %dma_wait3A_41] : memref<50000x32xf32, #tpu.memory_space<vmem_shared>> -> memref<1000x32xf32, #tpu.memory_space<vmem_shared>>
        tpu.wait_dma2 semaphore(%run_scoped3A : memref<!tpu.dma_semaphore, #tpu.memory_space<semaphore_mem>>) src(%dma_wait3A_42 : memref<1000x32xf32, #tpu.memory_space<vmem_shared>>) dst(%dma_wait3A_40 : memref<1000x32xf32, #tpu.memory_space<hbm>>)
        tpu.yield
      }) : () -> ()
    } else {
    }
    %add3A_13 = arith.constant 16 : i32
    %add3A_14 = arith.addi %add3A_13, %arg1 : i32
    %lt3A_15 = arith.constant 50 : i32
    %lt3A_16 = arith.cmpi slt, %add3A_14, %lt3A_15 : i32
    %convert_element_type3A_17 = arith.extui %lt3A_16 : i1 to i32
    %cond3A_18 = arith.constant 0 : i32
    %cond3A_19 = arith.cmpi ne, %convert_element_type3A_17, %cond3A_18 : i32
    scf.if %cond3A_19 {
      %mul3A = arith.constant 1000 : i32
      %mul3A_34 = arith.muli %add3A_14, %mul3A : i32
      "tpu.region"() ({
        %run_scoped3A = tpu.sem_alloc : memref<!tpu.dma_semaphore, #tpu.memory_space<semaphore_mem>>
        %dma_start3A = arith.constant 0 : i32
        %dma_start3A_35 = tpu.memref_slice %arg5[%arg0, %mul3A_34, %dma_start3A] : memref<2x50000x32xf32, #tpu.memory_space<hbm>> -> memref<1x1000x32xf32, #tpu.memory_space<hbm>>
        %dma_start3A_36 = tpu.memref_squeeze %dma_start3A_35 : memref<1x1000x32xf32, #tpu.memory_space<hbm>> -> memref<1000x32xf32, #tpu.memory_space<hbm>>
        %dma_start3A_37 = arith.constant 0 : i32
        %dma_start3A_38 = tpu.memref_slice %arg8[%mul3A_34, %dma_start3A_37] : memref<50000x32xf32, #tpu.memory_space<vmem_shared>> -> memref<1000x32xf32, #tpu.memory_space<vmem_shared>>
        tpu.enqueue_dma source(%dma_start3A_38 : memref<1000x32xf32, #tpu.memory_space<vmem_shared>>) target(%dma_start3A_36 : memref<1000x32xf32, #tpu.memory_space<hbm>>) target_semaphore(%run_scoped3A : memref<!tpu.dma_semaphore, #tpu.memory_space<semaphore_mem>>)
        %dma_wait3A = arith.constant 0 : i32
        %dma_wait3A_39 = tpu.memref_slice %arg5[%arg0, %mul3A_34, %dma_wait3A] : memref<2x50000x32xf32, #tpu.memory_space<hbm>> -> memref<1x1000x32xf32, #tpu.memory_space<hbm>>
        %dma_wait3A_40 = tpu.memref_squeeze %dma_wait3A_39 : memref<1x1000x32xf32, #tpu.memory_space<hbm>> -> memref<1000x32xf32, #tpu.memory_space<hbm>>
        %dma_wait3A_41 = arith.constant 0 : i32
        %dma_wait3A_42 = tpu.memref_slice %arg8[%mul3A_34, %dma_wait3A_41] : memref<50000x32xf32, #tpu.memory_space<vmem_shared>> -> memref<1000x32xf32, #tpu.memory_space<vmem_shared>>
        tpu.wait_dma2 semaphore(%run_scoped3A : memref<!tpu.dma_semaphore, #tpu.memory_space<semaphore_mem>>) src(%dma_wait3A_42 : memref<1000x32xf32, #tpu.memory_space<vmem_shared>>) dst(%dma_wait3A_40 : memref<1000x32xf32, #tpu.memory_space<hbm>>)
        tpu.yield
      }) : () -> ()
    } else {
    }
    %add3A_20 = arith.constant 32 : i32
    %add3A_21 = arith.addi %add3A_20, %arg1 : i32
    %lt3A_22 = arith.constant 50 : i32
    %lt3A_23 = arith.cmpi slt, %add3A_21, %lt3A_22 : i32
    %convert_element_type3A_24 = arith.extui %lt3A_23 : i1 to i32
    %cond3A_25 = arith.constant 0 : i32
    %cond3A_26 = arith.cmpi ne, %convert_element_type3A_24, %cond3A_25 : i32
    scf.if %cond3A_26 {
      %mul3A = arith.constant 1000 : i32
      %mul3A_34 = arith.muli %add3A_21, %mul3A : i32
      "tpu.region"() ({
        %run_scoped3A = tpu.sem_alloc : memref<!tpu.dma_semaphore, #tpu.memory_space<semaphore_mem>>
        %dma_start3A = arith.constant 0 : i32
        %dma_start3A_35 = tpu.memref_slice %arg5[%arg0, %mul3A_34, %dma_start3A] : memref<2x50000x32xf32, #tpu.memory_space<hbm>> -> memref<1x1000x32xf32, #tpu.memory_space<hbm>>
        %dma_start3A_36 = tpu.memref_squeeze %dma_start3A_35 : memref<1x1000x32xf32, #tpu.memory_space<hbm>> -> memref<1000x32xf32, #tpu.memory_space<hbm>>
        %dma_start3A_37 = arith.constant 0 : i32
        %dma_start3A_38 = tpu.memref_slice %arg8[%mul3A_34, %dma_start3A_37] : memref<50000x32xf32, #tpu.memory_space<vmem_shared>> -> memref<1000x32xf32, #tpu.memory_space<vmem_shared>>
        tpu.enqueue_dma source(%dma_start3A_38 : memref<1000x32xf32, #tpu.memory_space<vmem_shared>>) target(%dma_start3A_36 : memref<1000x32xf32, #tpu.memory_space<hbm>>) target_semaphore(%run_scoped3A : memref<!tpu.dma_semaphore, #tpu.memory_space<semaphore_mem>>)
        %dma_wait3A = arith.constant 0 : i32
        %dma_wait3A_39 = tpu.memref_slice %arg5[%arg0, %mul3A_34, %dma_wait3A] : memref<2x50000x32xf32, #tpu.memory_space<hbm>> -> memref<1x1000x32xf32, #tpu.memory_space<hbm>>
        %dma_wait3A_40 = tpu.memref_squeeze %dma_wait3A_39 : memref<1x1000x32xf32, #tpu.memory_space<hbm>> -> memref<1000x32xf32, #tpu.memory_space<hbm>>
        %dma_wait3A_41 = arith.constant 0 : i32
        %dma_wait3A_42 = tpu.memref_slice %arg8[%mul3A_34, %dma_wait3A_41] : memref<50000x32xf32, #tpu.memory_space<vmem_shared>> -> memref<1000x32xf32, #tpu.memory_space<vmem_shared>>
        tpu.wait_dma2 semaphore(%run_scoped3A : memref<!tpu.dma_semaphore, #tpu.memory_space<semaphore_mem>>) src(%dma_wait3A_42 : memref<1000x32xf32, #tpu.memory_space<vmem_shared>>) dst(%dma_wait3A_40 : memref<1000x32xf32, #tpu.memory_space<hbm>>)
        tpu.yield
      }) : () -> ()
    } else {
    }
    %add3A_27 = arith.constant 48 : i32
    %add3A_28 = arith.addi %add3A_27, %arg1 : i32
    %lt3A_29 = arith.constant 50 : i32
    %lt3A_30 = arith.cmpi slt, %add3A_28, %lt3A_29 : i32
    %convert_element_type3A_31 = arith.extui %lt3A_30 : i1 to i32
    %cond3A_32 = arith.constant 0 : i32
    %cond3A_33 = arith.cmpi ne, %convert_element_type3A_31, %cond3A_32 : i32
    scf.if %cond3A_33 {
      %mul3A = arith.constant 1000 : i32
      %mul3A_34 = arith.muli %add3A_28, %mul3A : i32
      "tpu.region"() ({
        %run_scoped3A = tpu.sem_alloc : memref<!tpu.dma_semaphore, #tpu.memory_space<semaphore_mem>>
        %dma_start3A = arith.constant 0 : i32
        %dma_start3A_35 = tpu.memref_slice %arg5[%arg0, %mul3A_34, %dma_start3A] : memref<2x50000x32xf32, #tpu.memory_space<hbm>> -> memref<1x1000x32xf32, #tpu.memory_space<hbm>>
        %dma_start3A_36 = tpu.memref_squeeze %dma_start3A_35 : memref<1x1000x32xf32, #tpu.memory_space<hbm>> -> memref<1000x32xf32, #tpu.memory_space<hbm>>
        %dma_start3A_37 = arith.constant 0 : i32
        %dma_start3A_38 = tpu.memref_slice %arg8[%mul3A_34, %dma_start3A_37] : memref<50000x32xf32, #tpu.memory_space<vmem_shared>> -> memref<1000x32xf32, #tpu.memory_space<vmem_shared>>
        tpu.enqueue_dma source(%dma_start3A_38 : memref<1000x32xf32, #tpu.memory_space<vmem_shared>>) target(%dma_start3A_36 : memref<1000x32xf32, #tpu.memory_space<hbm>>) target_semaphore(%run_scoped3A : memref<!tpu.dma_semaphore, #tpu.memory_space<semaphore_mem>>)
        %dma_wait3A = arith.constant 0 : i32
        %dma_wait3A_39 = tpu.memref_slice %arg5[%arg0, %mul3A_34, %dma_wait3A] : memref<2x50000x32xf32, #tpu.memory_space<hbm>> -> memref<1x1000x32xf32, #tpu.memory_space<hbm>>
        %dma_wait3A_40 = tpu.memref_squeeze %dma_wait3A_39 : memref<1x1000x32xf32, #tpu.memory_space<hbm>> -> memref<1000x32xf32, #tpu.memory_space<hbm>>
        %dma_wait3A_41 = arith.constant 0 : i32
        %dma_wait3A_42 = tpu.memref_slice %arg8[%mul3A_34, %dma_wait3A_41] : memref<50000x32xf32, #tpu.memory_space<vmem_shared>> -> memref<1000x32xf32, #tpu.memory_space<vmem_shared>>
        tpu.wait_dma2 semaphore(%run_scoped3A : memref<!tpu.dma_semaphore, #tpu.memory_space<semaphore_mem>>) src(%dma_wait3A_42 : memref<1000x32xf32, #tpu.memory_space<vmem_shared>>) dst(%dma_wait3A_40 : memref<1000x32xf32, #tpu.memory_space<hbm>>)
        tpu.yield
      }) : () -> ()
    } else {
    }
    return
  }
}

#map = affine_map<(d0, d1) -> (0, 0, 0)>
#map1 = affine_map<(d0, d1) -> (0)>
#map2 = affine_map<(d0, d1) -> (0, 0)>
module attributes {stable_mosaic.version = 14 : i64} {
  func.func @_sc_gather(%arg0: i32, %arg1: i32, %arg2: memref<2x50000x32xf32, #tpu.memory_space<hbm>>, %arg3: memref<800000xi32, #tpu.memory_space<hbm>>, %arg4: memref<800000x128xf32, #tpu.memory_space<hbm>>, %arg5: memref<800xi32, #tpu.memory_space<vmem>>, %arg6: memref<800x32xf32, #tpu.memory_space<vmem>>, %arg7: memref<!tpu.dma_semaphore, #tpu.memory_space<semaphore_mem>>) attributes {dimension_semantics = [#tpu.dimension_semantics<core_parallel>, #tpu.dimension_semantics<subcore_parallel>], iteration_bounds = array<i64: 2, 16>, scalar_prefetch = 0 : i64, scratch_operands = 3 : i64, tpu.core_type = #tpu.core_type<sc_vector_subcore>, window_params = [{transform_indices = #map}, {transform_indices = #map1}, {transform_indices = #map2}]} {
    %scan3A = arith.constant 0 : i32
    %scan3A_0 = arith.constant 0 : i32
    %scan3A_1 = arith.constant 63 : i32
    %scan3A_2 = arith.addi %scan3A_0, %scan3A_1 : i32
    %scan3A_3 = arith.constant 1 : i32
    scf.for %scan3A_5 = %scan3A_0 to %scan3A_2 step %scan3A_3  : i32 {
      %mul3A = arith.constant 16 : i32
      %mul3A_6 = arith.muli %scan3A_5, %mul3A : i32
      %add3A = arith.addi %mul3A_6, %arg1 : i32
      %lt3A = arith.constant 1000 : i32
      %lt3A_7 = arith.cmpi slt, %add3A, %lt3A : i32
      %convert_element_type3A = arith.extui %lt3A_7 : i1 to i32
      %cond3A = arith.constant 0 : i32
      %cond3A_8 = arith.cmpi ne, %convert_element_type3A, %cond3A : i32
      scf.if %cond3A_8 {
        %mul3A_9 = arith.constant 800 : i32
        %mul3A_10 = arith.muli %add3A, %mul3A_9 : i32
        "tpu.region"() ({
          %run_scoped3A = tpu.sem_alloc : memref<!tpu.dma_semaphore, #tpu.memory_space<semaphore_mem>>
          %dma_start3A_25 = tpu.memref_slice %arg3[%mul3A_10] : memref<800000xi32, #tpu.memory_space<hbm>> -> memref<800xi32, #tpu.memory_space<hbm>>
          %dma_start3A_26 = tpu.memref_slice %arg3[%mul3A_10] : memref<800000xi32, #tpu.memory_space<hbm>> -> memref<800xi32, #tpu.memory_space<hbm>>
          tpu.enqueue_dma source(%dma_start3A_26 : memref<800xi32, #tpu.memory_space<hbm>>) target(%arg5 : memref<800xi32, #tpu.memory_space<vmem>>) target_semaphore(%run_scoped3A : memref<!tpu.dma_semaphore, #tpu.memory_space<semaphore_mem>>)
          %dma_wait3A_27 = tpu.memref_slice %arg3[%mul3A_10] : memref<800000xi32, #tpu.memory_space<hbm>> -> memref<800xi32, #tpu.memory_space<hbm>>
          %dma_wait3A_28 = tpu.memref_slice %arg3[%mul3A_10] : memref<800000xi32, #tpu.memory_space<hbm>> -> memref<800xi32, #tpu.memory_space<hbm>>
          tpu.wait_dma2 semaphore(%run_scoped3A : memref<!tpu.dma_semaphore, #tpu.memory_space<semaphore_mem>>) src(%dma_wait3A_28 : memref<800xi32, #tpu.memory_space<hbm>>) dst(%arg5 : memref<800xi32, #tpu.memory_space<vmem>>)
          tpu.yield
        }) : () -> ()
        %dma_start3A = arith.constant 0 : i32
        %dma_start3A_11 = arith.constant 0 : i32
        %dma_start3A_12 = tpu.memref_slice %arg2[%arg0, %dma_start3A, %dma_start3A_11] : memref<2x50000x32xf32, #tpu.memory_space<hbm>> -> memref<1x50000x32xf32, #tpu.memory_space<hbm>>
        %dma_start3A_13 = tpu.memref_squeeze %dma_start3A_12 : memref<1x50000x32xf32, #tpu.memory_space<hbm>> -> memref<50000x32xf32, #tpu.memory_space<hbm>>
        %dma_start3A_14 = arith.constant 0 : i32
        %dma_start3A_15 = arith.constant 0 : i32
        %dma_start3A_16 = tpu.memref_slice %dma_start3A_13[%dma_start3A_14, %dma_start3A_15] : memref<50000x32xf32, #tpu.memory_space<hbm>> -> memref<50000x32xf32, #tpu.memory_space<hbm>>
        tpu.enqueue_indirect_dma source(%dma_start3A_16 : memref<50000x32xf32, #tpu.memory_space<hbm>>) target(%arg6 : memref<800x32xf32, #tpu.memory_space<vmem>>) offsets(%arg5 : memref<800xi32, #tpu.memory_space<vmem>>) semaphore(%arg7 : memref<!tpu.dma_semaphore, #tpu.memory_space<semaphore_mem>>)
        %dma_wait3A = arith.constant 0 : i32
        %dma_wait3A_17 = arith.constant 0 : i32
        %dma_wait3A_18 = tpu.memref_slice %arg2[%arg0, %dma_wait3A, %dma_wait3A_17] : memref<2x50000x32xf32, #tpu.memory_space<hbm>> -> memref<1x50000x32xf32, #tpu.memory_space<hbm>>
        %dma_wait3A_19 = tpu.memref_squeeze %dma_wait3A_18 : memref<1x50000x32xf32, #tpu.memory_space<hbm>> -> memref<50000x32xf32, #tpu.memory_space<hbm>>
        %dma_wait3A_20 = arith.constant 0 : i32
        %dma_wait3A_21 = arith.constant 0 : i32
        %dma_wait3A_22 = tpu.memref_slice %dma_wait3A_19[%dma_wait3A_20, %dma_wait3A_21] : memref<50000x32xf32, #tpu.memory_space<hbm>> -> memref<50000x32xf32, #tpu.memory_space<hbm>>
        tpu.wait_indirect_dma semaphore(%arg7 : memref<!tpu.dma_semaphore, #tpu.memory_space<semaphore_mem>>) src(%dma_wait3A_22 : memref<50000x32xf32, #tpu.memory_space<hbm>>) dst(%arg6 : memref<800x32xf32, #tpu.memory_space<vmem>>)
        %mul3A_23 = arith.constant 32 : i32
        %mul3A_24 = arith.muli %arg0, %mul3A_23 : i32
        "tpu.region"() ({
          %run_scoped3A = tpu.sem_alloc : memref<!tpu.dma_semaphore, #tpu.memory_space<semaphore_mem>>
          %dma_start3A_25 = tpu.memref_slice %arg4[%mul3A_10, %mul3A_24] : memref<800000x128xf32, #tpu.memory_space<hbm>> -> memref<800x32xf32, #tpu.memory_space<hbm>>
          %dma_start3A_26 = tpu.memref_slice %arg4[%mul3A_10, %mul3A_24] : memref<800000x128xf32, #tpu.memory_space<hbm>> -> memref<800x32xf32, #tpu.memory_space<hbm>>
          tpu.enqueue_dma source(%arg6 : memref<800x32xf32, #tpu.memory_space<vmem>>) target(%dma_start3A_26 : memref<800x32xf32, #tpu.memory_space<hbm>>) target_semaphore(%run_scoped3A : memref<!tpu.dma_semaphore, #tpu.memory_space<semaphore_mem>>)
          %dma_wait3A_27 = tpu.memref_slice %arg4[%mul3A_10, %mul3A_24] : memref<800000x128xf32, #tpu.memory_space<hbm>> -> memref<800x32xf32, #tpu.memory_space<hbm>>
          %dma_wait3A_28 = tpu.memref_slice %arg4[%mul3A_10, %mul3A_24] : memref<800000x128xf32, #tpu.memory_space<hbm>> -> memref<800x32xf32, #tpu.memory_space<hbm>>
          tpu.wait_dma2 semaphore(%run_scoped3A : memref<!tpu.dma_semaphore, #tpu.memory_space<semaphore_mem>>) src(%arg6 : memref<800x32xf32, #tpu.memory_space<vmem>>) dst(%dma_wait3A_28 : memref<800x32xf32, #tpu.memory_space<hbm>>)
          tpu.yield
        }) : () -> ()
      } else {
      }
    }
    %scan3A_4 = arith.constant 63 : i32
    return
  }
}

#map = affine_map<(d0, d1) -> (0, 0)>
#map1 = affine_map<(d0, d1) -> (0)>
#map2 = affine_map<(d0, d1) -> (0, 0, 0)>
module attributes {stable_mosaic.version = 14 : i64} {
  func.func @_sc_scatter_add(%arg0: i32, %arg1: i32, %arg2: memref<800000x128xf32, #tpu.memory_space<hbm>>, %arg3: memref<800000xi32, #tpu.memory_space<hbm>>, %arg4: memref<2x50000x32xf32, #tpu.memory_space<hbm>>, %arg5: memref<2x50000x32xf32, #tpu.memory_space<hbm>>, %arg6: memref<800xi32, #tpu.memory_space<vmem>>, %arg7: memref<800x32xf32, #tpu.memory_space<vmem>>, %arg8: memref<50000x32xf32, #tpu.memory_space<vmem_shared>>) attributes {dimension_semantics = [#tpu.dimension_semantics<core_parallel>, #tpu.dimension_semantics<subcore_parallel>], iteration_bounds = array<i64: 2, 16>, scalar_prefetch = 0 : i64, scratch_operands = 3 : i64, tpu.core_type = #tpu.core_type<sc_vector_subcore>, window_params = [{transform_indices = #map}, {transform_indices = #map1}, {transform_indices = #map2}, {transform_indices = #map2}]} {
    %eq3A = arith.constant 0 : i32
    %eq3A_0 = arith.cmpi eq, %arg1, %eq3A : i32
    %convert_element_type3A = arith.extui %eq3A_0 : i1 to i32
    %cond3A = arith.constant 0 : i32
    %cond3A_1 = arith.cmpi ne, %convert_element_type3A, %cond3A : i32
    scf.if %cond3A_1 {
      "tpu.region"() ({
        %run_scoped3A = tpu.sem_alloc : memref<!tpu.dma_semaphore, #tpu.memory_space<semaphore_mem>>
        %dma_start3A = arith.constant 0 : i32
        %dma_start3A_34 = arith.constant 0 : i32
        %dma_start3A_35 = tpu.memref_slice %arg4[%arg0, %dma_start3A, %dma_start3A_34] : memref<2x50000x32xf32, #tpu.memory_space<hbm>> -> memref<1x50000x32xf32, #tpu.memory_space<hbm>>
        %dma_start3A_36 = tpu.memref_squeeze %dma_start3A_35 : memref<1x50000x32xf32, #tpu.memory_space<hbm>> -> memref<50000x32xf32, #tpu.memory_space<hbm>>
        tpu.enqueue_dma source(%dma_start3A_36 : memref<50000x32xf32, #tpu.memory_space<hbm>>) target(%arg8 : memref<50000x32xf32, #tpu.memory_space<vmem_shared>>) target_semaphore(%run_scoped3A : memref<!tpu.dma_semaphore, #tpu.memory_space<semaphore_mem>>)
        %dma_wait3A = arith.constant 0 : i32
        %dma_wait3A_37 = arith.constant 0 : i32
        %dma_wait3A_38 = tpu.memref_slice %arg4[%arg0, %dma_wait3A, %dma_wait3A_37] : memref<2x50000x32xf32, #tpu.memory_space<hbm>> -> memref<1x50000x32xf32, #tpu.memory_space<hbm>>
        %dma_wait3A_39 = tpu.memref_squeeze %dma_wait3A_38 : memref<1x50000x32xf32, #tpu.memory_space<hbm>> -> memref<50000x32xf32, #tpu.memory_space<hbm>>
        tpu.wait_dma2 semaphore(%run_scoped3A : memref<!tpu.dma_semaphore, #tpu.memory_space<semaphore_mem>>) src(%dma_wait3A_39 : memref<50000x32xf32, #tpu.memory_space<hbm>>) dst(%arg8 : memref<50000x32xf32, #tpu.memory_space<vmem_shared>>)
        tpu.yield
      }) : () -> ()
    } else {
    }
    %barrier3A = arith.constant 0 : index
    tpu.barrier barrier_id(%barrier3A)
    %scan3A = arith.constant 0 : i32
    %scan3A_2 = arith.constant 0 : i32
    %scan3A_3 = arith.constant 63 : i32
    %scan3A_4 = arith.addi %scan3A_2, %scan3A_3 : i32
    %scan3A_5 = arith.constant 1 : i32
    scf.for %scan3A_34 = %scan3A_2 to %scan3A_4 step %scan3A_5  : i32 {
      %mul3A = arith.constant 16 : i32
      %mul3A_35 = arith.muli %scan3A_34, %mul3A : i32
      %add3A_36 = arith.addi %mul3A_35, %arg1 : i32
      %lt3A_37 = arith.constant 1000 : i32
      %lt3A_38 = arith.cmpi slt, %add3A_36, %lt3A_37 : i32
      %convert_element_type3A_39 = arith.extui %lt3A_38 : i1 to i32
      %cond3A_40 = arith.constant 0 : i32
      %cond3A_41 = arith.cmpi ne, %convert_element_type3A_39, %cond3A_40 : i32
      scf.if %cond3A_41 {
        %mul3A_42 = arith.constant 800 : i32
        %mul3A_43 = arith.muli %add3A_36, %mul3A_42 : i32
        "tpu.region"() ({
          %run_scoped3A = tpu.sem_alloc : memref<!tpu.dma_semaphore, #tpu.memory_space<semaphore_mem>>
          %dma_start3A = tpu.memref_slice %arg3[%mul3A_43] : memref<800000xi32, #tpu.memory_space<hbm>> -> memref<800xi32, #tpu.memory_space<hbm>>
          %dma_start3A_46 = tpu.memref_slice %arg3[%mul3A_43] : memref<800000xi32, #tpu.memory_space<hbm>> -> memref<800xi32, #tpu.memory_space<hbm>>
          tpu.enqueue_dma source(%dma_start3A_46 : memref<800xi32, #tpu.memory_space<hbm>>) target(%arg6 : memref<800xi32, #tpu.memory_space<vmem>>) target_semaphore(%run_scoped3A : memref<!tpu.dma_semaphore, #tpu.memory_space<semaphore_mem>>)
          %dma_wait3A = tpu.memref_slice %arg3[%mul3A_43] : memref<800000xi32, #tpu.memory_space<hbm>> -> memref<800xi32, #tpu.memory_space<hbm>>
          %dma_wait3A_47 = tpu.memref_slice %arg3[%mul3A_43] : memref<800000xi32, #tpu.memory_space<hbm>> -> memref<800xi32, #tpu.memory_space<hbm>>
          tpu.wait_dma2 semaphore(%run_scoped3A : memref<!tpu.dma_semaphore, #tpu.memory_space<semaphore_mem>>) src(%dma_wait3A_47 : memref<800xi32, #tpu.memory_space<hbm>>) dst(%arg6 : memref<800xi32, #tpu.memory_space<vmem>>)
          tpu.yield
        }) : () -> ()
        %mul3A_44 = arith.constant 32 : i32
        %mul3A_45 = arith.muli %arg0, %mul3A_44 : i32
        "tpu.region"() ({
          %run_scoped3A = tpu.sem_alloc : memref<!tpu.dma_semaphore, #tpu.memory_space<semaphore_mem>>
          %dma_start3A = tpu.memref_slice %arg2[%mul3A_43, %mul3A_45] : memref<800000x128xf32, #tpu.memory_space<hbm>> -> memref<800x32xf32, #tpu.memory_space<hbm>>
          %dma_start3A_46 = tpu.memref_slice %arg2[%mul3A_43, %mul3A_45] : memref<800000x128xf32, #tpu.memory_space<hbm>> -> memref<800x32xf32, #tpu.memory_space<hbm>>
          tpu.enqueue_dma source(%dma_start3A_46 : memref<800x32xf32, #tpu.memory_space<hbm>>) target(%arg7 : memref<800x32xf32, #tpu.memory_space<vmem>>) target_semaphore(%run_scoped3A : memref<!tpu.dma_semaphore, #tpu.memory_space<semaphore_mem>>)
          %dma_wait3A = tpu.memref_slice %arg2[%mul3A_43, %mul3A_45] : memref<800000x128xf32, #tpu.memory_space<hbm>> -> memref<800x32xf32, #tpu.memory_space<hbm>>
          %dma_wait3A_47 = tpu.memref_slice %arg2[%mul3A_43, %mul3A_45] : memref<800000x128xf32, #tpu.memory_space<hbm>> -> memref<800x32xf32, #tpu.memory_space<hbm>>
          tpu.wait_dma2 semaphore(%run_scoped3A : memref<!tpu.dma_semaphore, #tpu.memory_space<semaphore_mem>>) src(%dma_wait3A_47 : memref<800x32xf32, #tpu.memory_space<hbm>>) dst(%arg7 : memref<800x32xf32, #tpu.memory_space<vmem>>)
          tpu.yield
        }) : () -> ()
        "tpu.region"() ({
          %run_scoped3A = tpu.sem_alloc : memref<!tpu.dma_semaphore, #tpu.memory_space<semaphore_mem>>
          %dma_start3A = arith.constant 0 : i32
          %dma_start3A_46 = arith.constant 0 : i32
          %dma_start3A_47 = tpu.memref_slice %arg8[%dma_start3A, %dma_start3A_46] : memref<50000x32xf32, #tpu.memory_space<vmem_shared>> -> memref<50000x32xf32, #tpu.memory_space<vmem_shared>>
          tpu.enqueue_indirect_dma source(%arg7 : memref<800x32xf32, #tpu.memory_space<vmem>>) target(%dma_start3A_47 : memref<50000x32xf32, #tpu.memory_space<vmem_shared>>) offsets(%arg6 : memref<800xi32, #tpu.memory_space<vmem>>) semaphore(%run_scoped3A : memref<!tpu.dma_semaphore, #tpu.memory_space<semaphore_mem>>) {add = true}
          %dma_wait3A = arith.constant 0 : i32
          %dma_wait3A_48 = arith.constant 0 : i32
          %dma_wait3A_49 = tpu.memref_slice %arg8[%dma_wait3A, %dma_wait3A_48] : memref<50000x32xf32, #tpu.memory_space<vmem_shared>> -> memref<50000x32xf32, #tpu.memory_space<vmem_shared>>
          tpu.wait_indirect_dma semaphore(%run_scoped3A : memref<!tpu.dma_semaphore, #tpu.memory_space<semaphore_mem>>) src(%arg7 : memref<800x32xf32, #tpu.memory_space<vmem>>) dst(%dma_wait3A_49 : memref<50000x32xf32, #tpu.memory_space<vmem_shared>>)
          tpu.yield
        }) : () -> ()
      } else {
      }
    }
    %scan3A_6 = arith.constant 63 : i32
    %barrier3A_7 = arith.constant 0 : index
    tpu.barrier barrier_id(%barrier3A_7)
    %add3A = arith.constant 0 : i32
    %add3A_8 = arith.addi %add3A, %arg1 : i32
    %lt3A = arith.constant 50 : i32
    %lt3A_9 = arith.cmpi slt, %add3A_8, %lt3A : i32
    %convert_element_type3A_10 = arith.extui %lt3A_9 : i1 to i32
    %cond3A_11 = arith.constant 0 : i32
    %cond3A_12 = arith.cmpi ne, %convert_element_type3A_10, %cond3A_11 : i32
    scf.if %cond3A_12 {
      %mul3A = arith.constant 1000 : i32
      %mul3A_34 = arith.muli %add3A_8, %mul3A : i32
      "tpu.region"() ({
        %run_scoped3A = tpu.sem_alloc : memref<!tpu.dma_semaphore, #tpu.memory_space<semaphore_mem>>
        %dma_start3A = arith.constant 0 : i32
        %dma_start3A_35 = tpu.memref_slice %arg5[%arg0, %mul3A_34, %dma_start3A] : memref<2x50000x32xf32, #tpu.memory_space<hbm>> -> memref<1x1000x32xf32, #tpu.memory_space<hbm>>
        %dma_start3A_36 = tpu.memref_squeeze %dma_start3A_35 : memref<1x1000x32xf32, #tpu.memory_space<hbm>> -> memref<1000x32xf32, #tpu.memory_space<hbm>>
        %dma_start3A_37 = arith.constant 0 : i32
        %dma_start3A_38 = tpu.memref_slice %arg8[%mul3A_34, %dma_start3A_37] : memref<50000x32xf32, #tpu.memory_space<vmem_shared>> -> memref<1000x32xf32, #tpu.memory_space<vmem_shared>>
        tpu.enqueue_dma source(%dma_start3A_38 : memref<1000x32xf32, #tpu.memory_space<vmem_shared>>) target(%dma_start3A_36 : memref<1000x32xf32, #tpu.memory_space<hbm>>) target_semaphore(%run_scoped3A : memref<!tpu.dma_semaphore, #tpu.memory_space<semaphore_mem>>)
        %dma_wait3A = arith.constant 0 : i32
        %dma_wait3A_39 = tpu.memref_slice %arg5[%arg0, %mul3A_34, %dma_wait3A] : memref<2x50000x32xf32, #tpu.memory_space<hbm>> -> memref<1x1000x32xf32, #tpu.memory_space<hbm>>
        %dma_wait3A_40 = tpu.memref_squeeze %dma_wait3A_39 : memref<1x1000x32xf32, #tpu.memory_space<hbm>> -> memref<1000x32xf32, #tpu.memory_space<hbm>>
        %dma_wait3A_41 = arith.constant 0 : i32
        %dma_wait3A_42 = tpu.memref_slice %arg8[%mul3A_34, %dma_wait3A_41] : memref<50000x32xf32, #tpu.memory_space<vmem_shared>> -> memref<1000x32xf32, #tpu.memory_space<vmem_shared>>
        tpu.wait_dma2 semaphore(%run_scoped3A : memref<!tpu.dma_semaphore, #tpu.memory_space<semaphore_mem>>) src(%dma_wait3A_42 : memref<1000x32xf32, #tpu.memory_space<vmem_shared>>) dst(%dma_wait3A_40 : memref<1000x32xf32, #tpu.memory_space<hbm>>)
        tpu.yield
      }) : () -> ()
    } else {
    }
    %add3A_13 = arith.constant 16 : i32
    %add3A_14 = arith.addi %add3A_13, %arg1 : i32
    %lt3A_15 = arith.constant 50 : i32
    %lt3A_16 = arith.cmpi slt, %add3A_14, %lt3A_15 : i32
    %convert_element_type3A_17 = arith.extui %lt3A_16 : i1 to i32
    %cond3A_18 = arith.constant 0 : i32
    %cond3A_19 = arith.cmpi ne, %convert_element_type3A_17, %cond3A_18 : i32
    scf.if %cond3A_19 {
      %mul3A = arith.constant 1000 : i32
      %mul3A_34 = arith.muli %add3A_14, %mul3A : i32
      "tpu.region"() ({
        %run_scoped3A = tpu.sem_alloc : memref<!tpu.dma_semaphore, #tpu.memory_space<semaphore_mem>>
        %dma_start3A = arith.constant 0 : i32
        %dma_start3A_35 = tpu.memref_slice %arg5[%arg0, %mul3A_34, %dma_start3A] : memref<2x50000x32xf32, #tpu.memory_space<hbm>> -> memref<1x1000x32xf32, #tpu.memory_space<hbm>>
        %dma_start3A_36 = tpu.memref_squeeze %dma_start3A_35 : memref<1x1000x32xf32, #tpu.memory_space<hbm>> -> memref<1000x32xf32, #tpu.memory_space<hbm>>
        %dma_start3A_37 = arith.constant 0 : i32
        %dma_start3A_38 = tpu.memref_slice %arg8[%mul3A_34, %dma_start3A_37] : memref<50000x32xf32, #tpu.memory_space<vmem_shared>> -> memref<1000x32xf32, #tpu.memory_space<vmem_shared>>
        tpu.enqueue_dma source(%dma_start3A_38 : memref<1000x32xf32, #tpu.memory_space<vmem_shared>>) target(%dma_start3A_36 : memref<1000x32xf32, #tpu.memory_space<hbm>>) target_semaphore(%run_scoped3A : memref<!tpu.dma_semaphore, #tpu.memory_space<semaphore_mem>>)
        %dma_wait3A = arith.constant 0 : i32
        %dma_wait3A_39 = tpu.memref_slice %arg5[%arg0, %mul3A_34, %dma_wait3A] : memref<2x50000x32xf32, #tpu.memory_space<hbm>> -> memref<1x1000x32xf32, #tpu.memory_space<hbm>>
        %dma_wait3A_40 = tpu.memref_squeeze %dma_wait3A_39 : memref<1x1000x32xf32, #tpu.memory_space<hbm>> -> memref<1000x32xf32, #tpu.memory_space<hbm>>
        %dma_wait3A_41 = arith.constant 0 : i32
        %dma_wait3A_42 = tpu.memref_slice %arg8[%mul3A_34, %dma_wait3A_41] : memref<50000x32xf32, #tpu.memory_space<vmem_shared>> -> memref<1000x32xf32, #tpu.memory_space<vmem_shared>>
        tpu.wait_dma2 semaphore(%run_scoped3A : memref<!tpu.dma_semaphore, #tpu.memory_space<semaphore_mem>>) src(%dma_wait3A_42 : memref<1000x32xf32, #tpu.memory_space<vmem_shared>>) dst(%dma_wait3A_40 : memref<1000x32xf32, #tpu.memory_space<hbm>>)
        tpu.yield
      }) : () -> ()
    } else {
    }
    %add3A_20 = arith.constant 32 : i32
    %add3A_21 = arith.addi %add3A_20, %arg1 : i32
    %lt3A_22 = arith.constant 50 : i32
    %lt3A_23 = arith.cmpi slt, %add3A_21, %lt3A_22 : i32
    %convert_element_type3A_24 = arith.extui %lt3A_23 : i1 to i32
    %cond3A_25 = arith.constant 0 : i32
    %cond3A_26 = arith.cmpi ne, %convert_element_type3A_24, %cond3A_25 : i32
    scf.if %cond3A_26 {
      %mul3A = arith.constant 1000 : i32
      %mul3A_34 = arith.muli %add3A_21, %mul3A : i32
      "tpu.region"() ({
        %run_scoped3A = tpu.sem_alloc : memref<!tpu.dma_semaphore, #tpu.memory_space<semaphore_mem>>
        %dma_start3A = arith.constant 0 : i32
        %dma_start3A_35 = tpu.memref_slice %arg5[%arg0, %mul3A_34, %dma_start3A] : memref<2x50000x32xf32, #tpu.memory_space<hbm>> -> memref<1x1000x32xf32, #tpu.memory_space<hbm>>
        %dma_start3A_36 = tpu.memref_squeeze %dma_start3A_35 : memref<1x1000x32xf32, #tpu.memory_space<hbm>> -> memref<1000x32xf32, #tpu.memory_space<hbm>>
        %dma_start3A_37 = arith.constant 0 : i32
        %dma_start3A_38 = tpu.memref_slice %arg8[%mul3A_34, %dma_start3A_37] : memref<50000x32xf32, #tpu.memory_space<vmem_shared>> -> memref<1000x32xf32, #tpu.memory_space<vmem_shared>>
        tpu.enqueue_dma source(%dma_start3A_38 : memref<1000x32xf32, #tpu.memory_space<vmem_shared>>) target(%dma_start3A_36 : memref<1000x32xf32, #tpu.memory_space<hbm>>) target_semaphore(%run_scoped3A : memref<!tpu.dma_semaphore, #tpu.memory_space<semaphore_mem>>)
        %dma_wait3A = arith.constant 0 : i32
        %dma_wait3A_39 = tpu.memref_slice %arg5[%arg0, %mul3A_34, %dma_wait3A] : memref<2x50000x32xf32, #tpu.memory_space<hbm>> -> memref<1x1000x32xf32, #tpu.memory_space<hbm>>
        %dma_wait3A_40 = tpu.memref_squeeze %dma_wait3A_39 : memref<1x1000x32xf32, #tpu.memory_space<hbm>> -> memref<1000x32xf32, #tpu.memory_space<hbm>>
        %dma_wait3A_41 = arith.constant 0 : i32
        %dma_wait3A_42 = tpu.memref_slice %arg8[%mul3A_34, %dma_wait3A_41] : memref<50000x32xf32, #tpu.memory_space<vmem_shared>> -> memref<1000x32xf32, #tpu.memory_space<vmem_shared>>
        tpu.wait_dma2 semaphore(%run_scoped3A : memref<!tpu.dma_semaphore, #tpu.memory_space<semaphore_mem>>) src(%dma_wait3A_42 : memref<1000x32xf32, #tpu.memory_space<vmem_shared>>) dst(%dma_wait3A_40 : memref<1000x32xf32, #tpu.memory_space<hbm>>)
        tpu.yield
      }) : () -> ()
    } else {
    }
    %add3A_27 = arith.constant 48 : i32
    %add3A_28 = arith.addi %add3A_27, %arg1 : i32
    %lt3A_29 = arith.constant 50 : i32
    %lt3A_30 = arith.cmpi slt, %add3A_28, %lt3A_29 : i32
    %convert_element_type3A_31 = arith.extui %lt3A_30 : i1 to i32
    %cond3A_32 = arith.constant 0 : i32
    %cond3A_33 = arith.cmpi ne, %convert_element_type3A_31, %cond3A_32 : i32
    scf.if %cond3A_33 {
      %mul3A = arith.constant 1000 : i32
      %mul3A_34 = arith.muli %add3A_28, %mul3A : i32
      "tpu.region"() ({
        %run_scoped3A = tpu.sem_alloc : memref<!tpu.dma_semaphore, #tpu.memory_space<semaphore_mem>>
        %dma_start3A = arith.constant 0 : i32
        %dma_start3A_35 = tpu.memref_slice %arg5[%arg0, %mul3A_34, %dma_start3A] : memref<2x50000x32xf32, #tpu.memory_space<hbm>> -> memref<1x1000x32xf32, #tpu.memory_space<hbm>>
        %dma_start3A_36 = tpu.memref_squeeze %dma_start3A_35 : memref<1x1000x32xf32, #tpu.memory_space<hbm>> -> memref<1000x32xf32, #tpu.memory_space<hbm>>
        %dma_start3A_37 = arith.constant 0 : i32
        %dma_start3A_38 = tpu.memref_slice %arg8[%mul3A_34, %dma_start3A_37] : memref<50000x32xf32, #tpu.memory_space<vmem_shared>> -> memref<1000x32xf32, #tpu.memory_space<vmem_shared>>
        tpu.enqueue_dma source(%dma_start3A_38 : memref<1000x32xf32, #tpu.memory_space<vmem_shared>>) target(%dma_start3A_36 : memref<1000x32xf32, #tpu.memory_space<hbm>>) target_semaphore(%run_scoped3A : memref<!tpu.dma_semaphore, #tpu.memory_space<semaphore_mem>>)
        %dma_wait3A = arith.constant 0 : i32
        %dma_wait3A_39 = tpu.memref_slice %arg5[%arg0, %mul3A_34, %dma_wait3A] : memref<2x50000x32xf32, #tpu.memory_space<hbm>> -> memref<1x1000x32xf32, #tpu.memory_space<hbm>>
        %dma_wait3A_40 = tpu.memref_squeeze %dma_wait3A_39 : memref<1x1000x32xf32, #tpu.memory_space<hbm>> -> memref<1000x32xf32, #tpu.memory_space<hbm>>
        %dma_wait3A_41 = arith.constant 0 : i32
        %dma_wait3A_42 = tpu.memref_slice %arg8[%mul3A_34, %dma_wait3A_41] : memref<50000x32xf32, #tpu.memory_space<vmem_shared>> -> memref<1000x32xf32, #tpu.memory_space<vmem_shared>>
        tpu.wait_dma2 semaphore(%run_scoped3A : memref<!tpu.dma_semaphore, #tpu.memory_space<semaphore_mem>>) src(%dma_wait3A_42 : memref<1000x32xf32, #tpu.memory_space<vmem_shared>>) dst(%dma_wait3A_40 : memref<1000x32xf32, #tpu.memory_space<hbm>>)
        tpu.yield
      }) : () -> ()
    } else {
    }
    return
  }
}

module attributes {stable_mosaic.version = 14 : i64} {
  func.func @_feat_body(%arg0: i32, %arg1: memref<4000x4xf32, #tpu.memory_space<vmem>>, %arg2: memref<4000x128xbf16, #tpu.memory_space<vmem>>) attributes {dimension_semantics = [#tpu.dimension_semantics<arbitrary>], iteration_bounds = array<i64: 200>, scalar_prefetch = 0 : i64, scratch_operands = 0 : i64, tpu.core_type = #tpu.core_type<tc>, window_params = [{transform_indices = @transform_0, window_bounds = array<i64: 4000, 4>}, {transform_indices = @transform_1, window_bounds = array<i64: 4000, 128>}]} {
    %get3A = arith.constant 0 : index
    %get3A_0 = arith.constant 0 : index
    %get3A_1 = vector.load %arg1[%get3A, %get3A_0] : memref<4000x4xf32, #tpu.memory_space<vmem>>, vector<4000x4xf32>
    %slice3A = vector.extract_strided_slice %get3A_1 {offsets = [0, 0], sizes = [4000, 1], strides = [1, 1]} : vector<4000x4xf32> to vector<4000x1xf32>
    %slice3A_2 = vector.extract_strided_slice %get3A_1 {offsets = [0, 1], sizes = [4000, 1], strides = [1, 1]} : vector<4000x4xf32> to vector<4000x1xf32>
    %slice3A_3 = vector.extract_strided_slice %get3A_1 {offsets = [0, 2], sizes = [4000, 1], strides = [1, 1]} : vector<4000x4xf32> to vector<4000x1xf32>
    %slice3A_4 = vector.extract_strided_slice %get3A_1 {offsets = [0, 3], sizes = [4000, 1], strides = [1, 1]} : vector<4000x4xf32> to vector<4000x1xf32>
    %broadcast_in_dim3A = arith.constant 1.000000e+00 : f32
    %broadcast_in_dim3A_5 = vector.broadcast %broadcast_in_dim3A : f32 to vector<4000x1xf32>
    %mul3A = arith.constant 1.73205078 : f32
    %mul3A_6 = vector.broadcast %mul3A : f32 to vector<4000x1xf32>
    %mul3A_7 = arith.mulf %mul3A_6, %slice3A : vector<4000x1xf32>
    %mul3A_8 = arith.constant 1.73205078 : f32
    %mul3A_9 = vector.broadcast %mul3A_8 : f32 to vector<4000x1xf32>
    %mul3A_10 = arith.mulf %mul3A_9, %slice3A_2 : vector<4000x1xf32>
    %mul3A_11 = arith.constant 1.73205078 : f32
    %mul3A_12 = vector.broadcast %mul3A_11 : f32 to vector<4000x1xf32>
    %mul3A_13 = arith.mulf %mul3A_12, %slice3A_3 : vector<4000x1xf32>
    %mul3A_14 = arith.constant 3.87298346 : f32
    %mul3A_15 = vector.broadcast %mul3A_14 : f32 to vector<4000x1xf32>
    %mul3A_16 = arith.mulf %mul3A_15, %slice3A : vector<4000x1xf32>
    %mul3A_17 = arith.mulf %mul3A_16, %slice3A_2 : vector<4000x1xf32>
    %mul3A_18 = arith.constant 3.87298346 : f32
    %mul3A_19 = vector.broadcast %mul3A_18 : f32 to vector<4000x1xf32>
    %mul3A_20 = arith.mulf %mul3A_19, %slice3A_2 : vector<4000x1xf32>
    %mul3A_21 = arith.mulf %mul3A_20, %slice3A_3 : vector<4000x1xf32>
    %mul3A_22 = arith.constant 3.000000e+00 : f32
    %mul3A_23 = vector.broadcast %mul3A_22 : f32 to vector<4000x1xf32>
    %mul3A_24 = arith.mulf %mul3A_23, %slice3A_3 : vector<4000x1xf32>
    %mul3A_25 = arith.mulf %mul3A_24, %slice3A_3 : vector<4000x1xf32>
    %sub3A = arith.constant 1.000000e+00 : f32
    %sub3A_26 = vector.broadcast %sub3A : f32 to vector<4000x1xf32>
    %sub3A_27 = arith.subf %mul3A_25, %sub3A_26 : vector<4000x1xf32>
    %mul3A_28 = arith.constant 1.11803401 : f32
    %mul3A_29 = vector.broadcast %mul3A_28 : f32 to vector<4000x1xf32>
    %mul3A_30 = arith.mulf %mul3A_29, %sub3A_27 : vector<4000x1xf32>
    %mul3A_31 = arith.constant 3.87298346 : f32
    %mul3A_32 = vector.broadcast %mul3A_31 : f32 to vector<4000x1xf32>
    %mul3A_33 = arith.mulf %mul3A_32, %slice3A : vector<4000x1xf32>
    %mul3A_34 = arith.mulf %mul3A_33, %slice3A_3 : vector<4000x1xf32>
    %mul3A_35 = arith.mulf %slice3A, %slice3A : vector<4000x1xf32>
    %mul3A_36 = arith.mulf %slice3A_2, %slice3A_2 : vector<4000x1xf32>
    %sub3A_37 = arith.subf %mul3A_35, %mul3A_36 : vector<4000x1xf32>
    %mul3A_38 = arith.constant 1.93649173 : f32
    %mul3A_39 = vector.broadcast %mul3A_38 : f32 to vector<4000x1xf32>
    %mul3A_40 = arith.mulf %mul3A_39, %sub3A_37 : vector<4000x1xf32>
    %concatenate3A = tpu.concatenate %broadcast_in_dim3A_5, %mul3A_7, %mul3A_10, %mul3A_13, %mul3A_17, %mul3A_21, %mul3A_30, %mul3A_34, %mul3A_40 in 1 : vector<4000x1xf32>, vector<4000x1xf32>, vector<4000x1xf32>, vector<4000x1xf32>, vector<4000x1xf32>, vector<4000x1xf32>, vector<4000x1xf32>, vector<4000x1xf32>, vector<4000x1xf32> -> vector<4000x9xf32>
    %iota3A = tpu.iota {dimensions = array<i32: 1>} : vector<4000x50xi32>
    %div3A = arith.constant 0.196078435 : f32
    %div3A_41 = vector.broadcast %div3A : f32 to vector<4000x1xf32>
    %div3A_42 = arith.divf %slice3A_4, %div3A_41 : vector<4000x1xf32>
    %convert_element_type3A = arith.sitofp %iota3A : vector<4000x50xi32> to vector<4000x50xf32>
    %add3A = arith.constant 1.000000e+00 : f32
    %add3A_43 = vector.broadcast %add3A : f32 to vector<4000x50xf32>
    %add3A_44 = arith.addf %convert_element_type3A, %add3A_43 : vector<4000x50xf32>
    %sub3A_45 = vector.broadcast %div3A_42 : vector<4000x1xf32> to vector<4000x50xf32>
    %sub3A_46 = arith.subf %sub3A_45, %add3A_44 : vector<4000x50xf32>
    %abs3A = math.absf %sub3A_46 : vector<4000x50xf32>
    %lt3A = arith.constant 1.000000e+00 : f32
    %lt3A_47 = vector.broadcast %lt3A : f32 to vector<4000x50xf32>
    %lt3A_48 = arith.cmpf olt, %abs3A, %lt3A_47 : vector<4000x50xf32>
    %mul3A_49 = arith.mulf %sub3A_46, %sub3A_46 : vector<4000x50xf32>
    %sub3A_50 = arith.constant 1.000000e+00 : f32
    %sub3A_51 = vector.broadcast %sub3A_50 : f32 to vector<4000x50xf32>
    %sub3A_52 = arith.subf %mul3A_49, %sub3A_51 : vector<4000x50xf32>
    %jit3A = arith.constant -1.000000e+00 : f32
    %broadcast_in_dim3A_53 = vector.broadcast %jit3A : f32 to vector<4000x50xf32>
    %select_n3A = arith.select %lt3A_48, %sub3A_52, %broadcast_in_dim3A_53 : vector<4000x50xi1>, vector<4000x50xf32>
    %div3A_54 = arith.constant 1.000000e+00 : f32
    %div3A_55 = vector.broadcast %div3A_54 : f32 to vector<4000x50xf32>
    %div3A_56 = arith.divf %div3A_55, %select_n3A : vector<4000x50xf32>
    %exp3A = math.exp %div3A_56 : vector<4000x50xf32>
    %mul3A_57 = arith.constant 8.43357276 : f32
    %mul3A_58 = vector.broadcast %mul3A_57 : f32 to vector<4000x50xf32>
    %mul3A_59 = arith.mulf %mul3A_58, %exp3A : vector<4000x50xf32>
    %jit3A_60 = arith.constant 0.000000e+00 : f32
    %broadcast_in_dim3A_61 = vector.broadcast %jit3A_60 : f32 to vector<4000x50xf32>
    %select_n3A_62 = arith.select %lt3A_48, %mul3A_59, %broadcast_in_dim3A_61 : vector<4000x50xi1>, vector<4000x50xf32>
    %mul3A_63 = arith.constant 7.07106781 : f32
    %mul3A_64 = vector.broadcast %mul3A_63 : f32 to vector<4000x50xf32>
    %mul3A_65 = arith.mulf %select_n3A_62, %mul3A_64 : vector<4000x50xf32>
    %broadcast_in_dim3A_66 = arith.constant 0.000000e+00 : f32
    %broadcast_in_dim3A_67 = vector.broadcast %broadcast_in_dim3A_66 : f32 to vector<4000x69xf32>
    %concatenate3A_68 = tpu.concatenate %concatenate3A, %mul3A_65, %broadcast_in_dim3A_67 in 1 : vector<4000x9xf32>, vector<4000x50xf32>, vector<4000x69xf32> -> vector<4000x128xf32>
    %convert_element_type3A_69 = arith.truncf %concatenate3A_68 : vector<4000x128xf32> to vector<4000x128xbf16>
    %swap3A = arith.constant 0 : index
    %swap3A_70 = arith.constant 0 : index
    %swap3A_71 = vector.load %arg2[%swap3A, %swap3A_70] : memref<4000x128xbf16, #tpu.memory_space<vmem>>, vector<4000x128xbf16>
    tpu.vector_store %arg2[%swap3A, %swap3A_70], %convert_element_type3A_69 {strides = array<i32>} : memref<4000x128xbf16, #tpu.memory_space<vmem>>, vector<4000x128xbf16>,
    return
  }
  func.func @transform_0(%arg0: i32) -> (i32, i32) {
    %c0_i32 = arith.constant 0 : i32
    %c0_i32_0 = arith.constant 0 : i32
    return %arg0, %c0_i32 : i32, i32
  }
  func.func @transform_1(%arg0: i32) -> (i32, i32) {
    %c0_i32 = arith.constant 0 : i32
    %c0_i32_0 = arith.constant 0 : i32
    return %arg0, %c0_i32 : i32, i32
  }
}

module attributes {stable_mosaic.version = 14 : i64} {
  func.func @_edge_layer_body(%arg0: i32, %arg1: memref<4000x128xbf16, #tpu.memory_space<vmem>>, %arg2: memref<4000x128xf32, #tpu.memory_space<vmem>>, %arg3: memref<128x128xbf16, #tpu.memory_space<vmem>>, %arg4: memref<1x128xf32, #tpu.memory_space<vmem>>, %arg5: memref<128x128xbf16, #tpu.memory_space<vmem>>, %arg6: memref<1x128xf32, #tpu.memory_space<vmem>>, %arg7: memref<128x64xbf16, #tpu.memory_space<vmem>>, %arg8: memref<1x64xf32, #tpu.memory_space<vmem>>, %arg9: memref<128x64xbf16, #tpu.memory_space<vmem>>, %arg10: memref<4000x128xf32, #tpu.memory_space<vmem>>) attributes {dimension_semantics = [#tpu.dimension_semantics<arbitrary>], iteration_bounds = array<i64: 200>, scalar_prefetch = 0 : i64, scratch_operands = 0 : i64, tpu.core_type = #tpu.core_type<tc>, window_params = [{transform_indices = @transform_0, window_bounds = array<i64: 4000, 128>}, {transform_indices = @transform_1, window_bounds = array<i64: 4000, 128>}, {pipeline_mode = #tpu.pipeline_mode<synchronous>, transform_indices = @transform_2, window_bounds = array<i64: 128, 128>}, {pipeline_mode = #tpu.pipeline_mode<synchronous>, transform_indices = @transform_3, window_bounds = array<i64: 1, 128>}, {pipeline_mode = #tpu.pipeline_mode<synchronous>, transform_indices = @transform_4, window_bounds = array<i64: 128, 128>}, {pipeline_mode = #tpu.pipeline_mode<synchronous>, transform_indices = @transform_5, window_bounds = array<i64: 1, 128>}, {pipeline_mode = #tpu.pipeline_mode<synchronous>, transform_indices = @transform_6, window_bounds = array<i64: 128, 64>}, {pipeline_mode = #tpu.pipeline_mode<synchronous>, transform_indices = @transform_7, window_bounds = array<i64: 1, 64>}, {pipeline_mode = #tpu.pipeline_mode<synchronous>, transform_indices = @transform_8, window_bounds = array<i64: 128, 64>}, {transform_indices = @transform_9, window_bounds = array<i64: 4000, 128>}]} {
    %get3A = arith.constant 0 : index
    %get3A_0 = arith.constant 0 : index
    %get3A_1 = vector.load %arg1[%get3A, %get3A_0] : memref<4000x128xbf16, #tpu.memory_space<vmem>>, vector<4000x128xbf16>
    %get3A_2 = arith.constant 0 : index
    %get3A_3 = arith.constant 0 : index
    %get3A_4 = vector.load %arg3[%get3A_2, %get3A_3] : memref<128x128xbf16, #tpu.memory_space<vmem>>, vector<128x128xbf16>
    %dot_general3A = arith.constant dense<0.000000e+00> : vector<4000x128xf32>
    %dot_general3A_5 = tpu.matmul %get3A_1, %get3A_4, %dot_general3A {dimension_numbers = #tpu.dot_dimension_numbers<[1], [0], [0], [1], [0, 0, 1, 1], [], []>, transpose_lhs_hint = false} : vector<4000x128xbf16>, vector<128x128xbf16>, vector<4000x128xf32> -> vector<4000x128xf32>
    %get3A_6 = arith.constant 0 : index
    %get3A_7 = arith.constant 0 : index
    %get3A_8 = vector.load %arg4[%get3A_6, %get3A_7] : memref<1x128xf32, #tpu.memory_space<vmem>>, vector<1x128xf32>
    %add3A = vector.broadcast %get3A_8 : vector<1x128xf32> to vector<4000x128xf32>
    %add3A_9 = arith.addf %dot_general3A_5, %add3A : vector<4000x128xf32>
    %logistic3A = arith.negf %add3A_9 : vector<4000x128xf32>
    %logistic3A_10 = math.exp %logistic3A : vector<4000x128xf32>
    %logistic3A_11 = arith.constant 1.000000e+00 : f32
    %logistic3A_12 = vector.broadcast %logistic3A_11 : f32 to vector<4000x128xf32>
    %logistic3A_13 = arith.addf %logistic3A_12, %logistic3A_10 : vector<4000x128xf32>
    %logistic3A_14 = arith.divf %logistic3A_12, %logistic3A_13 : vector<4000x128xf32>
    %mul3A = arith.mulf %add3A_9, %logistic3A_14 : vector<4000x128xf32>
    %convert_element_type3A = arith.truncf %mul3A : vector<4000x128xf32> to vector<4000x128xbf16>
    %get3A_15 = arith.constant 0 : index
    %get3A_16 = arith.constant 0 : index
    %get3A_17 = vector.load %arg5[%get3A_15, %get3A_16] : memref<128x128xbf16, #tpu.memory_space<vmem>>, vector<128x128xbf16>
    %dot_general3A_18 = arith.constant dense<0.000000e+00> : vector<4000x128xf32>
    %dot_general3A_19 = tpu.matmul %convert_element_type3A, %get3A_17, %dot_general3A_18 {dimension_numbers = #tpu.dot_dimension_numbers<[1], [0], [0], [1], [0, 0, 1, 1], [], []>, transpose_lhs_hint = false} : vector<4000x128xbf16>, vector<128x128xbf16>, vector<4000x128xf32> -> vector<4000x128xf32>
    %get3A_20 = arith.constant 0 : index
    %get3A_21 = arith.constant 0 : index
    %get3A_22 = vector.load %arg6[%get3A_20, %get3A_21] : memref<1x128xf32, #tpu.memory_space<vmem>>, vector<1x128xf32>
    %add3A_23 = vector.broadcast %get3A_22 : vector<1x128xf32> to vector<4000x128xf32>
    %add3A_24 = arith.addf %dot_general3A_19, %add3A_23 : vector<4000x128xf32>
    %logistic3A_25 = arith.negf %add3A_24 : vector<4000x128xf32>
    %logistic3A_26 = math.exp %logistic3A_25 : vector<4000x128xf32>
    %logistic3A_27 = arith.constant 1.000000e+00 : f32
    %logistic3A_28 = vector.broadcast %logistic3A_27 : f32 to vector<4000x128xf32>
    %logistic3A_29 = arith.addf %logistic3A_28, %logistic3A_26 : vector<4000x128xf32>
    %logistic3A_30 = arith.divf %logistic3A_28, %logistic3A_29 : vector<4000x128xf32>
    %mul3A_31 = arith.mulf %add3A_24, %logistic3A_30 : vector<4000x128xf32>
    %convert_element_type3A_32 = arith.truncf %mul3A_31 : vector<4000x128xf32> to vector<4000x128xbf16>
    %get3A_33 = arith.constant 0 : index
    %get3A_34 = arith.constant 0 : index
    %get3A_35 = vector.load %arg7[%get3A_33, %get3A_34] : memref<128x64xbf16, #tpu.memory_space<vmem>>, vector<128x64xbf16>
    %dot_general3A_36 = arith.constant dense<0.000000e+00> : vector<4000x64xf32>
    %dot_general3A_37 = tpu.matmul %convert_element_type3A_32, %get3A_35, %dot_general3A_36 {dimension_numbers = #tpu.dot_dimension_numbers<[1], [0], [0], [1], [0, 0, 1, 1], [], []>, transpose_lhs_hint = false} : vector<4000x128xbf16>, vector<128x64xbf16>, vector<4000x64xf32> -> vector<4000x64xf32>
    %get3A_38 = arith.constant 0 : index
    %get3A_39 = arith.constant 0 : index
    %get3A_40 = vector.load %arg8[%get3A_38, %get3A_39] : memref<1x64xf32, #tpu.memory_space<vmem>>, vector<1x64xf32>
    %add3A_41 = vector.broadcast %get3A_40 : vector<1x64xf32> to vector<4000x64xf32>
    %add3A_42 = arith.addf %dot_general3A_37, %add3A_41 : vector<4000x64xf32>
    %get3A_43 = arith.constant 0 : index
    %get3A_44 = arith.constant 0 : index
    %get3A_45 = vector.load %arg9[%get3A_43, %get3A_44] : memref<128x64xbf16, #tpu.memory_space<vmem>>, vector<128x64xbf16>
    %dot_general3A_46 = arith.constant dense<0.000000e+00> : vector<4000x64xf32>
    %dot_general3A_47 = tpu.matmul %get3A_1, %get3A_45, %dot_general3A_46 {dimension_numbers = #tpu.dot_dimension_numbers<[1], [0], [0], [1], [0, 0, 1, 1], [], []>, transpose_lhs_hint = false} : vector<4000x128xbf16>, vector<128x64xbf16>, vector<4000x64xf32> -> vector<4000x64xf32>
    %get3A_48 = arith.constant 0 : index
    %get3A_49 = arith.constant 0 : index
    %get3A_50 = vector.load %arg2[%get3A_48, %get3A_49] : memref<4000x128xf32, #tpu.memory_space<vmem>>, vector<4000x64xf32>
    %mul3A_51 = arith.mulf %get3A_50, %dot_general3A_47 : vector<4000x64xf32>
    %mul3A_52 = arith.mulf %mul3A_51, %add3A_42 : vector<4000x64xf32>
    %mul3A_53 = arith.constant 0.223606795 : f32
    %mul3A_54 = vector.broadcast %mul3A_53 : f32 to vector<4000x64xf32>
    %mul3A_55 = arith.mulf %mul3A_52, %mul3A_54 : vector<4000x64xf32>
    %broadcast_in_dim3A = arith.constant 0.000000e+00 : f32
    %broadcast_in_dim3A_56 = vector.broadcast %broadcast_in_dim3A : f32 to vector<4000x64xf32>
    %concatenate3A = tpu.concatenate %mul3A_55, %broadcast_in_dim3A_56 in 1 : vector<4000x64xf32>, vector<4000x64xf32> -> vector<4000x128xf32>
    %swap3A = arith.constant 0 : index
    %swap3A_57 = arith.constant 0 : index
    %swap3A_58 = vector.load %arg10[%swap3A, %swap3A_57] : memref<4000x128xf32, #tpu.memory_space<vmem>>, vector<4000x128xf32>
    tpu.vector_store %arg10[%swap3A, %swap3A_57], %concatenate3A {strides = array<i32>} : memref<4000x128xf32, #tpu.memory_space<vmem>>, vector<4000x128xf32>,
    return
  }
  func.func @transform_0(%arg0: i32) -> (i32, i32) {
    %c0_i32 = arith.constant 0 : i32
    %c0_i32_0 = arith.constant 0 : i32
    return %arg0, %c0_i32 : i32, i32
  }
  func.func @transform_1(%arg0: i32) -> (i32, i32) {
    %c0_i32 = arith.constant 0 : i32
    %c0_i32_0 = arith.constant 0 : i32
    return %arg0, %c0_i32 : i32, i32
  }
  func.func @transform_2(%arg0: i32) -> (i32, i32) {
    %c0_i32 = arith.constant 0 : i32
    %c0_i32_0 = arith.constant 0 : i32
    %c0_i32_1 = arith.constant 0 : i32
    return %c0_i32, %c0_i32_0 : i32, i32
  }
  func.func @transform_3(%arg0: i32) -> (i32, i32) {
    %c0_i32 = arith.constant 0 : i32
    %c0_i32_0 = arith.constant 0 : i32
    %c0_i32_1 = arith.constant 0 : i32
    return %c0_i32, %c0_i32_0 : i32, i32
  }
  func.func @transform_4(%arg0: i32) -> (i32, i32) {
    %c0_i32 = arith.constant 0 : i32
    %c0_i32_0 = arith.constant 0 : i32
    %c0_i32_1 = arith.constant 0 : i32
    return %c0_i32, %c0_i32_0 : i32, i32
  }
  func.func @transform_5(%arg0: i32) -> (i32, i32) {
    %c0_i32 = arith.constant 0 : i32
    %c0_i32_0 = arith.constant 0 : i32
    %c0_i32_1 = arith.constant 0 : i32
    return %c0_i32, %c0_i32_0 : i32, i32
  }
  func.func @transform_6(%arg0: i32) -> (i32, i32) {
    %c0_i32 = arith.constant 0 : i32
    %c0_i32_0 = arith.constant 0 : i32
    %c0_i32_1 = arith.constant 0 : i32
    return %c0_i32, %c0_i32_0 : i32, i32
  }
  func.func @transform_7(%arg0: i32) -> (i32, i32) {
    %c0_i32 = arith.constant 0 : i32
    %c0_i32_0 = arith.constant 0 : i32
    %c0_i32_1 = arith.constant 0 : i32
    return %c0_i32, %c0_i32_0 : i32, i32
  }
  func.func @transform_8(%arg0: i32) -> (i32, i32) {
    %c0_i32 = arith.constant 0 : i32
    %c0_i32_0 = arith.constant 0 : i32
    %c0_i32_1 = arith.constant 0 : i32
    return %c0_i32, %c0_i32_0 : i32, i32
  }
  func.func @transform_9(%arg0: i32) -> (i32, i32) {
    %c0_i32 = arith.constant 0 : i32
    %c0_i32_0 = arith.constant 0 : i32
    return %arg0, %c0_i32 : i32, i32
  }
}

</mosaic_0001>

<sc_bundles>
// kernel: kernel.12.cloned.1.call-start
scs
__scs_entry_jumppad:
0x0: {  	(pc) =	sbr.rel $0x88, $3  }
0x1: {  	(tag) =	ssettag $0x0;
	lr =	simm.s32 $0x1  }
0x2: {  	[smem:$0x3F91] =	sst lr;
	_ =	strace $0xD0000000  }
0x3: {  	_ = 	snop  }
0x4: {  	_ = 	snop  }
0x5: {  	_ = 	snop  }
0x6: {  	_ = 	snop  }
0x7: {  	_ = 	snop  }
__scs_overlays_trampoline_lowered:
0x8: {  	[smem:$0x3FA0] =	sst s0  }
0x9: {  	[smem:$0x3FA1] =	sst s1  }
0xa: {  	[smem:$0x3FA2] =	sst s2  }
0xb: {  	[smem:$0x3FA3] =	sst s3  }
0xc: {  	[smem:$0x3FA4] =	sst s4  }
0xd: {  	[smem:$0x3FA5] =	sst s5  }
0xe: {  	[smem:$0x3FA6] =	sst s6  }
0xf: {  	[smem:$0x3FA7] =	sst s7  }
0x10: {  	[smem:$0x3FA8] =	sst s8  }
0x11: {  	[smem:$0x3FA9] =	sst s9;
	s0 =	simm.s32 @!p0 $0x0  }
0x12: {  	s1 =	sld [smem:$0x3F8F];
	s0 =	simm.s32 @p0 $0x1  }
0x13: {  	[smem:$0x3FAA] =	sst s0;
	s0 =	simm.s32 @!p1 $0x0  }
0x14: {  	s2 =	sld [smem:$0x3F8E];
	s0 =	simm.s32 @p1 $0x1  }
0x15: {  	[smem:$0x3FAB] =	sst s0;
	s0 =	simm.s32 @!p2 $0x0  }
0x16: {  	s3 =	sld [smem:$0x3FDB];
	s0 =	simm.s32 @p2 $0x1  }
0x17: {  	s4 =	simm.s32 $0x1BF5;
	[smem:$0x3FAD] =	sst s0  }
0x18: {  	s0 =	sld [smem:$0x3F90];
	_ =	swait.ge [sflag:s4], $0x0  }
0x19: {  	s7 =	sld [smem:$0x3F91]  }
0x1a: {  	s8 =	sadd.s32 $0xFFFFE003, lr  }
0x1b: {  	s9 =	sadd.s32 $0xFFFFFEF7, lr;
	s5 =	simm.s32 $0xFFFFFFFF;
	p2 =	slt.u32 s8, $0xFFFFF086  }
0x1c: {  	p1 =	slt.u32 s9, $0xF7A;
	s5 =	simm.s32 @!p2 $0x0  }
0x1d: {  	s5 =	simm.s32 @p1 $0x1;
	p0 =	seq.s32 s7, s2  }
0x1e: {  	s7 =	smul.u32 @!p0 $0xF7A, s2;
	p2 =	seq.s32 @!p0 s5, $0x0  }
0x1f: {  	s9 =	smul.u32 $0xF7A, s1;
	s8 =	simm.s32 @!p0 $0x1BF5;
	p2 =	por !p2, p0  }
0x20: {  	[sflag:s8] =	ssyncset.s32 @!p0 $0xFFFFF086;
	s6 =	sadd.s32 @!p0 s3, s7;
	s7 =	simm.s32 @!p0 $0x108  }
0x21: {  	s3 =	sadd.s32 s3, s9;
	s6 =	sadd.s32 @!p0 $0x88, s6;
	s7 =	simm.s32 @p2 $0x1082  }
0x22: {  	[simem:s7], [sflag:s8] =	dma.local @!p0 [hbm:s6], $0xF7A  }
0x23: {  	s9 =	sor.u32 $0xD0000000, s2;
	s6 =	simm.s32 $0x108;
	_ =	swait.ge @!p0 [sflag:s8], $0x0  }
0x24: {  	s3 =	sadd.s32 $0x88, s3;
	s6 =	simm.s32 @!p1 $0x1082;
	[sflag:s4] =	ssyncset.s32 $0xFFFFF086  }
0x25: {  	[simem:s6], [sflag:s4] =	dma.local [hbm:s3], $0xF7A  }
0x26: {  	[smem:$0x3F91] =	sst s1;
	(tag) =	ssettag s2;
	_ =	strace s9  }
0x27: {  	s1 =	sld [smem:$0x3FA1]  }
0x28: {  	s2 =	sld [smem:$0x3FA2]  }
0x29: {  	s4 =	sld [smem:$0x3FA4]  }
0x2a: {  	p0 =	seq.s32 s5, $0x0;
	s5 =	sld [smem:$0x3FA5]  }
0x2b: {  	s6 =	sld [smem:$0x3FA6]  }
0x2c: {  	s7 =	sld [smem:$0x3FA7]  }
0x2d: {  	s3 =	simm.s32 $0x108;
	s8 =	sld [smem:$0x3FA8]  }
0x2e: {  	s3 =	simm.s32 @!p0 $0x1082;
	s9 =	sld [smem:$0x3FA9]  }
0x2f: {  	lr =	sadd.s32 s0, s3;
	s0 =	sld [smem:$0x3FA0]  }
0x30: {  	s3 =	sld [smem:$0x3FA3]  }
0x31: {  	[smem:$0x3FAC] =	sst s10  }
0x32: {  	s10 =	sld [smem:$0x3FAA];
	_ =	sdelay $0x3  }
0x33: {  	p0 =	seq.s32 s10, $0x1;
	s10 =	sld [smem:$0x3FAC];
	_ =	sdelay $0x3  }
0x34: {  	[smem:$0x3FAC] =	sst s10  }
0x35: {  	s10 =	sld [smem:$0x3FAB];
	_ =	sdelay $0x3  }
0x36: {  	p1 =	seq.s32 s10, $0x1;
	s10 =	sld [smem:$0x3FAC];
	_ =	sdelay $0x3  }
0x37: {  	[smem:$0x3FAC] =	sst s10  }
0x38: {  	s10 =	sld [smem:$0x3FAD]  }
0x39: {  	_ = 	snop;
	(pc) =	sbr.ind lr, $3  }
0x3a: {  	_ = 	snop  }
0x3b: {  	_ = 	snop  }
0x3c: {  	p2 =	seq.s32 s10, $0x1;
	s10 =	sld [smem:$0x3FAC]  }
0x3d: {  	_ =	shalt  }
0x3e: {  	_ =	shalt  }
0x3f: {  	_ =	shalt  }
0x40: {  	_ =	shalt  }
0x41: {  	_ =	shalt  }
0x42: {  	_ =	shalt  }
0x43: {  	_ =	shalt  }
0x44: {  	_ =	shalt  }
0x45: {  	_ =	shalt  }
0x46: {  	_ =	shalt  }
0x47: {  	_ =	shalt  }
0x48: {  	_ =	shalt  }
0x49: {  	_ =	shalt  }
0x4a: {  	_ =	shalt  }
0x4b: {  	_ =	shalt  }
0x4c: {  	_ =	shalt  }
0x4d: {  	_ =	shalt  }
0x4e: {  	_ =	shalt  }
0x4f: {  	_ =	shalt  }
0x50: {  	_ =	shalt  }
0x51: {  	_ =	shalt  }
0x52: {  	_ =	shalt  }
0x53: {  	_ =	shalt  }
0x54: {  	_ =	shalt  }
0x55: {  	_ =	shalt  }
0x56: {  	_ =	shalt  }
0x57: {  	_ =	shalt  }
0x58: {  	_ =	shalt  }
0x59: {  	_ =	shalt  }
0x5a: {  	_ =	shalt  }
0x5b: {  	_ =	shalt  }
0x5c: {  	_ =	shalt  }
0x5d: {  	_ =	shalt  }
0x5e: {  	_ =	shalt  }
0x5f: {  	_ =	shalt  }
0x60: {  	_ =	shalt  }
0x61: {  	_ =	shalt  }
0x62: {  	_ =	shalt  }
0x63: {  	_ =	shalt  }
0x64: {  	_ =	shalt  }
0x65: {  	_ =	shalt  }
0x66: {  	_ =	shalt  }
0x67: {  	_ =	shalt  }
0x68: {  	_ =	shalt  }
0x69: {  	_ =	shalt  }
0x6a: {  	_ =	shalt  }
0x6b: {  	_ =	shalt  }
0x6c: {  	_ =	shalt  }
0x6d: {  	_ =	shalt  }
0x6e: {  	_ =	shalt  }
0x6f: {  	_ =	shalt  }
0x70: {  	_ =	shalt  }
0x71: {  	_ =	shalt  }
0x72: {  	_ =	shalt  }
0x73: {  	_ =	shalt  }
0x74: {  	_ =	shalt  }
0x75: {  	_ =	shalt  }
0x76: {  	_ =	shalt  }
0x77: {  	_ =	shalt  }
0x78: {  	_ =	shalt  }
0x79: {  	_ =	shalt  }
0x7a: {  	_ =	shalt  }
0x7b: {  	_ =	shalt  }
0x7c: {  	_ =	shalt  }
0x7d: {  	_ =	shalt  }
0x7e: {  	_ =	shalt  }
0x7f: {  	_ =	shalt  }
0x80: {  	_ =	shalt  }
0x81: {  	_ =	shalt  }
0x82: {  	_ =	shalt  }
0x83: {  	_ =	shalt  }
0x84: {  	_ =	shalt  }
0x85: {  	_ =	shalt  }
0x86: {  	_ =	shalt  }
0x87: {  	_ =	shalt  }
.Lfunc_end0:
.L_simem_size_0:
called_computation.1_lowered:
.L_overlay_start_0:
0x88: {  	s2 =	sld [smem:$0x3FD9]  }
0x89: {  	s3 =	sld [smem:$0x3FFE];
	_ =	sdelay $0x1  }
0x8a: {  	s1 =	srdreg.scid  }
0x8b: {  	s0 =	sand.u32 $0x1, s1  }
0x8c: {  	s17 =	sshll.u32 s0, $0xA;
	s2 =	sadd.s32 s3, s2  }
0x8d: {  	s2 =	sadd.s32 s2, s17  }
0x8e: {  	[smem:$0x3FB8] =	sst s2  }
0x8f: {  	_ = 	snop  }
0x90: {  	s2 =	sld [smem:$0x3FC6];
	(tm) =	ssettm $0x1  }
0x91: {  	s18 =	sld [smem:$0x3FFB];
	_ =	sdelay $0x3  }
0x92: {  	_ =	strace s18  }
0x93: {  	s3 =	sld [smem:$0x3FFC];
	_ =	sdelay $0x3  }
0x94: {  	_ =	strace s3  }
0x95: {  	s3 =	sld [smem:$0x3FFD];
	_ =	sdelay $0x3  }
0x96: {  	_ =	strace s3  }
0x97: {  	_ =	strace $0x8FFFFFFF  }
0x98: {  	s19 =	sld [smem:$0x3FDB];
	_ =	sdelay $0x1  }
0x99: {  	s4 =	simm.s32 $_scs_section_size  }
0x9a: {  	s5 =	simm.s32 $_size__tile_overlayer_lowered;
	s6 =	simm.s32 $_tile_overlayer_lowered  }
0x9b: {  	s22 =	simm.s32 $0x1BFF;
	s21 =	sshll.u32 s6, $0x1;
	s3 =	sadd.s32 s4, s19  }
0x9c: {  	s7 =	simm.s32 $0x0;
	s20 =	sshll.u32 s5, $0x1;
	s5 =	sadd.s32 s21, s3  }
0x9d: {  	[timem:s7], [sflag:s22] =	dma.local [hbm:s5], s20  }
0x9e: {  	_ =	swait.ge [sflag:s22], s20  }
0x9f: {  	s4 =	ssub.s32 $0x0, s20;
	[sflag:s22] =	ssyncset.done $0x0  }
0xa0: {  	[sflag:s22] =	ssyncadd.s32 s4;
	_ =	sdelay $0x1  }
0xa1: {  	s23 =	simm.s32 $0x1B8B  }
0xa2: {  	_ =	swait.ge [sflag:s23], $0x1  }
0xa3: {  	[sflag:s23] =	ssyncset.done $0x0  }
0xa4: {  	s25 =	simm.s32 $0x1B8E;
	s24 =	sld [smem:$0x3FFE];
	[sflag:s23] =	ssyncadd.s32 $0xFFFFFFFF  }
0xa5: {  	s26 =	simm.s32 $execute0_lowered;
	[smem:$0x3FD2] =	sst s25  }
0xa6: {  	s5 =	sshll.u32 s26, $0x1;
	_ =	strace $0x80000046;
	[dreg:$0x1] =	wrdreg $0xFFFFFFFF  }
0xa7: {  	s28 =	simm.s32 $_size_execute0_lowered;
	s3 =	sadd.s32 s3, s5;
	[dreg:$0x0] =	wrdreg $0x0  }
0xa8: {  	s5 =	sshll.u32 s28, $0x1;
	[dreg:$0x2] =	wrdreg s3  }
0xa9: {  	[dreg:$0x3] =	wrdreg s5  }
0xaa: {  	[dreg:$0x4] =	wrdreg $0xC0  }
0xab: {  	_ =	task [dreg:s7], $0x5FFFF  }
0xac: {  	[dreg:$0x1] =	wrdreg $0xFFFFFFFF  }
0xad: {  	[dreg:$0x0] =	wrdreg $0x60  }
0xae: {  	[dreg:$0x2] =	wrdreg s24  }
0xaf: {  	[dreg:$0x3] =	wrdreg s2  }
0xb0: {  	[dreg:$0x4] =	wrdreg $0x9  }
0xb1: {  	_ =	task.clear_ibuf [dreg:s7], $0x5FFFF;
	_ =	strace $0x90000046  }
0xb2: {  	s29 =	simm.s32 $0x9;
	_ =	strace $0x80000048  }
0xb3: {  	_ =	swait.ge [sflag:s29], $0x1  }
0xb4: {  	[sflag:s29] =	ssyncadd.s32 $0xFFFFFFFF  }
0xb5: {  	_ =	strace $0x90000048  }
0xb6: {  	_ =	sfence  }
0xb7: {  	s30 =	sld [smem:$0x0];
	_ =	sdelay $0x2  }
0xb8: {  	s31 =	sshll.u32 s1, $0xD;
	s1 =	sshrl.u32 s1, $0x2  }
0xb9: {  	s3 =	sand.u32 $0x4000, s31;
	s1 =	sadd.s32 s1, s30  }
0xba: {  	s0 =	sor.u32 s3, s0;
	s1 =	sshll.u32 s1, $0x11  }
0xbb: {  	s0 =	sor.u32 s1, s0  }
0xbc: {  	s0 =	sadd.s32 $0x8F2B, s0  }
0xbd: {  	[sflag:s0] =	ssyncadd.remote.s32 $0x1  }
0xbe: {  	_ =	sfence.sel $0xFFFF  }
0xbf: {  	[dreg:$0x0] =	wrdreg $0xFFFFFFFF;
	(pc) =	sbr.abs _section_cstart, $3  }
0xc0: {  	[dreg:$0x1] =	wrdreg $0xFFFFFFFF  }
0xc1: {  	_ =	task.clear_ibuf [dreg:s7], $0x2FFFF;
	_ =	strace $0x9FFFFFFF  }
0xc2: {  	(tm) =	ssettm $0x7FFFFFFF  }
0xc3: {  	_ =	shalt  }
tec
execute0_lowered:
.L_overlay_start_1:
0x0: {  	(tag) =	ssettag $0x1  }
0x1: {  	s3 =	rddreg [dreg:$0x0]  }
0x2: {  	s5 =	rddreg [dreg:$0x1]  }
0x3: {  	s2 =	srdreg.scid;
	s1 =	stileid.u32  }
0x4: {  	s0 =	rddreg [dreg:$0x2];
	s6 =	smul.u32 $0x19000, s1  }
0x5: {  	s4 =	sand.u32 $0x1, s2;
	s2 =	simm.s32 $0x0;
	s31 =	smul.u32 $0x64, s1  }
0x6: {  	s7 =	smul.u32 $0x30D40, s4;
	s8 =	sshll.u32 s4, $0x5;
	s4 =	ssub.s32 $0x2, s4  }
0x7: {  	[smem:$0x7FF] =	sst s2;
	s6 =	sor.u32 s8, s6;
	s30 =	sshrl.u32 s4, $0x1  }
0x8: {  	_ =	strace $0x80000047;
	s5 =	sadd.s32 s31, s5;
	s6 =	sshrl.u32 s6, $0x3  }
0x9: {  	s7 =	sadd.s32 s7, s3;
	s4 =	ssub.s32 s4, s30;
	s6 =	sadd.s32 s6, s3  }
0xa: {  	s3 =	sadd.s32 $0x1F1200, s7;
	s4 =	smax.u32 s4, $0x1;
	s6 =	sadd.s32 $0x252E00, s6  }
.LBB2_1:
0xb: {  	s7 =	sadd.s32 $0x0, s1  }
0xc: {  	p0 =	sgt.u32 s7, $0x3E7  }
0xd: {  	s7 =	simm.s32 @!p0 $0x0;
	s8 =	simm.s32 @!p0 $0x3  }
0xe: {  	[tilespmem:s7], [sflag:$0x3] =	stream.linear.gather @!p0 [hbm4b:s5+s7], $0x320, $0x38;
	[tilespmem:$0x6720] =	vst v63  }
0xf: {  	_ =	swait.ge @!p0 [sflag:s8], $0x320  }
0x10: {  	[sflag:s8] =	ssyncset.done @!p0 $0x0;
	p0 =	por p0, p0  }
0x11: {  	[sflag:s8] =	ssyncadd.s32 @!p0 $0xFFFFFCE0;
	s9 =	simm.s32 @!p0 $0x320;
	s11 =	simm.s32 @!p0 $0x1  }
0x12: {  	[tilespmem:s9], [sflag:$0x1] =	stream.indirect.gather @!p0 [hbm4b:s3+s9], $0x20, s7, s9, $0xb8;
	[tilespmem:$0x6720] =	vst v63  }
0x13: {  	_ =	swait.ge @!p0 [sflag:s11], $0x6400  }
0x14: {  	s31 =	sadd.s32 $0x10, s1;
	s10 =	simm.s32 @!p0 $0x2;
	[sflag:s11] =	ssyncset.done @!p0 $0x0  }
0x15: {  	s7 =	simm.s32 @!p0 $0x20;
	[sflag:s11] =	ssyncadd.s32 @!p0 $0xFFFF9C00;
	s11 =	simm.s32 @!p0 $0x80  }
0x16: {  	[hbm4b:s6+s7] =	stream.strided.scatter @!p0 [tilespmem:s9], [sflag:$0x2], $0x6400, s11, s7, $0x38;
	[tilespmem:$0x6720] =	vst v63  }
0x17: {  	p1 =	sgt.u32 s31, $0x3E7;
	s8 =	simm.s32 $0x20;
	_ =	swait.ge @!p0 [sflag:s10], $0x6400  }
0x18: {  	s7 =	sadd.s32 $0x32000, s6;
	s9 =	sadd.s32 $0x640, s5;
	[sflag:s10] =	ssyncset.done @!p0 $0x0  }
.LBB2_2:
0x19: {  	s11 =	simm.s32 @!p1 $0x0;
	s12 =	simm.s32 @!p1 $0x3;
	[sflag:s10] =	ssyncadd.s32 @!p0 $0xFFFF9C00  }
0x1a: {  	[tilespmem:s11], [sflag:$0x3] =	stream.linear.gather @!p1 [hbm4b:s9+s11], $0x320, $0x38;
	[tilespmem:$0x6720] =	vst v63  }
0x1b: {  	s13 =	smov.u32 s8;
	s8 =	sadd.s32 $0x10, s8;
	_ =	swait.ge @!p1 [sflag:s12], $0x320  }
0x1c: {  	p0 =	por p1, p1;
	p2 =	sne.s32 s8, $0x3F0;
	[sflag:s12] =	ssyncset.done @!p1 $0x0  }
0x1d: {  	s14 =	simm.s32 @!p0 $0x1;
	[sflag:s12] =	ssyncadd.s32 @!p0 $0xFFFFFCE0;
	s12 =	simm.s32 @!p0 $0x320  }
0x1e: {  	[tilespmem:s12], [sflag:$0x1] =	stream.indirect.gather @!p0 [hbm4b:s3+s12], $0x20, s11, s12, $0xb8;
	[tilespmem:$0x6720] =	vst v63  }
0x1f: {  	_ =	swait.ge @!p0 [sflag:s14], $0x6400  }
.Ltmp0:
0x20: {  	s10 =	simm.s32 @!p0 $0x2;
	[sflag:s14] =	ssyncset.done @!p0 $0x0;
	(pc) =	sbr.rel @p2 .LBB2_2-.Ltmp0, $4  }
0x21: {  	s11 =	simm.s32 @!p0 $0x20;
	[sflag:s14] =	ssyncadd.s32 @!p0 $0xFFFF9C00;
	s14 =	simm.s32 @!p0 $0x80  }
0x22: {  	[hbm4b:s7+s11] =	stream.strided.scatter @!p0 [tilespmem:s12], [sflag:$0x2], $0x6400, s14, s11, $0x38;
	[tilespmem:$0x6720] =	vst v63  }
0x23: {  	s11 =	sadd.s32 s13, s1;
	s7 =	sadd.s32 $0x32000, s7;
	_ =	swait.ge @!p0 [sflag:s10], $0x6400  }
0x24: {  	s9 =	sadd.s32 $0x640, s9;
	p1 =	sgt.u32 s11, $0x3E7;
	[sflag:s10] =	ssyncset.done @!p0 $0x0  }
0x25: {  	s8 =	simm.s32 @!p1 $0x0;
	s11 =	simm.s32 @!p1 $0x3;
	[sflag:s10] =	ssyncadd.s32 @!p0 $0xFFFF9C00  }
0x26: {  	[tilespmem:s8], [sflag:$0x3] =	stream.linear.gather @!p1 [hbm4b:s9+s8], $0x320, $0x38;
	[tilespmem:$0x6720] =	vst v63  }
0x27: {  	_ =	swait.ge @!p1 [sflag:s11], $0x320  }
0x28: {  	p0 =	por p1, p1;
	s2 =	sadd.s32 $0x1, s2;
	[sflag:s11] =	ssyncset.done @!p1 $0x0  }
0x29: {  	s9 =	simm.s32 @!p0 $0x320;
	s10 =	simm.s32 @!p0 $0x1;
	[sflag:s11] =	ssyncadd.s32 @!p0 $0xFFFFFCE0  }
0x2a: {  	[tilespmem:s9], [sflag:$0x1] =	stream.indirect.gather @!p0 [hbm4b:s3+s9], $0x20, s8, s9, $0xb8;
	[tilespmem:$0x6720] =	vst v63  }
0x2b: {  	p1 =	sne.s32 s2, s4;
	_ =	swait.ge @!p0 [sflag:s10], $0x6400  }
0x2c: {  	s11 =	simm.s32 @!p0 $0x80;
	s8 =	simm.s32 @!p0 $0x2;
	[sflag:s10] =	ssyncset.done @!p0 $0x0  }
.Ltmp1:
0x2d: {  	[sflag:s10] =	ssyncadd.s32 @!p0 $0xFFFF9C00;
	s10 =	simm.s32 @!p0 $0x20;
	(pc) =	sbr.rel @p1 .LBB2_1-.Ltmp1, $4  }
0x2e: {  	[hbm4b:s7+s10] =	stream.strided.scatter @!p0 [tilespmem:s9], [sflag:$0x2], $0x6400, s11, s10, $0x38;
	[tilespmem:$0x6720] =	vst v63  }
0x2f: {  	_ =	swait.ge @!p0 [sflag:s8], $0x6400  }
0x30: {  	[sflag:s8] =	ssyncset.done @!p0 $0x0  }
0x31: {  	[sflag:s8] =	ssyncadd.s32 @!p0 $0xFFFF9C00  }
0x32: {  	_ =	sfence.sel $0x180000  }
0x33: {  	[bflag:$0x0] =	sbarrier.arrive $0xFFFF  }
0x34: {  	p0 =	sne.s32 s1, $0x0;
	_ =	strace $0x90000047  }
0x35: {  	s0 =	sadd.s32 @!p0 $0x100000, s0;
	[bflag:$0x2] =	sbarrier.arrive $0xFFFF  }
0x36: {  	[sflag:s0] =	ssyncadd.tile.s32 @!p0 $0x1;
	_ =	shalt  }
.Lfunc_end2:
_tile_overlayer_lowered:
.L_overlay_start_2:
0x37: {  	(tag) =	ssettag $0x2  }
0x38: {  	s0 =	rddreg [dreg:$0x0];
	s2 =	stileid.u32  }
0x39: {  	s1 =	rddreg [dreg:$0x1];
	p0 =	sne.s32 s2, $0x0  }
0x3a: {  	s3 =	rddreg [dreg:$0x2];
	[bflag:$0x3] =	sbarrier.arrive $0xFFFF;
	s2 =	simm.s32 @!p0 $0x1C02  }
0x3b: {  	[timem:s3], [sflag:s2] =	dma.local @!p0 [hbm:s0], s1  }
0x3c: {  	s0 =	simm.s32 @!p0 $0x2  }
0x3d: {  	_ =	swait.ge @!p0 [sflag:s0], s1  }
0x3e: {  	s1 =	ssub.s32 @!p0 $0x0, s1;
	[sflag:s0] =	ssyncset.done @!p0 $0x0  }
0x3f: {  	[sflag:s0] =	ssyncadd.s32 @!p0 s1  }
0x40: {  	[bflag:$0x3] =	sbarrier.arrive $0xFFFF  }
0x41: {  	_ =	shalt  }

// kernel: kernel.15.cloned.1.call-start
scs
__scs_entry_jumppad:
0x0: {  	(pc) =	sbr.rel $0x88, $3  }
0x1: {  	(tag) =	ssettag $0x0;
	lr =	simm.s32 $0x1  }
0x2: {  	[smem:$0x3F91] =	sst lr;
	_ =	strace $0xD0000000  }
0x3: {  	_ = 	snop  }
0x4: {  	_ = 	snop  }
0x5: {  	_ = 	snop  }
0x6: {  	_ = 	snop  }
0x7: {  	_ = 	snop  }
__scs_overlays_trampoline_lowered:
0x8: {  	[smem:$0x3FA0] =	sst s0  }
0x9: {  	[smem:$0x3FA1] =	sst s1  }
0xa: {  	[smem:$0x3FA2] =	sst s2  }
0xb: {  	[smem:$0x3FA3] =	sst s3  }
0xc: {  	[smem:$0x3FA4] =	sst s4  }
0xd: {  	[smem:$0x3FA5] =	sst s5  }
0xe: {  	[smem:$0x3FA6] =	sst s6  }
0xf: {  	[smem:$0x3FA7] =	sst s7  }
0x10: {  	[smem:$0x3FA8] =	sst s8  }
0x11: {  	[smem:$0x3FA9] =	sst s9;
	s0 =	simm.s32 @!p0 $0x0  }
0x12: {  	s1 =	sld [smem:$0x3F8F];
	s0 =	simm.s32 @p0 $0x1  }
0x13: {  	[smem:$0x3FAA] =	sst s0;
	s0 =	simm.s32 @!p1 $0x0  }
0x14: {  	s2 =	sld [smem:$0x3F8E];
	s0 =	simm.s32 @p1 $0x1  }
0x15: {  	[smem:$0x3FAB] =	sst s0;
	s0 =	simm.s32 @!p2 $0x0  }
0x16: {  	s3 =	sld [smem:$0x3FDB];
	s0 =	simm.s32 @p2 $0x1  }
0x17: {  	s4 =	simm.s32 $0x1BF5;
	[smem:$0x3FAD] =	sst s0  }
0x18: {  	s0 =	sld [smem:$0x3F90];
	_ =	swait.ge [sflag:s4], $0x0  }
0x19: {  	s7 =	sld [smem:$0x3F91]  }
0x1a: {  	s8 =	sadd.s32 $0xFFFFE003, lr  }
0x1b: {  	s9 =	sadd.s32 $0xFFFFFEF7, lr;
	s5 =	simm.s32 $0xFFFFFFFF;
	p2 =	slt.u32 s8, $0xFFFFF086  }
0x1c: {  	p1 =	slt.u32 s9, $0xF7A;
	s5 =	simm.s32 @!p2 $0x0  }
0x1d: {  	s5 =	simm.s32 @p1 $0x1;
	p0 =	seq.s32 s7, s2  }
0x1e: {  	s7 =	smul.u32 @!p0 $0xF7A, s2;
	p2 =	seq.s32 @!p0 s5, $0x0  }
0x1f: {  	s9 =	smul.u32 $0xF7A, s1;
	s8 =	simm.s32 @!p0 $0x1BF5;
	p2 =	por !p2, p0  }
0x20: {  	[sflag:s8] =	ssyncset.s32 @!p0 $0xFFFFF086;
	s6 =	sadd.s32 @!p0 s3, s7;
	s7 =	simm.s32 @!p0 $0x108  }
0x21: {  	s3 =	sadd.s32 s3, s9;
	s6 =	sadd.s32 @!p0 $0x88, s6;
	s7 =	simm.s32 @p2 $0x1082  }
0x22: {  	[simem:s7], [sflag:s8] =	dma.local @!p0 [hbm:s6], $0xF7A  }
0x23: {  	s9 =	sor.u32 $0xD0000000, s2;
	s6 =	simm.s32 $0x108;
	_ =	swait.ge @!p0 [sflag:s8], $0x0  }
0x24: {  	s3 =	sadd.s32 $0x88, s3;
	s6 =	simm.s32 @!p1 $0x1082;
	[sflag:s4] =	ssyncset.s32 $0xFFFFF086  }
0x25: {  	[simem:s6], [sflag:s4] =	dma.local [hbm:s3], $0xF7A  }
0x26: {  	[smem:$0x3F91] =	sst s1;
	(tag) =	ssettag s2;
	_ =	strace s9  }
0x27: {  	s1 =	sld [smem:$0x3FA1]  }
0x28: {  	s2 =	sld [smem:$0x3FA2]  }
0x29: {  	s4 =	sld [smem:$0x3FA4]  }
0x2a: {  	p0 =	seq.s32 s5, $0x0;
	s5 =	sld [smem:$0x3FA5]  }
0x2b: {  	s6 =	sld [smem:$0x3FA6]  }
0x2c: {  	s7 =	sld [smem:$0x3FA7]  }
0x2d: {  	s3 =	simm.s32 $0x108;
	s8 =	sld [smem:$0x3FA8]  }
0x2e: {  	s3 =	simm.s32 @!p0 $0x1082;
	s9 =	sld [smem:$0x3FA9]  }
0x2f: {  	lr =	sadd.s32 s0, s3;
	s0 =	sld [smem:$0x3FA0]  }
0x30: {  	s3 =	sld [smem:$0x3FA3]  }
0x31: {  	[smem:$0x3FAC] =	sst s10  }
0x32: {  	s10 =	sld [smem:$0x3FAA];
	_ =	sdelay $0x3  }
0x33: {  	p0 =	seq.s32 s10, $0x1;
	s10 =	sld [smem:$0x3FAC];
	_ =	sdelay $0x3  }
0x34: {  	[smem:$0x3FAC] =	sst s10  }
0x35: {  	s10 =	sld [smem:$0x3FAB];
	_ =	sdelay $0x3  }
0x36: {  	p1 =	seq.s32 s10, $0x1;
	s10 =	sld [smem:$0x3FAC];
	_ =	sdelay $0x3  }
0x37: {  	[smem:$0x3FAC] =	sst s10  }
0x38: {  	s10 =	sld [smem:$0x3FAD]  }
0x39: {  	_ = 	snop;
	(pc) =	sbr.ind lr, $3  }
0x3a: {  	_ = 	snop  }
0x3b: {  	_ = 	snop  }
0x3c: {  	p2 =	seq.s32 s10, $0x1;
	s10 =	sld [smem:$0x3FAC]  }
0x3d: {  	_ =	shalt  }
0x3e: {  	_ =	shalt  }
0x3f: {  	_ =	shalt  }
0x40: {  	_ =	shalt  }
0x41: {  	_ =	shalt  }
0x42: {  	_ =	shalt  }
0x43: {  	_ =	shalt  }
0x44: {  	_ =	shalt  }
0x45: {  	_ =	shalt  }
0x46: {  	_ =	shalt  }
0x47: {  	_ =	shalt  }
0x48: {  	_ =	shalt  }
0x49: {  	_ =	shalt  }
0x4a: {  	_ =	shalt  }
0x4b: {  	_ =	shalt  }
0x4c: {  	_ =	shalt  }
0x4d: {  	_ =	shalt  }
0x4e: {  	_ =	shalt  }
0x4f: {  	_ =	shalt  }
0x50: {  	_ =	shalt  }
0x51: {  	_ =	shalt  }
0x52: {  	_ =	shalt  }
0x53: {  	_ =	shalt  }
0x54: {  	_ =	shalt  }
0x55: {  	_ =	shalt  }
0x56: {  	_ =	shalt  }
0x57: {  	_ =	shalt  }
0x58: {  	_ =	shalt  }
0x59: {  	_ =	shalt  }
0x5a: {  	_ =	shalt  }
0x5b: {  	_ =	shalt  }
0x5c: {  	_ =	shalt  }
0x5d: {  	_ =	shalt  }
0x5e: {  	_ =	shalt  }
0x5f: {  	_ =	shalt  }
0x60: {  	_ =	shalt  }
0x61: {  	_ =	shalt  }
0x62: {  	_ =	shalt  }
0x63: {  	_ =	shalt  }
0x64: {  	_ =	shalt  }
0x65: {  	_ =	shalt  }
0x66: {  	_ =	shalt  }
0x67: {  	_ =	shalt  }
0x68: {  	_ =	shalt  }
0x69: {  	_ =	shalt  }
0x6a: {  	_ =	shalt  }
0x6b: {  	_ =	shalt  }
0x6c: {  	_ =	shalt  }
0x6d: {  	_ =	shalt  }
0x6e: {  	_ =	shalt  }
0x6f: {  	_ =	shalt  }
0x70: {  	_ =	shalt  }
0x71: {  	_ =	shalt  }
0x72: {  	_ =	shalt  }
0x73: {  	_ =	shalt  }
0x74: {  	_ =	shalt  }
0x75: {  	_ =	shalt  }
0x76: {  	_ =	shalt  }
0x77: {  	_ =	shalt  }
0x78: {  	_ =	shalt  }
0x79: {  	_ =	shalt  }
0x7a: {  	_ =	shalt  }
0x7b: {  	_ =	shalt  }
0x7c: {  	_ =	shalt  }
0x7d: {  	_ =	shalt  }
0x7e: {  	_ =	shalt  }
0x7f: {  	_ =	shalt  }
0x80: {  	_ =	shalt  }
0x81: {  	_ =	shalt  }
0x82: {  	_ =	shalt  }
0x83: {  	_ =	shalt  }
0x84: {  	_ =	shalt  }
0x85: {  	_ =	shalt  }
0x86: {  	_ =	shalt  }
0x87: {  	_ =	shalt  }
.Lfunc_end0:
.L_simem_size_0:
called_computation.2_lowered:
.L_overlay_start_0:
0x88: {  	s2 =	sld [smem:$0x3FD9]  }
0x89: {  	s3 =	sld [smem:$0x3FFE];
	_ =	sdelay $0x1  }
0x8a: {  	s1 =	srdreg.scid  }
0x8b: {  	s0 =	sand.u32 $0x1, s1  }
0x8c: {  	s17 =	sshll.u32 s0, $0xA;
	s2 =	sadd.s32 s3, s2  }
0x8d: {  	s2 =	sadd.s32 s2, s17  }
0x8e: {  	[smem:$0x3FB8] =	sst s2  }
0x8f: {  	_ = 	snop  }
0x90: {  	s2 =	sld [smem:$0x3FC5];
	(tm) =	ssettm $0x1  }
0x91: {  	s18 =	sld [smem:$0x3FFB];
	_ =	sdelay $0x3  }
0x92: {  	_ =	strace s18  }
0x93: {  	s3 =	sld [smem:$0x3FFC];
	_ =	sdelay $0x3  }
0x94: {  	_ =	strace s3  }
0x95: {  	s3 =	sld [smem:$0x3FFD];
	_ =	sdelay $0x3  }
0x96: {  	_ =	strace s3  }
0x97: {  	_ =	strace $0x8FFFFFFF  }
0x98: {  	s19 =	sld [smem:$0x3FDB];
	_ =	sdelay $0x1  }
0x99: {  	s4 =	simm.s32 $_scs_section_size  }
0x9a: {  	s5 =	simm.s32 $_size__tile_overlayer_lowered;
	s6 =	simm.s32 $_tile_overlayer_lowered  }
0x9b: {  	s22 =	simm.s32 $0x1BFF;
	s21 =	sshll.u32 s6, $0x1;
	s3 =	sadd.s32 s4, s19  }
0x9c: {  	s7 =	simm.s32 $0x0;
	s20 =	sshll.u32 s5, $0x1;
	s5 =	sadd.s32 s21, s3  }
0x9d: {  	[timem:s7], [sflag:s22] =	dma.local [hbm:s5], s20  }
0x9e: {  	_ =	swait.ge [sflag:s22], s20  }
0x9f: {  	s4 =	ssub.s32 $0x0, s20;
	[sflag:s22] =	ssyncset.done $0x0  }
0xa0: {  	[sflag:s22] =	ssyncadd.s32 s4;
	_ =	sdelay $0x1  }
0xa1: {  	s23 =	simm.s32 $0x1B8B  }
0xa2: {  	_ =	swait.ge [sflag:s23], $0x1  }
0xa3: {  	[sflag:s23] =	ssyncset.done $0x0  }
0xa4: {  	s25 =	simm.s32 $0x1B8E;
	s24 =	sld [smem:$0x3FFE];
	[sflag:s23] =	ssyncadd.s32 $0xFFFFFFFF  }
0xa5: {  	s26 =	simm.s32 $execute0_lowered;
	[smem:$0x3FD2] =	sst s25  }
0xa6: {  	s5 =	sshll.u32 s26, $0x1;
	_ =	strace $0x80000049;
	[dreg:$0x1] =	wrdreg $0xFFFFFFFF  }
0xa7: {  	s28 =	simm.s32 $_size_execute0_lowered;
	s3 =	sadd.s32 s3, s5;
	[dreg:$0x0] =	wrdreg $0x0  }
0xa8: {  	s5 =	sshll.u32 s28, $0x1;
	[dreg:$0x2] =	wrdreg s3  }
0xa9: {  	[dreg:$0x3] =	wrdreg s5  }
0xaa: {  	[dreg:$0x4] =	wrdreg $0xC0  }
0xab: {  	_ =	task [dreg:s7], $0x5FFFF  }
0xac: {  	[dreg:$0x1] =	wrdreg $0xFFFFFFFF  }
0xad: {  	[dreg:$0x0] =	wrdreg $0x60  }
0xae: {  	[dreg:$0x2] =	wrdreg s24  }
0xaf: {  	[dreg:$0x3] =	wrdreg s2  }
0xb0: {  	[dreg:$0x4] =	wrdreg $0x67200  }
0xb1: {  	[dreg:$0x5] =	wrdreg $0x9  }
0xb2: {  	_ =	task.clear_ibuf [dreg:s7], $0x6FFFF;
	_ =	strace $0x90000049  }
0xb3: {  	s29 =	simm.s32 $0x9;
	_ =	strace $0x8000004B  }
0xb4: {  	_ =	swait.ge [sflag:s29], $0x1  }
0xb5: {  	[sflag:s29] =	ssyncadd.s32 $0xFFFFFFFF  }
0xb6: {  	_ =	strace $0x9000004B  }
0xb7: {  	_ =	sfence  }
0xb8: {  	s30 =	sld [smem:$0x0];
	_ =	sdelay $0x2  }
0xb9: {  	s31 =	sshll.u32 s1, $0xD;
	s1 =	sshrl.u32 s1, $0x2  }
0xba: {  	s3 =	sand.u32 $0x4000, s31;
	s1 =	sadd.s32 s1, s30  }
0xbb: {  	s0 =	sor.u32 s3, s0;
	s1 =	sshll.u32 s1, $0x11  }
0xbc: {  	s0 =	sor.u32 s1, s0  }
0xbd: {  	s0 =	sadd.s32 $0x8F2B, s0  }
0xbe: {  	[sflag:s0] =	ssyncadd.remote.s32 $0x1  }
0xbf: {  	_ =	sfence.sel $0xFFFF  }
0xc0: {  	[dreg:$0x0] =	wrdreg $0xFFFFFFFF;
	(pc) =	sbr.abs _section_cstart, $3  }
0xc1: {  	[dreg:$0x1] =	wrdreg $0xFFFFFFFF  }
0xc2: {  	_ =	task.clear_ibuf [dreg:s7], $0x2FFFF;
	_ =	strace $0x9FFFFFFF  }
0xc3: {  	(tm) =	ssettm $0x7FFFFFFF  }
tec
execute0_lowered:
.L_overlay_start_1:
0x0: {  	(tag) =	ssettag $0x1  }
0x1: {  	s4 =	rddreg [dreg:$0x0]  }
0x2: {  	s10 =	rddreg [dreg:$0x1]  }
0x3: {  	s0 =	srdreg.scid;
	s1 =	stileid.u32  }
0x4: {  	s2 =	rddreg [dreg:$0x2];
	s3 =	simm.s32 $0x0;
	s6 =	smul.u32 $0x19000, s1  }
0x5: {  	s5 =	sand.u32 $0x1, s0;
	s0 =	rddreg [dreg:$0x3];
	s9 =	smul.u32 $0x7D00, s1  }
0x6: {  	[smem:$0x7FF] =	sst s3;
	s13 =	sadd.s32 $0xCEE00, s4;
	s31 =	smul.u32 $0x64, s1  }
0x7: {  	p0 =	sne.s32 s1, $0x0;
	p1 =	sgt.u32 s1, $0x1;
	s8 =	smul.u32 $0x30D40, s5  }
0x8: {  	s7 =	sshll.u32 s5, $0x5;
	s21 =	smul.u32 $0x186A00, s5;
	s5 =	ssub.s32 $0x2, s5  }
0x9: {  	_ =	strace $0x8000004A;
	s6 =	sor.u32 s7, s6;
	s23 =	sshrl.u32 s5, $0x1  }
0xa: {  	s25 =	sadd.s32 $0x7D000, s9;
	s15 =	sadd.s32 s9, s2;
	s28 =	sadd.s32 $0xFA000, s9  }
0xb: {  	s10 =	sadd.s32 s31, s10;
	s6 =	sshrl.u32 s6, $0x3;
	s22 =	sadd.s32 s8, s4  }
0xc: {  	s12 =	sadd.s32 s9, s21;
	s14 =	ssub.s32 s5, s23;
	s26 =	sadd.s32 s21, s25  }
0xd: {  	s16 =	sadd.s32 s21, s28;
	s9 =	sadd.s32 $0x177000, s9;
	s18 =	sadd.s32 s25, s2  }
0xe: {  	s30 =	sadd.s32 s28, s2;
	s11 =	sadd.s32 s6, s4;
	s24 =	sshrl.u32 s12, $0x3  }
0xf: {  	s4 =	sadd.s32 $0x6D200, s22;
	s6 =	sshrl.u32 s26, $0x3;
	s16 =	sshrl.u32 s16, $0x3  }
0x10: {  	s17 =	sadd.s32 s21, s9;
	s12 =	sshrl.u32 @!p0 s2, $0x3;
	s5 =	sadd.s32 s13, s24  }
0x11: {  	s6 =	sadd.s32 s13, s6;
	s7 =	sadd.s32 s13, s16;
	s29 =	sshrl.u32 s17, $0x3  }
0x12: {  	s17 =	sadd.s32 s9, s2;
	s9 =	smax.u32 s14, $0x1;
	s11 =	sadd.s32 $0xE87E00, s11  }
0x13: {  	s14 =	simm.s32 $0x1;
	s16 =	sshrl.u32 s30, $0x3;
	s8 =	sadd.s32 s13, s29  }
0x14: {  	s13 =	sshrl.u32 s15, $0x3;
	s15 =	sshrl.u32 s18, $0x3;
	s17 =	sshrl.u32 @!p1 s17, $0x3  }
.LBB2_1:
0x15: {  	s18 =	simm.s32 @!p0 $0x1C01  }
0x16: {  	[spmem:s12], [sflag:s18] =	dma.local @!p0 [hbm:s4], $0x30D40  }
0x17: {  	s18 =	simm.s32 @!p0 $0x1  }
0x18: {  	_ =	swait.ge @!p0 [sflag:s18], $0x30D40  }
0x19: {  	s19 =	sadd.s32 $0x0, s1;
	[sflag:s18] =	ssyncset.done @!p0 $0x0  }
0x1a: {  	p2 =	sgt.u32 s19, $0x3E7;
	[sflag:s18] =	ssyncadd.s32 @!p0 $0xFFFCF2C0  }
0x1b: {  	s20 =	simm.s32 @!p2 $0x2;
	s18 =	simm.s32 @!p2 $0x0;
	[bflag:$0x0] =	sbarrier.arrive $0xFFFF  }
0x1c: {  	[tilespmem:s18], [sflag:$0x2] =	stream.linear.gather @!p2 [hbm4b:s10+s18], $0x320, $0x38;
	[tilespmem:$0x1EDC0] =	vst v63  }
0x1d: {  	_ =	swait.ge @!p2 [sflag:s20], $0x320  }
0x1e: {  	s22 =	simm.s32 @!p2 $0x320;
	[sflag:s20] =	ssyncset.done @!p2 $0x0  }
0x1f: {  	s19 =	simm.s32 @!p2 $0x20;
	s21 =	simm.s32 @!p2 $0x80;
	[sflag:s20] =	ssyncadd.s32 @!p2 $0xFFFFFCE0  }
0x20: {  	[tilespmem:s22], [sflag:$0x2] =	stream.strided.gather @!p2 [hbm4b:s11+s19], $0x6400, s21, s19, $0x38;
	[tilespmem:$0x1EDC0] =	vst v63  }
0x21: {  	p3 =	por p2, p2;
	_ =	swait.ge @!p2 [sflag:s20], $0x6400  }
0x22: {  	[sflag:s20] =	ssyncset.done @!p3 $0x0  }
0x23: {  	s31 =	sadd.s32 $0x10, s1;
	s21 =	simm.s32 @!p3 $0x1;
	[sflag:s20] =	ssyncadd.s32 @!p3 $0xFFFF9C00  }
0x24: {  	[spmem:s2] =	stream.indirect.scatter.add.f32 @!p3 [tilespmem:s22], [sflag:$0x1], $0x20, s18, s22, $0xb8;
	[tilespmem:$0x1EDC0] =	vst v63  }
0x25: {  	s19 =	simm.s32 $0x20;
	p2 =	sgt.u32 s31, $0x3E7;
	_ =	swait.ge @!p3 [sflag:s21], $0x6400  }
0x26: {  	s20 =	sadd.s32 $0x640, s10;
	s18 =	sadd.s32 $0x32000, s11;
	[sflag:s21] =	ssyncset.done @!p3 $0x0  }
.LBB2_2:
0x27: {  	s22 =	simm.s32 @!p2 $0x0;
	s23 =	simm.s32 @!p2 $0x2;
	[sflag:s21] =	ssyncadd.s32 @!p3 $0xFFFF9C00  }
0x28: {  	[tilespmem:s22], [sflag:$0x2] =	stream.linear.gather @!p2 [hbm4b:s20+s22], $0x320, $0x38;
	[tilespmem:$0x1EDC0] =	vst v63  }
0x29: {  	s24 =	smov.u32 s19;
	s19 =	sadd.s32 $0x10, s19;
	_ =	swait.ge @!p2 [sflag:s23], $0x320  }
0x2a: {  	s25 =	simm.s32 @!p2 $0x320;
	p4 =	sne.s32 s19, $0x3F0;
	[sflag:s23] =	ssyncset.done @!p2 $0x0  }
0x2b: {  	s21 =	simm.s32 @!p2 $0x20;
	s26 =	simm.s32 @!p2 $0x80;
	[sflag:s23] =	ssyncadd.s32 @!p2 $0xFFFFFCE0  }
0x2c: {  	[tilespmem:s25], [sflag:$0x2] =	stream.strided.gather @!p2 [hbm4b:s18+s21], $0x6400, s26, s21, $0x38;
	[tilespmem:$0x1EDC0] =	vst v63  }
0x2d: {  	p3 =	por p2, p2;
	_ =	swait.ge @!p2 [sflag:s23], $0x6400  }
.Ltmp0:
0x2e: {  	[sflag:s23] =	ssyncset.done @!p3 $0x0;
	(pc) =	sbr.rel @p4 .LBB2_2-.Ltmp0, $4  }
0x2f: {  	s21 =	simm.s32 @!p3 $0x1;
	[sflag:s23] =	ssyncadd.s32 @!p3 $0xFFFF9C00  }
0x30: {  	[spmem:s2] =	stream.indirect.scatter.add.f32 @!p3 [tilespmem:s25], [sflag:$0x1], $0x20, s22, s25, $0xb8;
	[tilespmem:$0x1EDC0] =	vst v63  }
0x31: {  	s18 =	sadd.s32 $0x32000, s18;
	s22 =	sadd.s32 s24, s1;
	_ =	swait.ge @!p3 [sflag:s21], $0x6400  }
0x32: {  	s20 =	sadd.s32 $0x640, s20;
	p2 =	sgt.u32 s22, $0x3E7;
	[sflag:s21] =	ssyncset.done @!p3 $0x0  }
0x33: {  	s19 =	simm.s32 @!p2 $0x0;
	s22 =	simm.s32 @!p2 $0x2;
	[sflag:s21] =	ssyncadd.s32 @!p3 $0xFFFF9C00  }
0x34: {  	[tilespmem:s19], [sflag:$0x2] =	stream.linear.gather @!p2 [hbm4b:s20+s19], $0x320, $0x38;
	[tilespmem:$0x1EDC0] =	vst v63  }
0x35: {  	_ =	swait.ge @!p2 [sflag:s22], $0x320  }
0x36: {  	s21 =	simm.s32 @!p2 $0x20;
	[sflag:s22] =	ssyncset.done @!p2 $0x0  }
0x37: {  	s23 =	simm.s32 @!p2 $0x80;
	s20 =	simm.s32 @!p2 $0x320;
	[sflag:s22] =	ssyncadd.s32 @!p2 $0xFFFFFCE0  }
0x38: {  	[tilespmem:s20], [sflag:$0x2] =	stream.strided.gather @!p2 [hbm4b:s18+s21], $0x6400, s23, s21, $0x38;
	[tilespmem:$0x1EDC0] =	vst v63  }
0x39: {  	_ =	swait.ge @!p2 [sflag:s22], $0x6400;
	p2 =	por p2, p2  }
0x3a: {  	[sflag:s22] =	ssyncset.done @!p2 $0x0  }
0x3b: {  	s18 =	simm.s32 @!p2 $0x1;
	[sflag:s22] =	ssyncadd.s32 @!p2 $0xFFFF9C00  }
0x3c: {  	[spmem:s2] =	stream.indirect.scatter.add.f32 @!p2 [tilespmem:s20], [sflag:$0x1], $0x20, s19, s20, $0xb8;
	[tilespmem:$0x1EDC0] =	vst v63  }
0x3d: {  	_ =	swait.ge @!p2 [sflag:s18], $0x6400  }
0x3e: {  	[sflag:s18] =	ssyncset.done @!p2 $0x0  }
0x3f: {  	s31 =	sshll.u32 s1, $0x6;
	[sflag:s18] =	ssyncadd.s32 @!p2 $0xFFFF9C00  }
0x40: {  	s18 =	sor.u32 $0x1C01, s31;
	[bflag:$0x0] =	sbarrier.arrive $0xFFFF  }
0x41: {  	[hbm:s5], [sflag:s18] =	dma.local [spmem:s13], $0xFA0  }
0x42: {  	_ =	swait.ge [sflag:s14], $0xFA0  }
0x43: {  	[sflag:s14] =	ssyncset.done $0x0  }
0x44: {  	[sflag:s14] =	ssyncadd.s32 $0xFFFFF060  }
0x45: {  	[hbm:s6], [sflag:s18] =	dma.local [spmem:s15], $0xFA0  }
0x46: {  	_ =	swait.ge [sflag:s14], $0xFA0  }
0x47: {  	[sflag:s14] =	ssyncset.done $0x0  }
0x48: {  	[sflag:s14] =	ssyncadd.s32 $0xFFFFF060  }
0x49: {  	[hbm:s7], [sflag:s18] =	dma.local [spmem:s16], $0xFA0  }
0x4a: {  	_ =	swait.ge [sflag:s14], $0xFA0  }
0x4b: {  	s3 =	sadd.s32 $0x1, s3;
	[sflag:s14] =	ssyncset.done $0x0  }
0x4c: {  	p2 =	sne.s32 s3, s9;
	[sflag:s14] =	ssyncadd.s32 $0xFFFFF060  }
0x4d: {  	[hbm:s8], [sflag:s18] =	dma.local @!p1 [spmem:s17], $0xFA0  }
.Ltmp1:
0x4e: {  	_ = 	snop;
	(pc) =	sbr.rel @p2 .LBB2_1-.Ltmp1, $4  }
0x4f: {  	s18 =	simm.s32 @!p1 $0x1  }
0x50: {  	_ =	swait.ge @!p1 [sflag:s18], $0xFA0  }
0x51: {  	[sflag:s18] =	ssyncset.done @!p1 $0x0  }
0x52: {  	[sflag:s18] =	ssyncadd.s32 @!p1 $0xFFFFF060  }
0x53: {  	_ =	sfence.sel $0x180000  }
0x54: {  	[bflag:$0x0] =	sbarrier.arrive $0xFFFF  }
0x55: {  	_ =	strace $0x9000004A  }
0x56: {  	s0 =	sadd.s32 @!p0 $0x100000, s0;
	[bflag:$0x2] =	sbarrier.arrive $0xFFFF  }
0x57: {  	[sflag:s0] =	ssyncadd.tile.s32 @!p0 $0x1;
	_ =	shalt  }
.Lfunc_end2:
_tile_overlayer_lowered:
.L_overlay_start_2:
0x58: {  	(tag) =	ssettag $0x2  }
0x59: {  	s0 =	rddreg [dreg:$0x0];
	s2 =	stileid.u32  }
0x5a: {  	s1 =	rddreg [dreg:$0x1];
	p0 =	sne.s32 s2, $0x0  }
0x5b: {  	s3 =	rddreg [dreg:$0x2];
	[bflag:$0x3] =	sbarrier.arrive $0xFFFF;
	s2 =	simm.s32 @!p0 $0x1C01  }
0x5c: {  	[timem:s3], [sflag:s2] =	dma.local @!p0 [hbm:s0], s1  }
0x5d: {  	s0 =	simm.s32 @!p0 $0x1  }
0x5e: {  	_ =	swait.ge @!p0 [sflag:s0], s1  }
0x5f: {  	s1 =	ssub.s32 @!p0 $0x0, s1;
	[sflag:s0] =	ssyncset.done @!p0 $0x0  }
0x60: {  	[sflag:s0] =	ssyncadd.s32 @!p0 s1  }
0x61: {  	[bflag:$0x3] =	sbarrier.arrive $0xFFFF  }
0x62: {  	_ =	shalt  }

// kernel: kernel.18.cloned.1.call-start
scs
__scs_entry_jumppad:
0x0: {  	(pc) =	sbr.rel $0x88, $3  }
0x1: {  	(tag) =	ssettag $0x0;
	lr =	simm.s32 $0x1  }
0x2: {  	[smem:$0x3F91] =	sst lr;
	_ =	strace $0xD0000000  }
0x3: {  	_ = 	snop  }
0x4: {  	_ = 	snop  }
0x5: {  	_ = 	snop  }
0x6: {  	_ = 	snop  }
0x7: {  	_ = 	snop  }
__scs_overlays_trampoline_lowered:
0x8: {  	[smem:$0x3FA0] =	sst s0  }
0x9: {  	[smem:$0x3FA1] =	sst s1  }
0xa: {  	[smem:$0x3FA2] =	sst s2  }
0xb: {  	[smem:$0x3FA3] =	sst s3  }
0xc: {  	[smem:$0x3FA4] =	sst s4  }
0xd: {  	[smem:$0x3FA5] =	sst s5  }
0xe: {  	[smem:$0x3FA6] =	sst s6  }
0xf: {  	[smem:$0x3FA7] =	sst s7  }
0x10: {  	[smem:$0x3FA8] =	sst s8  }
0x11: {  	[smem:$0x3FA9] =	sst s9;
	s0 =	simm.s32 @!p0 $0x0  }
0x12: {  	s1 =	sld [smem:$0x3F8F];
	s0 =	simm.s32 @p0 $0x1  }
0x13: {  	[smem:$0x3FAA] =	sst s0;
	s0 =	simm.s32 @!p1 $0x0  }
0x14: {  	s2 =	sld [smem:$0x3F8E];
	s0 =	simm.s32 @p1 $0x1  }
0x15: {  	[smem:$0x3FAB] =	sst s0;
	s0 =	simm.s32 @!p2 $0x0  }
0x16: {  	s3 =	sld [smem:$0x3FDB];
	s0 =	simm.s32 @p2 $0x1  }
0x17: {  	s4 =	simm.s32 $0x1BF5;
	[smem:$0x3FAD] =	sst s0  }
0x18: {  	s0 =	sld [smem:$0x3F90];
	_ =	swait.ge [sflag:s4], $0x0  }
0x19: {  	s7 =	sld [smem:$0x3F91]  }
0x1a: {  	s8 =	sadd.s32 $0xFFFFE003, lr  }
0x1b: {  	s9 =	sadd.s32 $0xFFFFFEF7, lr;
	s5 =	simm.s32 $0xFFFFFFFF;
	p2 =	slt.u32 s8, $0xFFFFF086  }
0x1c: {  	p1 =	slt.u32 s9, $0xF7A;
	s5 =	simm.s32 @!p2 $0x0  }
0x1d: {  	s5 =	simm.s32 @p1 $0x1;
	p0 =	seq.s32 s7, s2  }
0x1e: {  	s7 =	smul.u32 @!p0 $0xF7A, s2;
	p2 =	seq.s32 @!p0 s5, $0x0  }
0x1f: {  	s9 =	smul.u32 $0xF7A, s1;
	s8 =	simm.s32 @!p0 $0x1BF5;
	p2 =	por !p2, p0  }
0x20: {  	[sflag:s8] =	ssyncset.s32 @!p0 $0xFFFFF086;
	s6 =	sadd.s32 @!p0 s3, s7;
	s7 =	simm.s32 @!p0 $0x108  }
0x21: {  	s3 =	sadd.s32 s3, s9;
	s6 =	sadd.s32 @!p0 $0x88, s6;
	s7 =	simm.s32 @p2 $0x1082  }
0x22: {  	[simem:s7], [sflag:s8] =	dma.local @!p0 [hbm:s6], $0xF7A  }
0x23: {  	s9 =	sor.u32 $0xD0000000, s2;
	s6 =	simm.s32 $0x108;
	_ =	swait.ge @!p0 [sflag:s8], $0x0  }
0x24: {  	s3 =	sadd.s32 $0x88, s3;
	s6 =	simm.s32 @!p1 $0x1082;
	[sflag:s4] =	ssyncset.s32 $0xFFFFF086  }
0x25: {  	[simem:s6], [sflag:s4] =	dma.local [hbm:s3], $0xF7A  }
0x26: {  	[smem:$0x3F91] =	sst s1;
	(tag) =	ssettag s2;
	_ =	strace s9  }
0x27: {  	s1 =	sld [smem:$0x3FA1]  }
0x28: {  	s2 =	sld [smem:$0x3FA2]  }
0x29: {  	s4 =	sld [smem:$0x3FA4]  }
0x2a: {  	p0 =	seq.s32 s5, $0x0;
	s5 =	sld [smem:$0x3FA5]  }
0x2b: {  	s6 =	sld [smem:$0x3FA6]  }
0x2c: {  	s7 =	sld [smem:$0x3FA7]  }
0x2d: {  	s3 =	simm.s32 $0x108;
	s8 =	sld [smem:$0x3FA8]  }
0x2e: {  	s3 =	simm.s32 @!p0 $0x1082;
	s9 =	sld [smem:$0x3FA9]  }
0x2f: {  	lr =	sadd.s32 s0, s3;
	s0 =	sld [smem:$0x3FA0]  }
0x30: {  	s3 =	sld [smem:$0x3FA3]  }
0x31: {  	[smem:$0x3FAC] =	sst s10  }
0x32: {  	s10 =	sld [smem:$0x3FAA];
	_ =	sdelay $0x3  }
0x33: {  	p0 =	seq.s32 s10, $0x1;
	s10 =	sld [smem:$0x3FAC];
	_ =	sdelay $0x3  }
0x34: {  	[smem:$0x3FAC] =	sst s10  }
0x35: {  	s10 =	sld [smem:$0x3FAB];
	_ =	sdelay $0x3  }
0x36: {  	p1 =	seq.s32 s10, $0x1;
	s10 =	sld [smem:$0x3FAC];
	_ =	sdelay $0x3  }
0x37: {  	[smem:$0x3FAC] =	sst s10  }
0x38: {  	s10 =	sld [smem:$0x3FAD]  }
0x39: {  	_ = 	snop;
	(pc) =	sbr.ind lr, $3  }
0x3a: {  	_ = 	snop  }
0x3b: {  	_ = 	snop  }
0x3c: {  	p2 =	seq.s32 s10, $0x1;
	s10 =	sld [smem:$0x3FAC]  }
0x3d: {  	_ =	shalt  }
0x3e: {  	_ =	shalt  }
0x3f: {  	_ =	shalt  }
0x40: {  	_ =	shalt  }
0x41: {  	_ =	shalt  }
0x42: {  	_ =	shalt  }
0x43: {  	_ =	shalt  }
0x44: {  	_ =	shalt  }
0x45: {  	_ =	shalt  }
0x46: {  	_ =	shalt  }
0x47: {  	_ =	shalt  }
0x48: {  	_ =	shalt  }
0x49: {  	_ =	shalt  }
0x4a: {  	_ =	shalt  }
0x4b: {  	_ =	shalt  }
0x4c: {  	_ =	shalt  }
0x4d: {  	_ =	shalt  }
0x4e: {  	_ =	shalt  }
0x4f: {  	_ =	shalt  }
0x50: {  	_ =	shalt  }
0x51: {  	_ =	shalt  }
0x52: {  	_ =	shalt  }
0x53: {  	_ =	shalt  }
0x54: {  	_ =	shalt  }
0x55: {  	_ =	shalt  }
0x56: {  	_ =	shalt  }
0x57: {  	_ =	shalt  }
0x58: {  	_ =	shalt  }
0x59: {  	_ =	shalt  }
0x5a: {  	_ =	shalt  }
0x5b: {  	_ =	shalt  }
0x5c: {  	_ =	shalt  }
0x5d: {  	_ =	shalt  }
0x5e: {  	_ =	shalt  }
0x5f: {  	_ =	shalt  }
0x60: {  	_ =	shalt  }
0x61: {  	_ =	shalt  }
0x62: {  	_ =	shalt  }
0x63: {  	_ =	shalt  }
0x64: {  	_ =	shalt  }
0x65: {  	_ =	shalt  }
0x66: {  	_ =	shalt  }
0x67: {  	_ =	shalt  }
0x68: {  	_ =	shalt  }
0x69: {  	_ =	shalt  }
0x6a: {  	_ =	shalt  }
0x6b: {  	_ =	shalt  }
0x6c: {  	_ =	shalt  }
0x6d: {  	_ =	shalt  }
0x6e: {  	_ =	shalt  }
0x6f: {  	_ =	shalt  }
0x70: {  	_ =	shalt  }
0x71: {  	_ =	shalt  }
0x72: {  	_ =	shalt  }
0x73: {  	_ =	shalt  }
0x74: {  	_ =	shalt  }
0x75: {  	_ =	shalt  }
0x76: {  	_ =	shalt  }
0x77: {  	_ =	shalt  }
0x78: {  	_ =	shalt  }
0x79: {  	_ =	shalt  }
0x7a: {  	_ =	shalt  }
0x7b: {  	_ =	shalt  }
0x7c: {  	_ =	shalt  }
0x7d: {  	_ =	shalt  }
0x7e: {  	_ =	shalt  }
0x7f: {  	_ =	shalt  }
0x80: {  	_ =	shalt  }
0x81: {  	_ =	shalt  }
0x82: {  	_ =	shalt  }
0x83: {  	_ =	shalt  }
0x84: {  	_ =	shalt  }
0x85: {  	_ =	shalt  }
0x86: {  	_ =	shalt  }
0x87: {  	_ =	shalt  }
.Lfunc_end0:
.L_simem_size_0:
called_computation.3_lowered:
.L_overlay_start_0:
0x88: {  	s2 =	sld [smem:$0x3FD9]  }
0x89: {  	s3 =	sld [smem:$0x3FFE];
	_ =	sdelay $0x1  }
0x8a: {  	s1 =	srdreg.scid  }
0x8b: {  	s0 =	sand.u32 $0x1, s1  }
0x8c: {  	s17 =	sshll.u32 s0, $0xA;
	s2 =	sadd.s32 s3, s2  }
0x8d: {  	s2 =	sadd.s32 s2, s17  }
0x8e: {  	[smem:$0x3FB8] =	sst s2  }
0x8f: {  	_ = 	snop  }
0x90: {  	s2 =	sld [smem:$0x3FC6];
	(tm) =	ssettm $0x1  }
0x91: {  	s18 =	sld [smem:$0x3FFB];
	_ =	sdelay $0x3  }
0x92: {  	_ =	strace s18  }
0x93: {  	s3 =	sld [smem:$0x3FFC];
	_ =	sdelay $0x3  }
0x94: {  	_ =	strace s3  }
0x95: {  	s3 =	sld [smem:$0x3FFD];
	_ =	sdelay $0x3  }
0x96: {  	_ =	strace s3  }
0x97: {  	_ =	strace $0x8FFFFFFF  }
0x98: {  	s19 =	sld [smem:$0x3FDB];
	_ =	sdelay $0x1  }
0x99: {  	s4 =	simm.s32 $_scs_section_size  }
0x9a: {  	s5 =	simm.s32 $_size__tile_overlayer_lowered;
	s6 =	simm.s32 $_tile_overlayer_lowered  }
0x9b: {  	s22 =	simm.s32 $0x1BFF;
	s21 =	sshll.u32 s6, $0x1;
	s3 =	sadd.s32 s4, s19  }
0x9c: {  	s7 =	simm.s32 $0x0;
	s20 =	sshll.u32 s5, $0x1;
	s5 =	sadd.s32 s21, s3  }
0x9d: {  	[timem:s7], [sflag:s22] =	dma.local [hbm:s5], s20  }
0x9e: {  	_ =	swait.ge [sflag:s22], s20  }
0x9f: {  	s4 =	ssub.s32 $0x0, s20;
	[sflag:s22] =	ssyncset.done $0x0  }
0xa0: {  	[sflag:s22] =	ssyncadd.s32 s4;
	_ =	sdelay $0x1  }
0xa1: {  	s23 =	simm.s32 $0x1B8B  }
0xa2: {  	_ =	swait.ge [sflag:s23], $0x1  }
0xa3: {  	[sflag:s23] =	ssyncset.done $0x0  }
0xa4: {  	s25 =	simm.s32 $0x1B8E;
	s24 =	sld [smem:$0x3FFE];
	[sflag:s23] =	ssyncadd.s32 $0xFFFFFFFF  }
0xa5: {  	s26 =	simm.s32 $execute0_lowered;
	[smem:$0x3FD2] =	sst s25  }
0xa6: {  	s5 =	sshll.u32 s26, $0x1;
	_ =	strace $0x8000004C;
	[dreg:$0x1] =	wrdreg $0xFFFFFFFF  }
0xa7: {  	s28 =	simm.s32 $_size_execute0_lowered;
	s3 =	sadd.s32 s3, s5;
	[dreg:$0x0] =	wrdreg $0x0  }
0xa8: {  	s5 =	sshll.u32 s28, $0x1;
	[dreg:$0x2] =	wrdreg s3  }
0xa9: {  	[dreg:$0x3] =	wrdreg s5  }
0xaa: {  	[dreg:$0x4] =	wrdreg $0xC0  }
0xab: {  	_ =	task [dreg:s7], $0x5FFFF  }
0xac: {  	[dreg:$0x1] =	wrdreg $0xFFFFFFFF  }
0xad: {  	[dreg:$0x0] =	wrdreg $0x60  }
0xae: {  	[dreg:$0x2] =	wrdreg s24  }
0xaf: {  	[dreg:$0x3] =	wrdreg s2  }
0xb0: {  	[dreg:$0x4] =	wrdreg $0x9  }
0xb1: {  	_ =	task.clear_ibuf [dreg:s7], $0x5FFFF;
	_ =	strace $0x9000004C  }
0xb2: {  	s29 =	simm.s32 $0x9;
	_ =	strace $0x8000004E  }
0xb3: {  	_ =	swait.ge [sflag:s29], $0x1  }
0xb4: {  	[sflag:s29] =	ssyncadd.s32 $0xFFFFFFFF  }
0xb5: {  	_ =	strace $0x9000004E  }
0xb6: {  	_ =	sfence  }
0xb7: {  	s30 =	sld [smem:$0x0];
	_ =	sdelay $0x2  }
0xb8: {  	s31 =	sshll.u32 s1, $0xD;
	s1 =	sshrl.u32 s1, $0x2  }
0xb9: {  	s3 =	sand.u32 $0x4000, s31;
	s1 =	sadd.s32 s1, s30  }
0xba: {  	s0 =	sor.u32 s3, s0;
	s1 =	sshll.u32 s1, $0x11  }
0xbb: {  	s0 =	sor.u32 s1, s0  }
0xbc: {  	s0 =	sadd.s32 $0x8F2B, s0  }
0xbd: {  	[sflag:s0] =	ssyncadd.remote.s32 $0x1  }
0xbe: {  	_ =	sfence.sel $0xFFFF  }
0xbf: {  	[dreg:$0x0] =	wrdreg $0xFFFFFFFF;
	(pc) =	sbr.abs _section_cstart, $3  }
0xc0: {  	[dreg:$0x1] =	wrdreg $0xFFFFFFFF  }
0xc1: {  	_ =	task.clear_ibuf [dreg:s7], $0x2FFFF;
	_ =	strace $0x9FFFFFFF  }
0xc2: {  	(tm) =	ssettm $0x7FFFFFFF  }
0xc3: {  	_ =	shalt  }
tec
execute0_lowered:
.L_overlay_start_1:
0x0: {  	(tag) =	ssettag $0x1  }
0x1: {  	s3 =	rddreg [dreg:$0x0]  }
0x2: {  	s5 =	rddreg [dreg:$0x1]  }
0x3: {  	s2 =	srdreg.scid;
	s1 =	stileid.u32  }
0x4: {  	s0 =	rddreg [dreg:$0x2];
	s6 =	smul.u32 $0x19000, s1  }
0x5: {  	s4 =	sand.u32 $0x1, s2;
	s2 =	simm.s32 $0x0;
	s31 =	smul.u32 $0x64, s1  }
0x6: {  	s7 =	smul.u32 $0x30D40, s4;
	s8 =	sshll.u32 s4, $0x5;
	s4 =	ssub.s32 $0x2, s4  }
0x7: {  	[smem:$0x7FF] =	sst s2;
	s6 =	sor.u32 s8, s6;
	s30 =	sshrl.u32 s4, $0x1  }
0x8: {  	_ =	strace $0x8000004D;
	s5 =	sadd.s32 s31, s5;
	s6 =	sshrl.u32 s6, $0x3  }
0x9: {  	s7 =	sadd.s32 s7, s3;
	s4 =	ssub.s32 s4, s30;
	s6 =	sadd.s32 s6, s3  }
0xa: {  	s3 =	sadd.s32 $0x255800, s7;
	s4 =	smax.u32 s4, $0x1;
	s6 =	sadd.s32 $0x2B7400, s6  }
.LBB2_1:
0xb: {  	s7 =	sadd.s32 $0x0, s1  }
0xc: {  	p0 =	sgt.u32 s7, $0x3E7  }
0xd: {  	s7 =	simm.s32 @!p0 $0x0;
	s8 =	simm.s32 @!p0 $0x3  }
0xe: {  	[tilespmem:s7], [sflag:$0x3] =	stream.linear.gather @!p0 [hbm4b:s5+s7], $0x320, $0x38;
	[tilespmem:$0x6720] =	vst v63  }
0xf: {  	_ =	swait.ge @!p0 [sflag:s8], $0x320  }
0x10: {  	[sflag:s8] =	ssyncset.done @!p0 $0x0;
	p0 =	por p0, p0  }
0x11: {  	[sflag:s8] =	ssyncadd.s32 @!p0 $0xFFFFFCE0;
	s9 =	simm.s32 @!p0 $0x320;
	s11 =	simm.s32 @!p0 $0x1  }
0x12: {  	[tilespmem:s9], [sflag:$0x1] =	stream.indirect.gather @!p0 [hbm4b:s3+s9], $0x20, s7, s9, $0xb8;
	[tilespmem:$0x6720] =	vst v63  }
0x13: {  	_ =	swait.ge @!p0 [sflag:s11], $0x6400  }
0x14: {  	s31 =	sadd.s32 $0x10, s1;
	s10 =	simm.s32 @!p0 $0x2;
	[sflag:s11] =	ssyncset.done @!p0 $0x0  }
0x15: {  	s7 =	simm.s32 @!p0 $0x20;
	[sflag:s11] =	ssyncadd.s32 @!p0 $0xFFFF9C00;
	s11 =	simm.s32 @!p0 $0x80  }
0x16: {  	[hbm4b:s6+s7] =	stream.strided.scatter @!p0 [tilespmem:s9], [sflag:$0x2], $0x6400, s11, s7, $0x38;
	[tilespmem:$0x6720] =	vst v63  }
0x17: {  	p1 =	sgt.u32 s31, $0x3E7;
	s8 =	simm.s32 $0x20;
	_ =	swait.ge @!p0 [sflag:s10], $0x6400  }
0x18: {  	s7 =	sadd.s32 $0x32000, s6;
	s9 =	sadd.s32 $0x640, s5;
	[sflag:s10] =	ssyncset.done @!p0 $0x0  }
.LBB2_2:
0x19: {  	s11 =	simm.s32 @!p1 $0x0;
	s12 =	simm.s32 @!p1 $0x3;
	[sflag:s10] =	ssyncadd.s32 @!p0 $0xFFFF9C00  }
0x1a: {  	[tilespmem:s11], [sflag:$0x3] =	stream.linear.gather @!p1 [hbm4b:s9+s11], $0x320, $0x38;
	[tilespmem:$0x6720] =	vst v63  }
0x1b: {  	s13 =	smov.u32 s8;
	s8 =	sadd.s32 $0x10, s8;
	_ =	swait.ge @!p1 [sflag:s12], $0x320  }
0x1c: {  	p0 =	por p1, p1;
	p2 =	sne.s32 s8, $0x3F0;
	[sflag:s12] =	ssyncset.done @!p1 $0x0  }
0x1d: {  	s14 =	simm.s32 @!p0 $0x1;
	[sflag:s12] =	ssyncadd.s32 @!p0 $0xFFFFFCE0;
	s12 =	simm.s32 @!p0 $0x320  }
0x1e: {  	[tilespmem:s12], [sflag:$0x1] =	stream.indirect.gather @!p0 [hbm4b:s3+s12], $0x20, s11, s12, $0xb8;
	[tilespmem:$0x6720] =	vst v63  }
0x1f: {  	_ =	swait.ge @!p0 [sflag:s14], $0x6400  }
.Ltmp0:
0x20: {  	s10 =	simm.s32 @!p0 $0x2;
	[sflag:s14] =	ssyncset.done @!p0 $0x0;
	(pc) =	sbr.rel @p2 .LBB2_2-.Ltmp0, $4  }
0x21: {  	s11 =	simm.s32 @!p0 $0x20;
	[sflag:s14] =	ssyncadd.s32 @!p0 $0xFFFF9C00;
	s14 =	simm.s32 @!p0 $0x80  }
0x22: {  	[hbm4b:s7+s11] =	stream.strided.scatter @!p0 [tilespmem:s12], [sflag:$0x2], $0x6400, s14, s11, $0x38;
	[tilespmem:$0x6720] =	vst v63  }
0x23: {  	s11 =	sadd.s32 s13, s1;
	s7 =	sadd.s32 $0x32000, s7;
	_ =	swait.ge @!p0 [sflag:s10], $0x6400  }
0x24: {  	s9 =	sadd.s32 $0x640, s9;
	p1 =	sgt.u32 s11, $0x3E7;
	[sflag:s10] =	ssyncset.done @!p0 $0x0  }
0x25: {  	s8 =	simm.s32 @!p1 $0x0;
	s11 =	simm.s32 @!p1 $0x3;
	[sflag:s10] =	ssyncadd.s32 @!p0 $0xFFFF9C00  }
0x26: {  	[tilespmem:s8], [sflag:$0x3] =	stream.linear.gather @!p1 [hbm4b:s9+s8], $0x320, $0x38;
	[tilespmem:$0x6720] =	vst v63  }
0x27: {  	_ =	swait.ge @!p1 [sflag:s11], $0x320  }
0x28: {  	p0 =	por p1, p1;
	s2 =	sadd.s32 $0x1, s2;
	[sflag:s11] =	ssyncset.done @!p1 $0x0  }
0x29: {  	s9 =	simm.s32 @!p0 $0x320;
	s10 =	simm.s32 @!p0 $0x1;
	[sflag:s11] =	ssyncadd.s32 @!p0 $0xFFFFFCE0  }
0x2a: {  	[tilespmem:s9], [sflag:$0x1] =	stream.indirect.gather @!p0 [hbm4b:s3+s9], $0x20, s8, s9, $0xb8;
	[tilespmem:$0x6720] =	vst v63  }
0x2b: {  	p1 =	sne.s32 s2, s4;
	_ =	swait.ge @!p0 [sflag:s10], $0x6400  }
0x2c: {  	s11 =	simm.s32 @!p0 $0x80;
	s8 =	simm.s32 @!p0 $0x2;
	[sflag:s10] =	ssyncset.done @!p0 $0x0  }
.Ltmp1:
0x2d: {  	[sflag:s10] =	ssyncadd.s32 @!p0 $0xFFFF9C00;
	s10 =	simm.s32 @!p0 $0x20;
	(pc) =	sbr.rel @p1 .LBB2_1-.Ltmp1, $4  }
0x2e: {  	[hbm4b:s7+s10] =	stream.strided.scatter @!p0 [tilespmem:s9], [sflag:$0x2], $0x6400, s11, s10, $0x38;
	[tilespmem:$0x6720] =	vst v63  }
0x2f: {  	_ =	swait.ge @!p0 [sflag:s8], $0x6400  }
0x30: {  	[sflag:s8] =	ssyncset.done @!p0 $0x0  }
0x31: {  	[sflag:s8] =	ssyncadd.s32 @!p0 $0xFFFF9C00  }
0x32: {  	_ =	sfence.sel $0x180000  }
0x33: {  	[bflag:$0x0] =	sbarrier.arrive $0xFFFF  }
0x34: {  	p0 =	sne.s32 s1, $0x0;
	_ =	strace $0x9000004D  }
0x35: {  	s0 =	sadd.s32 @!p0 $0x100000, s0;
	[bflag:$0x2] =	sbarrier.arrive $0xFFFF  }
0x36: {  	[sflag:s0] =	ssyncadd.tile.s32 @!p0 $0x1;
	_ =	shalt  }
.Lfunc_end2:
_tile_overlayer_lowered:
.L_overlay_start_2:
0x37: {  	(tag) =	ssettag $0x2  }
0x38: {  	s0 =	rddreg [dreg:$0x0];
	s2 =	stileid.u32  }
0x39: {  	s1 =	rddreg [dreg:$0x1];
	p0 =	sne.s32 s2, $0x0  }
0x3a: {  	s3 =	rddreg [dreg:$0x2];
	[bflag:$0x3] =	sbarrier.arrive $0xFFFF;
	s2 =	simm.s32 @!p0 $0x1C02  }
0x3b: {  	[timem:s3], [sflag:s2] =	dma.local @!p0 [hbm:s0], s1  }
0x3c: {  	s0 =	simm.s32 @!p0 $0x2  }
0x3d: {  	_ =	swait.ge @!p0 [sflag:s0], s1  }
0x3e: {  	s1 =	ssub.s32 @!p0 $0x0, s1;
	[sflag:s0] =	ssyncset.done @!p0 $0x0  }
0x3f: {  	[sflag:s0] =	ssyncadd.s32 @!p0 s1  }
0x40: {  	[bflag:$0x3] =	sbarrier.arrive $0xFFFF  }
0x41: {  	_ =	shalt  }

// kernel: kernel.21.cloned.1.call-start
scs
__scs_entry_jumppad:
0x0: {  	(pc) =	sbr.rel $0x88, $3  }
0x1: {  	(tag) =	ssettag $0x0;
	lr =	simm.s32 $0x1  }
0x2: {  	[smem:$0x3F91] =	sst lr;
	_ =	strace $0xD0000000  }
0x3: {  	_ = 	snop  }
0x4: {  	_ = 	snop  }
0x5: {  	_ = 	snop  }
0x6: {  	_ = 	snop  }
0x7: {  	_ = 	snop  }
__scs_overlays_trampoline_lowered:
0x8: {  	[smem:$0x3FA0] =	sst s0  }
0x9: {  	[smem:$0x3FA1] =	sst s1  }
0xa: {  	[smem:$0x3FA2] =	sst s2  }
0xb: {  	[smem:$0x3FA3] =	sst s3  }
0xc: {  	[smem:$0x3FA4] =	sst s4  }
0xd: {  	[smem:$0x3FA5] =	sst s5  }
0xe: {  	[smem:$0x3FA6] =	sst s6  }
0xf: {  	[smem:$0x3FA7] =	sst s7  }
0x10: {  	[smem:$0x3FA8] =	sst s8  }
0x11: {  	[smem:$0x3FA9] =	sst s9;
	s0 =	simm.s32 @!p0 $0x0  }
0x12: {  	s1 =	sld [smem:$0x3F8F];
	s0 =	simm.s32 @p0 $0x1  }
0x13: {  	[smem:$0x3FAA] =	sst s0;
	s0 =	simm.s32 @!p1 $0x0  }
0x14: {  	s2 =	sld [smem:$0x3F8E];
	s0 =	simm.s32 @p1 $0x1  }
0x15: {  	[smem:$0x3FAB] =	sst s0;
	s0 =	simm.s32 @!p2 $0x0  }
0x16: {  	s3 =	sld [smem:$0x3FDB];
	s0 =	simm.s32 @p2 $0x1  }
0x17: {  	s4 =	simm.s32 $0x1BF5;
	[smem:$0x3FAD] =	sst s0  }
0x18: {  	s0 =	sld [smem:$0x3F90];
	_ =	swait.ge [sflag:s4], $0x0  }
0x19: {  	s7 =	sld [smem:$0x3F91]  }
0x1a: {  	s8 =	sadd.s32 $0xFFFFE003, lr  }
0x1b: {  	s9 =	sadd.s32 $0xFFFFFEF7, lr;
	s5 =	simm.s32 $0xFFFFFFFF;
	p2 =	slt.u32 s8, $0xFFFFF086  }
0x1c: {  	p1 =	slt.u32 s9, $0xF7A;
	s5 =	simm.s32 @!p2 $0x0  }
0x1d: {  	s5 =	simm.s32 @p1 $0x1;
	p0 =	seq.s32 s7, s2  }
0x1e: {  	s7 =	smul.u32 @!p0 $0xF7A, s2;
	p2 =	seq.s32 @!p0 s5, $0x0  }
0x1f: {  	s9 =	smul.u32 $0xF7A, s1;
	s8 =	simm.s32 @!p0 $0x1BF5;
	p2 =	por !p2, p0  }
0x20: {  	[sflag:s8] =	ssyncset.s32 @!p0 $0xFFFFF086;
	s6 =	sadd.s32 @!p0 s3, s7;
	s7 =	simm.s32 @!p0 $0x108  }
0x21: {  	s3 =	sadd.s32 s3, s9;
	s6 =	sadd.s32 @!p0 $0x88, s6;
	s7 =	simm.s32 @p2 $0x1082  }
0x22: {  	[simem:s7], [sflag:s8] =	dma.local @!p0 [hbm:s6], $0xF7A  }
0x23: {  	s9 =	sor.u32 $0xD0000000, s2;
	s6 =	simm.s32 $0x108;
	_ =	swait.ge @!p0 [sflag:s8], $0x0  }
0x24: {  	s3 =	sadd.s32 $0x88, s3;
	s6 =	simm.s32 @!p1 $0x1082;
	[sflag:s4] =	ssyncset.s32 $0xFFFFF086  }
0x25: {  	[simem:s6], [sflag:s4] =	dma.local [hbm:s3], $0xF7A  }
0x26: {  	[smem:$0x3F91] =	sst s1;
	(tag) =	ssettag s2;
	_ =	strace s9  }
0x27: {  	s1 =	sld [smem:$0x3FA1]  }
0x28: {  	s2 =	sld [smem:$0x3FA2]  }
0x29: {  	s4 =	sld [smem:$0x3FA4]  }
0x2a: {  	p0 =	seq.s32 s5, $0x0;
	s5 =	sld [smem:$0x3FA5]  }
0x2b: {  	s6 =	sld [smem:$0x3FA6]  }
0x2c: {  	s7 =	sld [smem:$0x3FA7]  }
0x2d: {  	s3 =	simm.s32 $0x108;
	s8 =	sld [smem:$0x3FA8]  }
0x2e: {  	s3 =	simm.s32 @!p0 $0x1082;
	s9 =	sld [smem:$0x3FA9]  }
0x2f: {  	lr =	sadd.s32 s0, s3;
	s0 =	sld [smem:$0x3FA0]  }
0x30: {  	s3 =	sld [smem:$0x3FA3]  }
0x31: {  	[smem:$0x3FAC] =	sst s10  }
0x32: {  	s10 =	sld [smem:$0x3FAA];
	_ =	sdelay $0x3  }
0x33: {  	p0 =	seq.s32 s10, $0x1;
	s10 =	sld [smem:$0x3FAC];
	_ =	sdelay $0x3  }
0x34: {  	[smem:$0x3FAC] =	sst s10  }
0x35: {  	s10 =	sld [smem:$0x3FAB];
	_ =	sdelay $0x3  }
0x36: {  	p1 =	seq.s32 s10, $0x1;
	s10 =	sld [smem:$0x3FAC];
	_ =	sdelay $0x3  }
0x37: {  	[smem:$0x3FAC] =	sst s10  }
0x38: {  	s10 =	sld [smem:$0x3FAD]  }
0x39: {  	_ = 	snop;
	(pc) =	sbr.ind lr, $3  }
0x3a: {  	_ = 	snop  }
0x3b: {  	_ = 	snop  }
0x3c: {  	p2 =	seq.s32 s10, $0x1;
	s10 =	sld [smem:$0x3FAC]  }
0x3d: {  	_ =	shalt  }
0x3e: {  	_ =	shalt  }
0x3f: {  	_ =	shalt  }
0x40: {  	_ =	shalt  }
0x41: {  	_ =	shalt  }
0x42: {  	_ =	shalt  }
0x43: {  	_ =	shalt  }
0x44: {  	_ =	shalt  }
0x45: {  	_ =	shalt  }
0x46: {  	_ =	shalt  }
0x47: {  	_ =	shalt  }
0x48: {  	_ =	shalt  }
0x49: {  	_ =	shalt  }
0x4a: {  	_ =	shalt  }
0x4b: {  	_ =	shalt  }
0x4c: {  	_ =	shalt  }
0x4d: {  	_ =	shalt  }
0x4e: {  	_ =	shalt  }
0x4f: {  	_ =	shalt  }
0x50: {  	_ =	shalt  }
0x51: {  	_ =	shalt  }
0x52: {  	_ =	shalt  }
0x53: {  	_ =	shalt  }
0x54: {  	_ =	shalt  }
0x55: {  	_ =	shalt  }
0x56: {  	_ =	shalt  }
0x57: {  	_ =	shalt  }
0x58: {  	_ =	shalt  }
0x59: {  	_ =	shalt  }
0x5a: {  	_ =	shalt  }
0x5b: {  	_ =	shalt  }
0x5c: {  	_ =	shalt  }
0x5d: {  	_ =	shalt  }
0x5e: {  	_ =	shalt  }
0x5f: {  	_ =	shalt  }
0x60: {  	_ =	shalt  }
0x61: {  	_ =	shalt  }
0x62: {  	_ =	shalt  }
0x63: {  	_ =	shalt  }
0x64: {  	_ =	shalt  }
0x65: {  	_ =	shalt  }
0x66: {  	_ =	shalt  }
0x67: {  	_ =	shalt  }
0x68: {  	_ =	shalt  }
0x69: {  	_ =	shalt  }
0x6a: {  	_ =	shalt  }
0x6b: {  	_ =	shalt  }
0x6c: {  	_ =	shalt  }
0x6d: {  	_ =	shalt  }
0x6e: {  	_ =	shalt  }
0x6f: {  	_ =	shalt  }
0x70: {  	_ =	shalt  }
0x71: {  	_ =	shalt  }
0x72: {  	_ =	shalt  }
0x73: {  	_ =	shalt  }
0x74: {  	_ =	shalt  }
0x75: {  	_ =	shalt  }
0x76: {  	_ =	shalt  }
0x77: {  	_ =	shalt  }
0x78: {  	_ =	shalt  }
0x79: {  	_ =	shalt  }
0x7a: {  	_ =	shalt  }
0x7b: {  	_ =	shalt  }
0x7c: {  	_ =	shalt  }
0x7d: {  	_ =	shalt  }
0x7e: {  	_ =	shalt  }
0x7f: {  	_ =	shalt  }
0x80: {  	_ =	shalt  }
0x81: {  	_ =	shalt  }
0x82: {  	_ =	shalt  }
0x83: {  	_ =	shalt  }
0x84: {  	_ =	shalt  }
0x85: {  	_ =	shalt  }
0x86: {  	_ =	shalt  }
0x87: {  	_ =	shalt  }
.Lfunc_end0:
.L_simem_size_0:
called_computation.4_lowered:
.L_overlay_start_0:
0x88: {  	s2 =	sld [smem:$0x3FD9]  }
0x89: {  	s3 =	sld [smem:$0x3FFE];
	_ =	sdelay $0x1  }
0x8a: {  	s1 =	srdreg.scid  }
0x8b: {  	s0 =	sand.u32 $0x1, s1  }
0x8c: {  	s17 =	sshll.u32 s0, $0xA;
	s2 =	sadd.s32 s3, s2  }
0x8d: {  	s2 =	sadd.s32 s2, s17  }
0x8e: {  	[smem:$0x3FB8] =	sst s2  }
0x8f: {  	_ = 	snop  }
0x90: {  	s2 =	sld [smem:$0x3FC5];
	(tm) =	ssettm $0x1  }
0x91: {  	s18 =	sld [smem:$0x3FFB];
	_ =	sdelay $0x3  }
0x92: {  	_ =	strace s18  }
0x93: {  	s3 =	sld [smem:$0x3FFC];
	_ =	sdelay $0x3  }
0x94: {  	_ =	strace s3  }
0x95: {  	s3 =	sld [smem:$0x3FFD];
	_ =	sdelay $0x3  }
0x96: {  	_ =	strace s3  }
0x97: {  	_ =	strace $0x8FFFFFFF  }
0x98: {  	s19 =	sld [smem:$0x3FDB];
	_ =	sdelay $0x1  }
0x99: {  	s4 =	simm.s32 $_scs_section_size  }
0x9a: {  	s5 =	simm.s32 $_size__tile_overlayer_lowered;
	s6 =	simm.s32 $_tile_overlayer_lowered  }
0x9b: {  	s22 =	simm.s32 $0x1BFF;
	s21 =	sshll.u32 s6, $0x1;
	s3 =	sadd.s32 s4, s19  }
0x9c: {  	s7 =	simm.s32 $0x0;
	s20 =	sshll.u32 s5, $0x1;
	s5 =	sadd.s32 s21, s3  }
0x9d: {  	[timem:s7], [sflag:s22] =	dma.local [hbm:s5], s20  }
0x9e: {  	_ =	swait.ge [sflag:s22], s20  }
0x9f: {  	s4 =	ssub.s32 $0x0, s20;
	[sflag:s22] =	ssyncset.done $0x0  }
0xa0: {  	[sflag:s22] =	ssyncadd.s32 s4;
	_ =	sdelay $0x1  }
0xa1: {  	s23 =	simm.s32 $0x1B8B  }
0xa2: {  	_ =	swait.ge [sflag:s23], $0x1  }
0xa3: {  	[sflag:s23] =	ssyncset.done $0x0  }
0xa4: {  	s25 =	simm.s32 $0x1B8E;
	s24 =	sld [smem:$0x3FFE];
	[sflag:s23] =	ssyncadd.s32 $0xFFFFFFFF  }
0xa5: {  	s26 =	simm.s32 $execute0_lowered;
	[smem:$0x3FD2] =	sst s25  }
0xa6: {  	s5 =	sshll.u32 s26, $0x1;
	_ =	strace $0x8000004F;
	[dreg:$0x1] =	wrdreg $0xFFFFFFFF  }
0xa7: {  	s28 =	simm.s32 $_size_execute0_lowered;
	s3 =	sadd.s32 s3, s5;
	[dreg:$0x0] =	wrdreg $0x0  }
0xa8: {  	s5 =	sshll.u32 s28, $0x1;
	[dreg:$0x2] =	wrdreg s3  }
0xa9: {  	[dreg:$0x3] =	wrdreg s5  }
0xaa: {  	[dreg:$0x4] =	wrdreg $0xC0  }
0xab: {  	_ =	task [dreg:s7], $0x5FFFF  }
0xac: {  	[dreg:$0x1] =	wrdreg $0xFFFFFFFF  }
0xad: {  	[dreg:$0x0] =	wrdreg $0x60  }
0xae: {  	[dreg:$0x2] =	wrdreg s24  }
0xaf: {  	[dreg:$0x3] =	wrdreg s2  }
0xb0: {  	[dreg:$0x4] =	wrdreg $0x67200  }
0xb1: {  	[dreg:$0x5] =	wrdreg $0x9  }
0xb2: {  	_ =	task.clear_ibuf [dreg:s7], $0x6FFFF;
	_ =	strace $0x9000004F  }
0xb3: {  	s29 =	simm.s32 $0x9;
	_ =	strace $0x80000051  }
0xb4: {  	_ =	swait.ge [sflag:s29], $0x1  }
0xb5: {  	[sflag:s29] =	ssyncadd.s32 $0xFFFFFFFF  }
0xb6: {  	_ =	strace $0x90000051  }
0xb7: {  	_ =	sfence  }
0xb8: {  	s30 =	sld [smem:$0x0];
	_ =	sdelay $0x2  }
0xb9: {  	s31 =	sshll.u32 s1, $0xD;
	s1 =	sshrl.u32 s1, $0x2  }
0xba: {  	s3 =	sand.u32 $0x4000, s31;
	s1 =	sadd.s32 s1, s30  }
0xbb: {  	s0 =	sor.u32 s3, s0;
	s1 =	sshll.u32 s1, $0x11  }
0xbc: {  	s0 =	sor.u32 s1, s0  }
0xbd: {  	s0 =	sadd.s32 $0x8F2B, s0  }
0xbe: {  	[sflag:s0] =	ssyncadd.remote.s32 $0x1  }
0xbf: {  	_ =	sfence.sel $0xFFFF  }
0xc0: {  	[dreg:$0x0] =	wrdreg $0xFFFFFFFF;
	(pc) =	sbr.abs _section_cstart, $3  }
0xc1: {  	[dreg:$0x1] =	wrdreg $0xFFFFFFFF  }
0xc2: {  	_ =	task.clear_ibuf [dreg:s7], $0x2FFFF;
	_ =	strace $0x9FFFFFFF  }
0xc3: {  	(tm) =	ssettm $0x7FFFFFFF  }
tec
execute0_lowered:
.L_overlay_start_1:
0x0: {  	(tag) =	ssettag $0x1  }
0x1: {  	s4 =	rddreg [dreg:$0x0]  }
0x2: {  	s10 =	rddreg [dreg:$0x1]  }
0x3: {  	s0 =	srdreg.scid;
	s1 =	stileid.u32  }
0x4: {  	s2 =	rddreg [dreg:$0x2];
	s3 =	simm.s32 $0x0;
	s6 =	smul.u32 $0x19000, s1  }
0x5: {  	s5 =	sand.u32 $0x1, s0;
	s0 =	rddreg [dreg:$0x3];
	s9 =	smul.u32 $0x7D00, s1  }
0x6: {  	[smem:$0x7FF] =	sst s3;
	s13 =	sadd.s32 $0xCEE00, s4;
	s31 =	smul.u32 $0x64, s1  }
0x7: {  	p0 =	sne.s32 s1, $0x0;
	p1 =	sgt.u32 s1, $0x1;
	s8 =	smul.u32 $0x30D40, s5  }
0x8: {  	s7 =	sshll.u32 s5, $0x5;
	s21 =	smul.u32 $0x186A00, s5;
	s5 =	ssub.s32 $0x2, s5  }
0x9: {  	_ =	strace $0x80000050;
	s6 =	sor.u32 s7, s6;
	s23 =	sshrl.u32 s5, $0x1  }
0xa: {  	s25 =	sadd.s32 $0x7D000, s9;
	s15 =	sadd.s32 s9, s2;
	s28 =	sadd.s32 $0xFA000, s9  }
0xb: {  	s10 =	sadd.s32 s31, s10;
	s6 =	sshrl.u32 s6, $0x3;
	s22 =	sadd.s32 s8, s4  }
0xc: {  	s12 =	sadd.s32 s9, s21;
	s14 =	ssub.s32 s5, s23;
	s26 =	sadd.s32 s21, s25  }
0xd: {  	s16 =	sadd.s32 s21, s28;
	s9 =	sadd.s32 $0x177000, s9;
	s18 =	sadd.s32 s25, s2  }
0xe: {  	s30 =	sadd.s32 s28, s2;
	s11 =	sadd.s32 s6, s4;
	s24 =	sshrl.u32 s12, $0x3  }
0xf: {  	s4 =	sadd.s32 $0x6D200, s22;
	s6 =	sshrl.u32 s26, $0x3;
	s16 =	sshrl.u32 s16, $0x3  }
0x10: {  	s17 =	sadd.s32 s21, s9;
	s12 =	sshrl.u32 @!p0 s2, $0x3;
	s5 =	sadd.s32 s13, s24  }
0x11: {  	s6 =	sadd.s32 s13, s6;
	s7 =	sadd.s32 s13, s16;
	s29 =	sshrl.u32 s17, $0x3  }
0x12: {  	s17 =	sadd.s32 s9, s2;
	s9 =	smax.u32 s14, $0x1;
	s11 =	sadd.s32 $0x20D7600, s11  }
0x13: {  	s14 =	simm.s32 $0x1;
	s16 =	sshrl.u32 s30, $0x3;
	s8 =	sadd.s32 s13, s29  }
0x14: {  	s13 =	sshrl.u32 s15, $0x3;
	s15 =	sshrl.u32 s18, $0x3;
	s17 =	sshrl.u32 @!p1 s17, $0x3  }
.LBB2_1:
0x15: {  	s18 =	simm.s32 @!p0 $0x1C01  }
0x16: {  	[spmem:s12], [sflag:s18] =	dma.local @!p0 [hbm:s4], $0x30D40  }
0x17: {  	s18 =	simm.s32 @!p0 $0x1  }
0x18: {  	_ =	swait.ge @!p0 [sflag:s18], $0x30D40  }
0x19: {  	s19 =	sadd.s32 $0x0, s1;
	[sflag:s18] =	ssyncset.done @!p0 $0x0  }
0x1a: {  	p2 =	sgt.u32 s19, $0x3E7;
	[sflag:s18] =	ssyncadd.s32 @!p0 $0xFFFCF2C0  }
0x1b: {  	s20 =	simm.s32 @!p2 $0x2;
	s18 =	simm.s32 @!p2 $0x0;
	[bflag:$0x0] =	sbarrier.arrive $0xFFFF  }
0x1c: {  	[tilespmem:s18], [sflag:$0x2] =	stream.linear.gather @!p2 [hbm4b:s10+s18], $0x320, $0x38;
	[tilespmem:$0x1EDC0] =	vst v63  }
0x1d: {  	_ =	swait.ge @!p2 [sflag:s20], $0x320  }
0x1e: {  	s22 =	simm.s32 @!p2 $0x320;
	[sflag:s20] =	ssyncset.done @!p2 $0x0  }
0x1f: {  	s19 =	simm.s32 @!p2 $0x20;
	s21 =	simm.s32 @!p2 $0x80;
	[sflag:s20] =	ssyncadd.s32 @!p2 $0xFFFFFCE0  }
0x20: {  	[tilespmem:s22], [sflag:$0x2] =	stream.strided.gather @!p2 [hbm4b:s11+s19], $0x6400, s21, s19, $0x38;
	[tilespmem:$0x1EDC0] =	vst v63  }
0x21: {  	p3 =	por p2, p2;
	_ =	swait.ge @!p2 [sflag:s20], $0x6400  }
0x22: {  	[sflag:s20] =	ssyncset.done @!p3 $0x0  }
0x23: {  	s31 =	sadd.s32 $0x10, s1;
	s21 =	simm.s32 @!p3 $0x1;
	[sflag:s20] =	ssyncadd.s32 @!p3 $0xFFFF9C00  }
0x24: {  	[spmem:s2] =	stream.indirect.scatter.add.f32 @!p3 [tilespmem:s22], [sflag:$0x1], $0x20, s18, s22, $0xb8;
	[tilespmem:$0x1EDC0] =	vst v63  }
0x25: {  	s19 =	simm.s32 $0x20;
	p2 =	sgt.u32 s31, $0x3E7;
	_ =	swait.ge @!p3 [sflag:s21], $0x6400  }
0x26: {  	s20 =	sadd.s32 $0x640, s10;
	s18 =	sadd.s32 $0x32000, s11;
	[sflag:s21] =	ssyncset.done @!p3 $0x0  }
.LBB2_2:
0x27: {  	s22 =	simm.s32 @!p2 $0x0;
	s23 =	simm.s32 @!p2 $0x2;
	[sflag:s21] =	ssyncadd.s32 @!p3 $0xFFFF9C00  }
0x28: {  	[tilespmem:s22], [sflag:$0x2] =	stream.linear.gather @!p2 [hbm4b:s20+s22], $0x320, $0x38;
	[tilespmem:$0x1EDC0] =	vst v63  }
0x29: {  	s24 =	smov.u32 s19;
	s19 =	sadd.s32 $0x10, s19;
	_ =	swait.ge @!p2 [sflag:s23], $0x320  }
0x2a: {  	s25 =	simm.s32 @!p2 $0x320;
	p4 =	sne.s32 s19, $0x3F0;
	[sflag:s23] =	ssyncset.done @!p2 $0x0  }
0x2b: {  	s21 =	simm.s32 @!p2 $0x20;
	s26 =	simm.s32 @!p2 $0x80;
	[sflag:s23] =	ssyncadd.s32 @!p2 $0xFFFFFCE0  }
0x2c: {  	[tilespmem:s25], [sflag:$0x2] =	stream.strided.gather @!p2 [hbm4b:s18+s21], $0x6400, s26, s21, $0x38;
	[tilespmem:$0x1EDC0] =	vst v63  }
0x2d: {  	p3 =	por p2, p2;
	_ =	swait.ge @!p2 [sflag:s23], $0x6400  }
.Ltmp0:
0x2e: {  	[sflag:s23] =	ssyncset.done @!p3 $0x0;
	(pc) =	sbr.rel @p4 .LBB2_2-.Ltmp0, $4  }
0x2f: {  	s21 =	simm.s32 @!p3 $0x1;
	[sflag:s23] =	ssyncadd.s32 @!p3 $0xFFFF9C00  }
0x30: {  	[spmem:s2] =	stream.indirect.scatter.add.f32 @!p3 [tilespmem:s25], [sflag:$0x1], $0x20, s22, s25, $0xb8;
	[tilespmem:$0x1EDC0] =	vst v63  }
0x31: {  	s18 =	sadd.s32 $0x32000, s18;
	s22 =	sadd.s32 s24, s1;
	_ =	swait.ge @!p3 [sflag:s21], $0x6400  }
0x32: {  	s20 =	sadd.s32 $0x640, s20;
	p2 =	sgt.u32 s22, $0x3E7;
	[sflag:s21] =	ssyncset.done @!p3 $0x0  }
0x33: {  	s19 =	simm.s32 @!p2 $0x0;
	s22 =	simm.s32 @!p2 $0x2;
	[sflag:s21] =	ssyncadd.s32 @!p3 $0xFFFF9C00  }
0x34: {  	[tilespmem:s19], [sflag:$0x2] =	stream.linear.gather @!p2 [hbm4b:s20+s19], $0x320, $0x38;
	[tilespmem:$0x1EDC0] =	vst v63  }
0x35: {  	_ =	swait.ge @!p2 [sflag:s22], $0x320  }
0x36: {  	s21 =	simm.s32 @!p2 $0x20;
	[sflag:s22] =	ssyncset.done @!p2 $0x0  }
0x37: {  	s23 =	simm.s32 @!p2 $0x80;
	s20 =	simm.s32 @!p2 $0x320;
	[sflag:s22] =	ssyncadd.s32 @!p2 $0xFFFFFCE0  }
0x38: {  	[tilespmem:s20], [sflag:$0x2] =	stream.strided.gather @!p2 [hbm4b:s18+s21], $0x6400, s23, s21, $0x38;
	[tilespmem:$0x1EDC0] =	vst v63  }
0x39: {  	_ =	swait.ge @!p2 [sflag:s22], $0x6400;
	p2 =	por p2, p2  }
0x3a: {  	[sflag:s22] =	ssyncset.done @!p2 $0x0  }
0x3b: {  	s18 =	simm.s32 @!p2 $0x1;
	[sflag:s22] =	ssyncadd.s32 @!p2 $0xFFFF9C00  }
0x3c: {  	[spmem:s2] =	stream.indirect.scatter.add.f32 @!p2 [tilespmem:s20], [sflag:$0x1], $0x20, s19, s20, $0xb8;
	[tilespmem:$0x1EDC0] =	vst v63  }
0x3d: {  	_ =	swait.ge @!p2 [sflag:s18], $0x6400  }
0x3e: {  	[sflag:s18] =	ssyncset.done @!p2 $0x0  }
0x3f: {  	s31 =	sshll.u32 s1, $0x6;
	[sflag:s18] =	ssyncadd.s32 @!p2 $0xFFFF9C00  }
0x40: {  	s18 =	sor.u32 $0x1C01, s31;
	[bflag:$0x0] =	sbarrier.arrive $0xFFFF  }
0x41: {  	[hbm:s5], [sflag:s18] =	dma.local [spmem:s13], $0xFA0  }
0x42: {  	_ =	swait.ge [sflag:s14], $0xFA0  }
0x43: {  	[sflag:s14] =	ssyncset.done $0x0  }
0x44: {  	[sflag:s14] =	ssyncadd.s32 $0xFFFFF060  }
0x45: {  	[hbm:s6], [sflag:s18] =	dma.local [spmem:s15], $0xFA0  }
0x46: {  	_ =	swait.ge [sflag:s14], $0xFA0  }
0x47: {  	[sflag:s14] =	ssyncset.done $0x0  }
0x48: {  	[sflag:s14] =	ssyncadd.s32 $0xFFFFF060  }
0x49: {  	[hbm:s7], [sflag:s18] =	dma.local [spmem:s16], $0xFA0  }
0x4a: {  	_ =	swait.ge [sflag:s14], $0xFA0  }
0x4b: {  	s3 =	sadd.s32 $0x1, s3;
	[sflag:s14] =	ssyncset.done $0x0  }
0x4c: {  	p2 =	sne.s32 s3, s9;
	[sflag:s14] =	ssyncadd.s32 $0xFFFFF060  }
0x4d: {  	[hbm:s8], [sflag:s18] =	dma.local @!p1 [spmem:s17], $0xFA0  }
.Ltmp1:
0x4e: {  	_ = 	snop;
	(pc) =	sbr.rel @p2 .LBB2_1-.Ltmp1, $4  }
0x4f: {  	s18 =	simm.s32 @!p1 $0x1  }
0x50: {  	_ =	swait.ge @!p1 [sflag:s18], $0xFA0  }
0x51: {  	[sflag:s18] =	ssyncset.done @!p1 $0x0  }
0x52: {  	[sflag:s18] =	ssyncadd.s32 @!p1 $0xFFFFF060  }
0x53: {  	_ =	sfence.sel $0x180000  }
0x54: {  	[bflag:$0x0] =	sbarrier.arrive $0xFFFF  }
0x55: {  	_ =	strace $0x90000050  }
0x56: {  	s0 =	sadd.s32 @!p0 $0x100000, s0;
	[bflag:$0x2] =	sbarrier.arrive $0xFFFF  }
0x57: {  	[sflag:s0] =	ssyncadd.tile.s32 @!p0 $0x1;
	_ =	shalt  }
.Lfunc_end2:
_tile_overlayer_lowered:
.L_overlay_start_2:
0x58: {  	(tag) =	ssettag $0x2  }
0x59: {  	s0 =	rddreg [dreg:$0x0];
	s2 =	stileid.u32  }
0x5a: {  	s1 =	rddreg [dreg:$0x1];
	p0 =	sne.s32 s2, $0x0  }
0x5b: {  	s3 =	rddreg [dreg:$0x2];
	[bflag:$0x3] =	sbarrier.arrive $0xFFFF;
	s2 =	simm.s32 @!p0 $0x1C01  }
0x5c: {  	[timem:s3], [sflag:s2] =	dma.local @!p0 [hbm:s0], s1  }
0x5d: {  	s0 =	simm.s32 @!p0 $0x1  }
0x5e: {  	_ =	swait.ge @!p0 [sflag:s0], s1  }
0x5f: {  	s1 =	ssub.s32 @!p0 $0x0, s1;
	[sflag:s0] =	ssyncset.done @!p0 $0x0  }
0x60: {  	[sflag:s0] =	ssyncadd.s32 @!p0 s1  }
0x61: {  	[bflag:$0x3] =	sbarrier.arrive $0xFFFF  }
0x62: {  	_ =	shalt  }

// kernel: kernel.24.cloned.1.call-start
scs
__scs_entry_jumppad:
0x0: {  	(pc) =	sbr.rel $0x88, $3  }
0x1: {  	(tag) =	ssettag $0x0;
	lr =	simm.s32 $0x1  }
0x2: {  	[smem:$0x3F91] =	sst lr;
	_ =	strace $0xD0000000  }
0x3: {  	_ = 	snop  }
0x4: {  	_ = 	snop  }
0x5: {  	_ = 	snop  }
0x6: {  	_ = 	snop  }
0x7: {  	_ = 	snop  }
__scs_overlays_trampoline_lowered:
0x8: {  	[smem:$0x3FA0] =	sst s0  }
0x9: {  	[smem:$0x3FA1] =	sst s1  }
0xa: {  	[smem:$0x3FA2] =	sst s2  }
0xb: {  	[smem:$0x3FA3] =	sst s3  }
0xc: {  	[smem:$0x3FA4] =	sst s4  }
0xd: {  	[smem:$0x3FA5] =	sst s5  }
0xe: {  	[smem:$0x3FA6] =	sst s6  }
0xf: {  	[smem:$0x3FA7] =	sst s7  }
0x10: {  	[smem:$0x3FA8] =	sst s8  }
0x11: {  	[smem:$0x3FA9] =	sst s9;
	s0 =	simm.s32 @!p0 $0x0  }
0x12: {  	s1 =	sld [smem:$0x3F8F];
	s0 =	simm.s32 @p0 $0x1  }
0x13: {  	[smem:$0x3FAA] =	sst s0;
	s0 =	simm.s32 @!p1 $0x0  }
0x14: {  	s2 =	sld [smem:$0x3F8E];
	s0 =	simm.s32 @p1 $0x1  }
0x15: {  	[smem:$0x3FAB] =	sst s0;
	s0 =	simm.s32 @!p2 $0x0  }
0x16: {  	s3 =	sld [smem:$0x3FDB];
	s0 =	simm.s32 @p2 $0x1  }
0x17: {  	s4 =	simm.s32 $0x1BF5;
	[smem:$0x3FAD] =	sst s0  }
0x18: {  	s0 =	sld [smem:$0x3F90];
	_ =	swait.ge [sflag:s4], $0x0  }
0x19: {  	s7 =	sld [smem:$0x3F91]  }
0x1a: {  	s8 =	sadd.s32 $0xFFFFE003, lr  }
0x1b: {  	s9 =	sadd.s32 $0xFFFFFEF7, lr;
	s5 =	simm.s32 $0xFFFFFFFF;
	p2 =	slt.u32 s8, $0xFFFFF086  }
0x1c: {  	p1 =	slt.u32 s9, $0xF7A;
	s5 =	simm.s32 @!p2 $0x0  }
0x1d: {  	s5 =	simm.s32 @p1 $0x1;
	p0 =	seq.s32 s7, s2  }
0x1e: {  	s7 =	smul.u32 @!p0 $0xF7A, s2;
	p2 =	seq.s32 @!p0 s5, $0x0  }
0x1f: {  	s9 =	smul.u32 $0xF7A, s1;
	s8 =	simm.s32 @!p0 $0x1BF5;
	p2 =	por !p2, p0  }
0x20: {  	[sflag:s8] =	ssyncset.s32 @!p0 $0xFFFFF086;
	s6 =	sadd.s32 @!p0 s3, s7;
	s7 =	simm.s32 @!p0 $0x108  }
0x21: {  	s3 =	sadd.s32 s3, s9;
	s6 =	sadd.s32 @!p0 $0x88, s6;
	s7 =	simm.s32 @p2 $0x1082  }
0x22: {  	[simem:s7], [sflag:s8] =	dma.local @!p0 [hbm:s6], $0xF7A  }
0x23: {  	s9 =	sor.u32 $0xD0000000, s2;
	s6 =	simm.s32 $0x108;
	_ =	swait.ge @!p0 [sflag:s8], $0x0  }
0x24: {  	s3 =	sadd.s32 $0x88, s3;
	s6 =	simm.s32 @!p1 $0x1082;
	[sflag:s4] =	ssyncset.s32 $0xFFFFF086  }
0x25: {  	[simem:s6], [sflag:s4] =	dma.local [hbm:s3], $0xF7A  }
0x26: {  	[smem:$0x3F91] =	sst s1;
	(tag) =	ssettag s2;
	_ =	strace s9  }
0x27: {  	s1 =	sld [smem:$0x3FA1]  }
0x28: {  	s2 =	sld [smem:$0x3FA2]  }
0x29: {  	s4 =	sld [smem:$0x3FA4]  }
0x2a: {  	p0 =	seq.s32 s5, $0x0;
	s5 =	sld [smem:$0x3FA5]  }
0x2b: {  	s6 =	sld [smem:$0x3FA6]  }
0x2c: {  	s7 =	sld [smem:$0x3FA7]  }
0x2d: {  	s3 =	simm.s32 $0x108;
	s8 =	sld [smem:$0x3FA8]  }
0x2e: {  	s3 =	simm.s32 @!p0 $0x1082;
	s9 =	sld [smem:$0x3FA9]  }
0x2f: {  	lr =	sadd.s32 s0, s3;
	s0 =	sld [smem:$0x3FA0]  }
0x30: {  	s3 =	sld [smem:$0x3FA3]  }
0x31: {  	[smem:$0x3FAC] =	sst s10  }
0x32: {  	s10 =	sld [smem:$0x3FAA];
	_ =	sdelay $0x3  }
0x33: {  	p0 =	seq.s32 s10, $0x1;
	s10 =	sld [smem:$0x3FAC];
	_ =	sdelay $0x3  }
0x34: {  	[smem:$0x3FAC] =	sst s10  }
0x35: {  	s10 =	sld [smem:$0x3FAB];
	_ =	sdelay $0x3  }
0x36: {  	p1 =	seq.s32 s10, $0x1;
	s10 =	sld [smem:$0x3FAC];
	_ =	sdelay $0x3  }
0x37: {  	[smem:$0x3FAC] =	sst s10  }
0x38: {  	s10 =	sld [smem:$0x3FAD]  }
0x39: {  	_ = 	snop;
	(pc) =	sbr.ind lr, $3  }
0x3a: {  	_ = 	snop  }
0x3b: {  	_ = 	snop  }
0x3c: {  	p2 =	seq.s32 s10, $0x1;
	s10 =	sld [smem:$0x3FAC]  }
0x3d: {  	_ =	shalt  }
0x3e: {  	_ =	shalt  }
0x3f: {  	_ =	shalt  }
0x40: {  	_ =	shalt  }
0x41: {  	_ =	shalt  }
0x42: {  	_ =	shalt  }
0x43: {  	_ =	shalt  }
0x44: {  	_ =	shalt  }
0x45: {  	_ =	shalt  }
0x46: {  	_ =	shalt  }
0x47: {  	_ =	shalt  }
0x48: {  	_ =	shalt  }
0x49: {  	_ =	shalt  }
0x4a: {  	_ =	shalt  }
0x4b: {  	_ =	shalt  }
0x4c: {  	_ =	shalt  }
0x4d: {  	_ =	shalt  }
0x4e: {  	_ =	shalt  }
0x4f: {  	_ =	shalt  }
0x50: {  	_ =	shalt  }
0x51: {  	_ =	shalt  }
0x52: {  	_ =	shalt  }
0x53: {  	_ =	shalt  }
0x54: {  	_ =	shalt  }
0x55: {  	_ =	shalt  }
0x56: {  	_ =	shalt  }
0x57: {  	_ =	shalt  }
0x58: {  	_ =	shalt  }
0x59: {  	_ =	shalt  }
0x5a: {  	_ =	shalt  }
0x5b: {  	_ =	shalt  }
0x5c: {  	_ =	shalt  }
0x5d: {  	_ =	shalt  }
0x5e: {  	_ =	shalt  }
0x5f: {  	_ =	shalt  }
0x60: {  	_ =	shalt  }
0x61: {  	_ =	shalt  }
0x62: {  	_ =	shalt  }
0x63: {  	_ =	shalt  }
0x64: {  	_ =	shalt  }
0x65: {  	_ =	shalt  }
0x66: {  	_ =	shalt  }
0x67: {  	_ =	shalt  }
0x68: {  	_ =	shalt  }
0x69: {  	_ =	shalt  }
0x6a: {  	_ =	shalt  }
0x6b: {  	_ =	shalt  }
0x6c: {  	_ =	shalt  }
0x6d: {  	_ =	shalt  }
0x6e: {  	_ =	shalt  }
0x6f: {  	_ =	shalt  }
0x70: {  	_ =	shalt  }
0x71: {  	_ =	shalt  }
0x72: {  	_ =	shalt  }
0x73: {  	_ =	shalt  }
0x74: {  	_ =	shalt  }
0x75: {  	_ =	shalt  }
0x76: {  	_ =	shalt  }
0x77: {  	_ =	shalt  }
0x78: {  	_ =	shalt  }
0x79: {  	_ =	shalt  }
0x7a: {  	_ =	shalt  }
0x7b: {  	_ =	shalt  }
0x7c: {  	_ =	shalt  }
0x7d: {  	_ =	shalt  }
0x7e: {  	_ =	shalt  }
0x7f: {  	_ =	shalt  }
0x80: {  	_ =	shalt  }
0x81: {  	_ =	shalt  }
0x82: {  	_ =	shalt  }
0x83: {  	_ =	shalt  }
0x84: {  	_ =	shalt  }
0x85: {  	_ =	shalt  }
0x86: {  	_ =	shalt  }
0x87: {  	_ =	shalt  }
.Lfunc_end0:
.L_simem_size_0:
called_computation.5_lowered:
.L_overlay_start_0:
0x88: {  	s2 =	sld [smem:$0x3FD9]  }
0x89: {  	s3 =	sld [smem:$0x3FFE];
	_ =	sdelay $0x1  }
0x8a: {  	s1 =	srdreg.scid  }
0x8b: {  	s0 =	sand.u32 $0x1, s1  }
0x8c: {  	s17 =	sshll.u32 s0, $0xA;
	s2 =	sadd.s32 s3, s2  }
0x8d: {  	s2 =	sadd.s32 s2, s17  }
0x8e: {  	[smem:$0x3FB8] =	sst s2  }
0x8f: {  	_ = 	snop  }
0x90: {  	s2 =	sld [smem:$0x3FC6];
	(tm) =	ssettm $0x1  }
0x91: {  	s18 =	sld [smem:$0x3FFB];
	_ =	sdelay $0x3  }
0x92: {  	_ =	strace s18  }
0x93: {  	s3 =	sld [smem:$0x3FFC];
	_ =	sdelay $0x3  }
0x94: {  	_ =	strace s3  }
0x95: {  	s3 =	sld [smem:$0x3FFD];
	_ =	sdelay $0x3  }
0x96: {  	_ =	strace s3  }
0x97: {  	_ =	strace $0x8FFFFFFF  }
0x98: {  	s19 =	sld [smem:$0x3FDB];
	_ =	sdelay $0x1  }
0x99: {  	s4 =	simm.s32 $_scs_section_size  }
0x9a: {  	s5 =	simm.s32 $_size__tile_overlayer_lowered;
	s6 =	simm.s32 $_tile_overlayer_lowered  }
0x9b: {  	s22 =	simm.s32 $0x1BFF;
	s21 =	sshll.u32 s6, $0x1;
	s3 =	sadd.s32 s4, s19  }
0x9c: {  	s7 =	simm.s32 $0x0;
	s20 =	sshll.u32 s5, $0x1;
	s5 =	sadd.s32 s21, s3  }
0x9d: {  	[timem:s7], [sflag:s22] =	dma.local [hbm:s5], s20  }
0x9e: {  	_ =	swait.ge [sflag:s22], s20  }
0x9f: {  	s4 =	ssub.s32 $0x0, s20;
	[sflag:s22] =	ssyncset.done $0x0  }
0xa0: {  	[sflag:s22] =	ssyncadd.s32 s4;
	_ =	sdelay $0x1  }
0xa1: {  	s23 =	simm.s32 $0x1B8B  }
0xa2: {  	_ =	swait.ge [sflag:s23], $0x1  }
0xa3: {  	[sflag:s23] =	ssyncset.done $0x0  }
0xa4: {  	s25 =	simm.s32 $0x1B8E;
	s24 =	sld [smem:$0x3FFE];
	[sflag:s23] =	ssyncadd.s32 $0xFFFFFFFF  }
0xa5: {  	s26 =	simm.s32 $execute0_lowered;
	[smem:$0x3FD2] =	sst s25  }
0xa6: {  	s5 =	sshll.u32 s26, $0x1;
	_ =	strace $0x80000052;
	[dreg:$0x1] =	wrdreg $0xFFFFFFFF  }
0xa7: {  	s28 =	simm.s32 $_size_execute0_lowered;
	s3 =	sadd.s32 s3, s5;
	[dreg:$0x0] =	wrdreg $0x0  }
0xa8: {  	s5 =	sshll.u32 s28, $0x1;
	[dreg:$0x2] =	wrdreg s3  }
0xa9: {  	[dreg:$0x3] =	wrdreg s5  }
0xaa: {  	[dreg:$0x4] =	wrdreg $0xC0  }
0xab: {  	_ =	task [dreg:s7], $0x5FFFF  }
0xac: {  	[dreg:$0x1] =	wrdreg $0xFFFFFFFF  }
0xad: {  	[dreg:$0x0] =	wrdreg $0x60  }
0xae: {  	[dreg:$0x2] =	wrdreg s24  }
0xaf: {  	[dreg:$0x3] =	wrdreg s2  }
0xb0: {  	[dreg:$0x4] =	wrdreg $0x9  }
0xb1: {  	_ =	task.clear_ibuf [dreg:s7], $0x5FFFF;
	_ =	strace $0x90000052  }
0xb2: {  	s29 =	simm.s32 $0x9;
	_ =	strace $0x80000054  }
0xb3: {  	_ =	swait.ge [sflag:s29], $0x1  }
0xb4: {  	[sflag:s29] =	ssyncadd.s32 $0xFFFFFFFF  }
0xb5: {  	_ =	strace $0x90000054  }
0xb6: {  	_ =	sfence  }
0xb7: {  	s30 =	sld [smem:$0x0];
	_ =	sdelay $0x2  }
0xb8: {  	s31 =	sshll.u32 s1, $0xD;
	s1 =	sshrl.u32 s1, $0x2  }
0xb9: {  	s3 =	sand.u32 $0x4000, s31;
	s1 =	sadd.s32 s1, s30  }
0xba: {  	s0 =	sor.u32 s3, s0;
	s1 =	sshll.u32 s1, $0x11  }
0xbb: {  	s0 =	sor.u32 s1, s0  }
0xbc: {  	s0 =	sadd.s32 $0x8F2B, s0  }
0xbd: {  	[sflag:s0] =	ssyncadd.remote.s32 $0x1  }
0xbe: {  	_ =	sfence.sel $0xFFFF  }
0xbf: {  	[dreg:$0x0] =	wrdreg $0xFFFFFFFF;
	(pc) =	sbr.abs _section_cstart, $3  }
0xc0: {  	[dreg:$0x1] =	wrdreg $0xFFFFFFFF  }
0xc1: {  	_ =	task.clear_ibuf [dreg:s7], $0x2FFFF;
	_ =	strace $0x9FFFFFFF  }
0xc2: {  	(tm) =	ssettm $0x7FFFFFFF  }
0xc3: {  	_ =	shalt  }
tec
execute0_lowered:
.L_overlay_start_1:
0x0: {  	(tag) =	ssettag $0x1  }
0x1: {  	s3 =	rddreg [dreg:$0x0]  }
0x2: {  	s5 =	rddreg [dreg:$0x1]  }
0x3: {  	s2 =	srdreg.scid;
	s1 =	stileid.u32  }
0x4: {  	s0 =	rddreg [dreg:$0x2];
	s6 =	smul.u32 $0x19000, s1  }
0x5: {  	s4 =	sand.u32 $0x1, s2;
	s2 =	simm.s32 $0x0;
	s31 =	smul.u32 $0x64, s1  }
0x6: {  	s7 =	smul.u32 $0x30D40, s4;
	s8 =	sshll.u32 s4, $0x5;
	s4 =	ssub.s32 $0x2, s4  }
0x7: {  	[smem:$0x7FF] =	sst s2;
	s6 =	sor.u32 s8, s6;
	s30 =	sshrl.u32 s4, $0x1  }
0x8: {  	_ =	strace $0x80000053;
	s5 =	sadd.s32 s31, s5;
	s6 =	sshrl.u32 s6, $0x3  }
0x9: {  	s7 =	sadd.s32 s7, s3;
	s4 =	ssub.s32 s4, s30;
	s6 =	sadd.s32 s6, s3  }
0xa: {  	s3 =	sadd.s32 $0x255800, s7;
	s4 =	smax.u32 s4, $0x1;
	s6 =	sadd.s32 $0x2B7400, s6  }
.LBB2_1:
0xb: {  	s7 =	sadd.s32 $0x0, s1  }
0xc: {  	p0 =	sgt.u32 s7, $0x3E7  }
0xd: {  	s7 =	simm.s32 @!p0 $0x0;
	s8 =	simm.s32 @!p0 $0x3  }
0xe: {  	[tilespmem:s7], [sflag:$0x3] =	stream.linear.gather @!p0 [hbm4b:s5+s7], $0x320, $0x38;
	[tilespmem:$0x6720] =	vst v63  }
0xf: {  	_ =	swait.ge @!p0 [sflag:s8], $0x320  }
0x10: {  	[sflag:s8] =	ssyncset.done @!p0 $0x0;
	p0 =	por p0, p0  }
0x11: {  	[sflag:s8] =	ssyncadd.s32 @!p0 $0xFFFFFCE0;
	s9 =	simm.s32 @!p0 $0x320;
	s11 =	simm.s32 @!p0 $0x1  }
0x12: {  	[tilespmem:s9], [sflag:$0x1] =	stream.indirect.gather @!p0 [hbm4b:s3+s9], $0x20, s7, s9, $0xb8;
	[tilespmem:$0x6720] =	vst v63  }
0x13: {  	_ =	swait.ge @!p0 [sflag:s11], $0x6400  }
0x14: {  	s31 =	sadd.s32 $0x10, s1;
	s10 =	simm.s32 @!p0 $0x2;
	[sflag:s11] =	ssyncset.done @!p0 $0x0  }
0x15: {  	s7 =	simm.s32 @!p0 $0x20;
	[sflag:s11] =	ssyncadd.s32 @!p0 $0xFFFF9C00;
	s11 =	simm.s32 @!p0 $0x80  }
0x16: {  	[hbm4b:s6+s7] =	stream.strided.scatter @!p0 [tilespmem:s9], [sflag:$0x2], $0x6400, s11, s7, $0x38;
	[tilespmem:$0x6720] =	vst v63  }
0x17: {  	p1 =	sgt.u32 s31, $0x3E7;
	s8 =	simm.s32 $0x20;
	_ =	swait.ge @!p0 [sflag:s10], $0x6400  }
0x18: {  	s7 =	sadd.s32 $0x32000, s6;
	s9 =	sadd.s32 $0x640, s5;
	[sflag:s10] =	ssyncset.done @!p0 $0x0  }
.LBB2_2:
0x19: {  	s11 =	simm.s32 @!p1 $0x0;
	s12 =	simm.s32 @!p1 $0x3;
	[sflag:s10] =	ssyncadd.s32 @!p0 $0xFFFF9C00  }
0x1a: {  	[tilespmem:s11], [sflag:$0x3] =	stream.linear.gather @!p1 [hbm4b:s9+s11], $0x320, $0x38;
	[tilespmem:$0x6720] =	vst v63  }
0x1b: {  	s13 =	smov.u32 s8;
	s8 =	sadd.s32 $0x10, s8;
	_ =	swait.ge @!p1 [sflag:s12], $0x320  }
0x1c: {  	p0 =	por p1, p1;
	p2 =	sne.s32 s8, $0x3F0;
	[sflag:s12] =	ssyncset.done @!p1 $0x0  }
0x1d: {  	s14 =	simm.s32 @!p0 $0x1;
	[sflag:s12] =	ssyncadd.s32 @!p0 $0xFFFFFCE0;
	s12 =	simm.s32 @!p0 $0x320  }
0x1e: {  	[tilespmem:s12], [sflag:$0x1] =	stream.indirect.gather @!p0 [hbm4b:s3+s12], $0x20, s11, s12, $0xb8;
	[tilespmem:$0x6720] =	vst v63  }
0x1f: {  	_ =	swait.ge @!p0 [sflag:s14], $0x6400  }
.Ltmp0:
0x20: {  	s10 =	simm.s32 @!p0 $0x2;
	[sflag:s14] =	ssyncset.done @!p0 $0x0;
	(pc) =	sbr.rel @p2 .LBB2_2-.Ltmp0, $4  }
0x21: {  	s11 =	simm.s32 @!p0 $0x20;
	[sflag:s14] =	ssyncadd.s32 @!p0 $0xFFFF9C00;
	s14 =	simm.s32 @!p0 $0x80  }
0x22: {  	[hbm4b:s7+s11] =	stream.strided.scatter @!p0 [tilespmem:s12], [sflag:$0x2], $0x6400, s14, s11, $0x38;
	[tilespmem:$0x6720] =	vst v63  }
0x23: {  	s11 =	sadd.s32 s13, s1;
	s7 =	sadd.s32 $0x32000, s7;
	_ =	swait.ge @!p0 [sflag:s10], $0x6400  }
0x24: {  	s9 =	sadd.s32 $0x640, s9;
	p1 =	sgt.u32 s11, $0x3E7;
	[sflag:s10] =	ssyncset.done @!p0 $0x0  }
0x25: {  	s8 =	simm.s32 @!p1 $0x0;
	s11 =	simm.s32 @!p1 $0x3;
	[sflag:s10] =	ssyncadd.s32 @!p0 $0xFFFF9C00  }
0x26: {  	[tilespmem:s8], [sflag:$0x3] =	stream.linear.gather @!p1 [hbm4b:s9+s8], $0x320, $0x38;
	[tilespmem:$0x6720] =	vst v63  }
0x27: {  	_ =	swait.ge @!p1 [sflag:s11], $0x320  }
0x28: {  	p0 =	por p1, p1;
	s2 =	sadd.s32 $0x1, s2;
	[sflag:s11] =	ssyncset.done @!p1 $0x0  }
0x29: {  	s9 =	simm.s32 @!p0 $0x320;
	s10 =	simm.s32 @!p0 $0x1;
	[sflag:s11] =	ssyncadd.s32 @!p0 $0xFFFFFCE0  }
0x2a: {  	[tilespmem:s9], [sflag:$0x1] =	stream.indirect.gather @!p0 [hbm4b:s3+s9], $0x20, s8, s9, $0xb8;
	[tilespmem:$0x6720] =	vst v63  }
0x2b: {  	p1 =	sne.s32 s2, s4;
	_ =	swait.ge @!p0 [sflag:s10], $0x6400  }
0x2c: {  	s11 =	simm.s32 @!p0 $0x80;
	s8 =	simm.s32 @!p0 $0x2;
	[sflag:s10] =	ssyncset.done @!p0 $0x0  }
.Ltmp1:
0x2d: {  	[sflag:s10] =	ssyncadd.s32 @!p0 $0xFFFF9C00;
	s10 =	simm.s32 @!p0 $0x20;
	(pc) =	sbr.rel @p1 .LBB2_1-.Ltmp1, $4  }
0x2e: {  	[hbm4b:s7+s10] =	stream.strided.scatter @!p0 [tilespmem:s9], [sflag:$0x2], $0x6400, s11, s10, $0x38;
	[tilespmem:$0x6720] =	vst v63  }
0x2f: {  	_ =	swait.ge @!p0 [sflag:s8], $0x6400  }
0x30: {  	[sflag:s8] =	ssyncset.done @!p0 $0x0  }
0x31: {  	[sflag:s8] =	ssyncadd.s32 @!p0 $0xFFFF9C00  }
0x32: {  	_ =	sfence.sel $0x180000  }
0x33: {  	[bflag:$0x0] =	sbarrier.arrive $0xFFFF  }
0x34: {  	p0 =	sne.s32 s1, $0x0;
	_ =	strace $0x90000053  }
0x35: {  	s0 =	sadd.s32 @!p0 $0x100000, s0;
	[bflag:$0x2] =	sbarrier.arrive $0xFFFF  }
0x36: {  	[sflag:s0] =	ssyncadd.tile.s32 @!p0 $0x1;
	_ =	shalt  }
.Lfunc_end2:
_tile_overlayer_lowered:
.L_overlay_start_2:
0x37: {  	(tag) =	ssettag $0x2  }
0x38: {  	s0 =	rddreg [dreg:$0x0];
	s2 =	stileid.u32  }
0x39: {  	s1 =	rddreg [dreg:$0x1];
	p0 =	sne.s32 s2, $0x0  }
0x3a: {  	s3 =	rddreg [dreg:$0x2];
	[bflag:$0x3] =	sbarrier.arrive $0xFFFF;
	s2 =	simm.s32 @!p0 $0x1C02  }
0x3b: {  	[timem:s3], [sflag:s2] =	dma.local @!p0 [hbm:s0], s1  }
0x3c: {  	s0 =	simm.s32 @!p0 $0x2  }
0x3d: {  	_ =	swait.ge @!p0 [sflag:s0], s1  }
0x3e: {  	s1 =	ssub.s32 @!p0 $0x0, s1;
	[sflag:s0] =	ssyncset.done @!p0 $0x0  }
0x3f: {  	[sflag:s0] =	ssyncadd.s32 @!p0 s1  }
0x40: {  	[bflag:$0x3] =	sbarrier.arrive $0xFFFF  }
0x41: {  	_ =	shalt  }

// kernel: kernel.27.cloned.1.call-start
scs
__scs_entry_jumppad:
0x0: {  	(pc) =	sbr.rel $0x88, $3  }
0x1: {  	(tag) =	ssettag $0x0;
	lr =	simm.s32 $0x1  }
0x2: {  	[smem:$0x3F91] =	sst lr;
	_ =	strace $0xD0000000  }
0x3: {  	_ = 	snop  }
0x4: {  	_ = 	snop  }
0x5: {  	_ = 	snop  }
0x6: {  	_ = 	snop  }
0x7: {  	_ = 	snop  }
__scs_overlays_trampoline_lowered:
0x8: {  	[smem:$0x3FA0] =	sst s0  }
0x9: {  	[smem:$0x3FA1] =	sst s1  }
0xa: {  	[smem:$0x3FA2] =	sst s2  }
0xb: {  	[smem:$0x3FA3] =	sst s3  }
0xc: {  	[smem:$0x3FA4] =	sst s4  }
0xd: {  	[smem:$0x3FA5] =	sst s5  }
0xe: {  	[smem:$0x3FA6] =	sst s6  }
0xf: {  	[smem:$0x3FA7] =	sst s7  }
0x10: {  	[smem:$0x3FA8] =	sst s8  }
0x11: {  	[smem:$0x3FA9] =	sst s9;
	s0 =	simm.s32 @!p0 $0x0  }
0x12: {  	s1 =	sld [smem:$0x3F8F];
	s0 =	simm.s32 @p0 $0x1  }
0x13: {  	[smem:$0x3FAA] =	sst s0;
	s0 =	simm.s32 @!p1 $0x0  }
0x14: {  	s2 =	sld [smem:$0x3F8E];
	s0 =	simm.s32 @p1 $0x1  }
0x15: {  	[smem:$0x3FAB] =	sst s0;
	s0 =	simm.s32 @!p2 $0x0  }
0x16: {  	s3 =	sld [smem:$0x3FDB];
	s0 =	simm.s32 @p2 $0x1  }
0x17: {  	s4 =	simm.s32 $0x1BF5;
	[smem:$0x3FAD] =	sst s0  }
0x18: {  	s0 =	sld [smem:$0x3F90];
	_ =	swait.ge [sflag:s4], $0x0  }
0x19: {  	s7 =	sld [smem:$0x3F91]  }
0x1a: {  	s8 =	sadd.s32 $0xFFFFE003, lr  }
0x1b: {  	s9 =	sadd.s32 $0xFFFFFEF7, lr;
	s5 =	simm.s32 $0xFFFFFFFF;
	p2 =	slt.u32 s8, $0xFFFFF086  }
0x1c: {  	p1 =	slt.u32 s9, $0xF7A;
	s5 =	simm.s32 @!p2 $0x0  }
0x1d: {  	s5 =	simm.s32 @p1 $0x1;
	p0 =	seq.s32 s7, s2  }
0x1e: {  	s7 =	smul.u32 @!p0 $0xF7A, s2;
	p2 =	seq.s32 @!p0 s5, $0x0  }
0x1f: {  	s9 =	smul.u32 $0xF7A, s1;
	s8 =	simm.s32 @!p0 $0x1BF5;
	p2 =	por !p2, p0  }
0x20: {  	[sflag:s8] =	ssyncset.s32 @!p0 $0xFFFFF086;
	s6 =	sadd.s32 @!p0 s3, s7;
	s7 =	simm.s32 @!p0 $0x108  }
0x21: {  	s3 =	sadd.s32 s3, s9;
	s6 =	sadd.s32 @!p0 $0x88, s6;
	s7 =	simm.s32 @p2 $0x1082  }
0x22: {  	[simem:s7], [sflag:s8] =	dma.local @!p0 [hbm:s6], $0xF7A  }
0x23: {  	s9 =	sor.u32 $0xD0000000, s2;
	s6 =	simm.s32 $0x108;
	_ =	swait.ge @!p0 [sflag:s8], $0x0  }
0x24: {  	s3 =	sadd.s32 $0x88, s3;
	s6 =	simm.s32 @!p1 $0x1082;
	[sflag:s4] =	ssyncset.s32 $0xFFFFF086  }
0x25: {  	[simem:s6], [sflag:s4] =	dma.local [hbm:s3], $0xF7A  }
0x26: {  	[smem:$0x3F91] =	sst s1;
	(tag) =	ssettag s2;
	_ =	strace s9  }
0x27: {  	s1 =	sld [smem:$0x3FA1]  }
0x28: {  	s2 =	sld [smem:$0x3FA2]  }
0x29: {  	s4 =	sld [smem:$0x3FA4]  }
0x2a: {  	p0 =	seq.s32 s5, $0x0;
	s5 =	sld [smem:$0x3FA5]  }
0x2b: {  	s6 =	sld [smem:$0x3FA6]  }
0x2c: {  	s7 =	sld [smem:$0x3FA7]  }
0x2d: {  	s3 =	simm.s32 $0x108;
	s8 =	sld [smem:$0x3FA8]  }
0x2e: {  	s3 =	simm.s32 @!p0 $0x1082;
	s9 =	sld [smem:$0x3FA9]  }
0x2f: {  	lr =	sadd.s32 s0, s3;
	s0 =	sld [smem:$0x3FA0]  }
0x30: {  	s3 =	sld [smem:$0x3FA3]  }
0x31: {  	[smem:$0x3FAC] =	sst s10  }
0x32: {  	s10 =	sld [smem:$0x3FAA];
	_ =	sdelay $0x3  }
0x33: {  	p0 =	seq.s32 s10, $0x1;
	s10 =	sld [smem:$0x3FAC];
	_ =	sdelay $0x3  }
0x34: {  	[smem:$0x3FAC] =	sst s10  }
0x35: {  	s10 =	sld [smem:$0x3FAB];
	_ =	sdelay $0x3  }
0x36: {  	p1 =	seq.s32 s10, $0x1;
	s10 =	sld [smem:$0x3FAC];
	_ =	sdelay $0x3  }
0x37: {  	[smem:$0x3FAC] =	sst s10  }
0x38: {  	s10 =	sld [smem:$0x3FAD]  }
0x39: {  	_ = 	snop;
	(pc) =	sbr.ind lr, $3  }
0x3a: {  	_ = 	snop  }
0x3b: {  	_ = 	snop  }
0x3c: {  	p2 =	seq.s32 s10, $0x1;
	s10 =	sld [smem:$0x3FAC]  }
0x3d: {  	_ =	shalt  }
0x3e: {  	_ =	shalt  }
0x3f: {  	_ =	shalt  }
0x40: {  	_ =	shalt  }
0x41: {  	_ =	shalt  }
0x42: {  	_ =	shalt  }
0x43: {  	_ =	shalt  }
0x44: {  	_ =	shalt  }
0x45: {  	_ =	shalt  }
0x46: {  	_ =	shalt  }
0x47: {  	_ =	shalt  }
0x48: {  	_ =	shalt  }
0x49: {  	_ =	shalt  }
0x4a: {  	_ =	shalt  }
0x4b: {  	_ =	shalt  }
0x4c: {  	_ =	shalt  }
0x4d: {  	_ =	shalt  }
0x4e: {  	_ =	shalt  }
0x4f: {  	_ =	shalt  }
0x50: {  	_ =	shalt  }
0x51: {  	_ =	shalt  }
0x52: {  	_ =	shalt  }
0x53: {  	_ =	shalt  }
0x54: {  	_ =	shalt  }
0x55: {  	_ =	shalt  }
0x56: {  	_ =	shalt  }
0x57: {  	_ =	shalt  }
0x58: {  	_ =	shalt  }
0x59: {  	_ =	shalt  }
0x5a: {  	_ =	shalt  }
0x5b: {  	_ =	shalt  }
0x5c: {  	_ =	shalt  }
0x5d: {  	_ =	shalt  }
0x5e: {  	_ =	shalt  }
0x5f: {  	_ =	shalt  }
0x60: {  	_ =	shalt  }
0x61: {  	_ =	shalt  }
0x62: {  	_ =	shalt  }
0x63: {  	_ =	shalt  }
0x64: {  	_ =	shalt  }
0x65: {  	_ =	shalt  }
0x66: {  	_ =	shalt  }
0x67: {  	_ =	shalt  }
0x68: {  	_ =	shalt  }
0x69: {  	_ =	shalt  }
0x6a: {  	_ =	shalt  }
0x6b: {  	_ =	shalt  }
0x6c: {  	_ =	shalt  }
0x6d: {  	_ =	shalt  }
0x6e: {  	_ =	shalt  }
0x6f: {  	_ =	shalt  }
0x70: {  	_ =	shalt  }
0x71: {  	_ =	shalt  }
0x72: {  	_ =	shalt  }
0x73: {  	_ =	shalt  }
0x74: {  	_ =	shalt  }
0x75: {  	_ =	shalt  }
0x76: {  	_ =	shalt  }
0x77: {  	_ =	shalt  }
0x78: {  	_ =	shalt  }
0x79: {  	_ =	shalt  }
0x7a: {  	_ =	shalt  }
0x7b: {  	_ =	shalt  }
0x7c: {  	_ =	shalt  }
0x7d: {  	_ =	shalt  }
0x7e: {  	_ =	shalt  }
0x7f: {  	_ =	shalt  }
0x80: {  	_ =	shalt  }
0x81: {  	_ =	shalt  }
0x82: {  	_ =	shalt  }
0x83: {  	_ =	shalt  }
0x84: {  	_ =	shalt  }
0x85: {  	_ =	shalt  }
0x86: {  	_ =	shalt  }
0x87: {  	_ =	shalt  }
.Lfunc_end0:
.L_simem_size_0:
called_computation.6_lowered:
.L_overlay_start_0:
0x88: {  	s2 =	sld [smem:$0x3FD9]  }
0x89: {  	s3 =	sld [smem:$0x3FFE];
	_ =	sdelay $0x1  }
0x8a: {  	s1 =	srdreg.scid  }
0x8b: {  	s0 =	sand.u32 $0x1, s1  }
0x8c: {  	s17 =	sshll.u32 s0, $0xA;
	s2 =	sadd.s32 s3, s2  }
0x8d: {  	s2 =	sadd.s32 s2, s17  }
0x8e: {  	[smem:$0x3FB8] =	sst s2  }
0x8f: {  	_ = 	snop  }
0x90: {  	s2 =	sld [smem:$0x3FC5];
	(tm) =	ssettm $0x1  }
0x91: {  	s18 =	sld [smem:$0x3FFB];
	_ =	sdelay $0x3  }
0x92: {  	_ =	strace s18  }
0x93: {  	s3 =	sld [smem:$0x3FFC];
	_ =	sdelay $0x3  }
0x94: {  	_ =	strace s3  }
0x95: {  	s3 =	sld [smem:$0x3FFD];
	_ =	sdelay $0x3  }
0x96: {  	_ =	strace s3  }
0x97: {  	_ =	strace $0x8FFFFFFF  }
0x98: {  	s19 =	sld [smem:$0x3FDB];
	_ =	sdelay $0x1  }
0x99: {  	s4 =	simm.s32 $_scs_section_size  }
0x9a: {  	s5 =	simm.s32 $_size__tile_overlayer_lowered;
	s6 =	simm.s32 $_tile_overlayer_lowered  }
0x9b: {  	s22 =	simm.s32 $0x1BFF;
	s21 =	sshll.u32 s6, $0x1;
	s3 =	sadd.s32 s4, s19  }
0x9c: {  	s7 =	simm.s32 $0x0;
	s20 =	sshll.u32 s5, $0x1;
	s5 =	sadd.s32 s21, s3  }
0x9d: {  	[timem:s7], [sflag:s22] =	dma.local [hbm:s5], s20  }
0x9e: {  	_ =	swait.ge [sflag:s22], s20  }
0x9f: {  	s4 =	ssub.s32 $0x0, s20;
	[sflag:s22] =	ssyncset.done $0x0  }
0xa0: {  	[sflag:s22] =	ssyncadd.s32 s4;
	_ =	sdelay $0x1  }
0xa1: {  	s23 =	simm.s32 $0x1B8B  }
0xa2: {  	_ =	swait.ge [sflag:s23], $0x1  }
0xa3: {  	[sflag:s23] =	ssyncset.done $0x0  }
0xa4: {  	s25 =	simm.s32 $0x1B8E;
	s24 =	sld [smem:$0x3FFE];
	[sflag:s23] =	ssyncadd.s32 $0xFFFFFFFF  }
0xa5: {  	s26 =	simm.s32 $execute0_lowered;
	[smem:$0x3FD2] =	sst s25  }
0xa6: {  	s5 =	sshll.u32 s26, $0x1;
	_ =	strace $0x80000055;
	[dreg:$0x1] =	wrdreg $0xFFFFFFFF  }
0xa7: {  	s28 =	simm.s32 $_size_execute0_lowered;
	s3 =	sadd.s32 s3, s5;
	[dreg:$0x0] =	wrdreg $0x0  }
0xa8: {  	s5 =	sshll.u32 s28, $0x1;
	[dreg:$0x2] =	wrdreg s3  }
0xa9: {  	[dreg:$0x3] =	wrdreg s5  }
0xaa: {  	[dreg:$0x4] =	wrdreg $0xC0  }
0xab: {  	_ =	task [dreg:s7], $0x5FFFF  }
0xac: {  	[dreg:$0x1] =	wrdreg $0xFFFFFFFF  }
0xad: {  	[dreg:$0x0] =	wrdreg $0x60  }
0xae: {  	[dreg:$0x2] =	wrdreg s24  }
0xaf: {  	[dreg:$0x3] =	wrdreg s2  }
0xb0: {  	[dreg:$0x4] =	wrdreg $0x67200  }
0xb1: {  	[dreg:$0x5] =	wrdreg $0x9  }
0xb2: {  	_ =	task.clear_ibuf [dreg:s7], $0x6FFFF;
	_ =	strace $0x90000055  }
0xb3: {  	s29 =	simm.s32 $0x9;
	_ =	strace $0x80000057  }
0xb4: {  	_ =	swait.ge [sflag:s29], $0x1  }
0xb5: {  	[sflag:s29] =	ssyncadd.s32 $0xFFFFFFFF  }
0xb6: {  	_ =	strace $0x90000057  }
0xb7: {  	_ =	sfence  }
0xb8: {  	s30 =	sld [smem:$0x0];
	_ =	sdelay $0x2  }
0xb9: {  	s31 =	sshll.u32 s1, $0xD;
	s1 =	sshrl.u32 s1, $0x2  }
0xba: {  	s3 =	sand.u32 $0x4000, s31;
	s1 =	sadd.s32 s1, s30  }
0xbb: {  	s0 =	sor.u32 s3, s0;
	s1 =	sshll.u32 s1, $0x11  }
0xbc: {  	s0 =	sor.u32 s1, s0  }
0xbd: {  	s0 =	sadd.s32 $0x8F2B, s0  }
0xbe: {  	[sflag:s0] =	ssyncadd.remote.s32 $0x1  }
0xbf: {  	_ =	sfence.sel $0xFFFF  }
0xc0: {  	[dreg:$0x0] =	wrdreg $0xFFFFFFFF;
	(pc) =	sbr.abs _section_cstart, $3  }
0xc1: {  	[dreg:$0x1] =	wrdreg $0xFFFFFFFF  }
0xc2: {  	_ =	task.clear_ibuf [dreg:s7], $0x2FFFF;
	_ =	strace $0x9FFFFFFF  }
0xc3: {  	(tm) =	ssettm $0x7FFFFFFF  }
tec
execute0_lowered:
.L_overlay_start_1:
0x0: {  	(tag) =	ssettag $0x1  }
0x1: {  	s4 =	rddreg [dreg:$0x0]  }
0x2: {  	s10 =	rddreg [dreg:$0x1]  }
0x3: {  	s0 =	srdreg.scid;
	s1 =	stileid.u32  }
0x4: {  	s2 =	rddreg [dreg:$0x2];
	s3 =	simm.s32 $0x0;
	s6 =	smul.u32 $0x19000, s1  }
0x5: {  	s5 =	sand.u32 $0x1, s0;
	s0 =	rddreg [dreg:$0x3];
	s9 =	smul.u32 $0x7D00, s1  }
0x6: {  	[smem:$0x7FF] =	sst s3;
	s13 =	sadd.s32 $0xCEE00, s4;
	s31 =	smul.u32 $0x64, s1  }
0x7: {  	p0 =	sne.s32 s1, $0x0;
	p1 =	sgt.u32 s1, $0x1;
	s8 =	smul.u32 $0x30D40, s5  }
0x8: {  	s7 =	sshll.u32 s5, $0x5;
	s21 =	smul.u32 $0x186A00, s5;
	s5 =	ssub.s32 $0x2, s5  }
0x9: {  	_ =	strace $0x80000056;
	s6 =	sor.u32 s7, s6;
	s23 =	sshrl.u32 s5, $0x1  }
0xa: {  	s25 =	sadd.s32 $0x7D000, s9;
	s15 =	sadd.s32 s9, s2;
	s28 =	sadd.s32 $0xFA000, s9  }
0xb: {  	s10 =	sadd.s32 s31, s10;
	s6 =	sshrl.u32 s6, $0x3;
	s22 =	sadd.s32 s8, s4  }
0xc: {  	s12 =	sadd.s32 s9, s21;
	s14 =	ssub.s32 s5, s23;
	s26 =	sadd.s32 s21, s25  }
0xd: {  	s16 =	sadd.s32 s21, s28;
	s9 =	sadd.s32 $0x177000, s9;
	s18 =	sadd.s32 s25, s2  }
0xe: {  	s30 =	sadd.s32 s28, s2;
	s11 =	sadd.s32 s6, s4;
	s24 =	sshrl.u32 s12, $0x3  }
0xf: {  	s4 =	sadd.s32 $0x6D200, s22;
	s6 =	sshrl.u32 s26, $0x3;
	s16 =	sshrl.u32 s16, $0x3  }
0x10: {  	s17 =	sadd.s32 s21, s9;
	s12 =	sshrl.u32 @!p0 s2, $0x3;
	s5 =	sadd.s32 s13, s24  }
0x11: {  	s6 =	sadd.s32 s13, s6;
	s7 =	sadd.s32 s13, s16;
	s29 =	sshrl.u32 s17, $0x3  }
0x12: {  	s17 =	sadd.s32 s9, s2;
	s9 =	smax.u32 s14, $0x1;
	s11 =	sadd.s32 $0x20D7600, s11  }
0x13: {  	s14 =	simm.s32 $0x1;
	s16 =	sshrl.u32 s30, $0x3;
	s8 =	sadd.s32 s13, s29  }
0x14: {  	s13 =	sshrl.u32 s15, $0x3;
	s15 =	sshrl.u32 s18, $0x3;
	s17 =	sshrl.u32 @!p1 s17, $0x3  }
.LBB2_1:
0x15: {  	s18 =	simm.s32 @!p0 $0x1C01  }
0x16: {  	[spmem:s12], [sflag:s18] =	dma.local @!p0 [hbm:s4], $0x30D40  }
0x17: {  	s18 =	simm.s32 @!p0 $0x1  }
0x18: {  	_ =	swait.ge @!p0 [sflag:s18], $0x30D40  }
0x19: {  	s19 =	sadd.s32 $0x0, s1;
	[sflag:s18] =	ssyncset.done @!p0 $0x0  }
0x1a: {  	p2 =	sgt.u32 s19, $0x3E7;
	[sflag:s18] =	ssyncadd.s32 @!p0 $0xFFFCF2C0  }
0x1b: {  	s20 =	simm.s32 @!p2 $0x2;
	s18 =	simm.s32 @!p2 $0x0;
	[bflag:$0x0] =	sbarrier.arrive $0xFFFF  }
0x1c: {  	[tilespmem:s18], [sflag:$0x2] =	stream.linear.gather @!p2 [hbm4b:s10+s18], $0x320, $0x38;
	[tilespmem:$0x1EDC0] =	vst v63  }
0x1d: {  	_ =	swait.ge @!p2 [sflag:s20], $0x320  }
0x1e: {  	s22 =	simm.s32 @!p2 $0x320;
	[sflag:s20] =	ssyncset.done @!p2 $0x0  }
0x1f: {  	s19 =	simm.s32 @!p2 $0x20;
	s21 =	simm.s32 @!p2 $0x80;
	[sflag:s20] =	ssyncadd.s32 @!p2 $0xFFFFFCE0  }
0x20: {  	[tilespmem:s22], [sflag:$0x2] =	stream.strided.gather @!p2 [hbm4b:s11+s19], $0x6400, s21, s19, $0x38;
	[tilespmem:$0x1EDC0] =	vst v63  }
0x21: {  	p3 =	por p2, p2;
	_ =	swait.ge @!p2 [sflag:s20], $0x6400  }
0x22: {  	[sflag:s20] =	ssyncset.done @!p3 $0x0  }
0x23: {  	s31 =	sadd.s32 $0x10, s1;
	s21 =	simm.s32 @!p3 $0x1;
	[sflag:s20] =	ssyncadd.s32 @!p3 $0xFFFF9C00  }
0x24: {  	[spmem:s2] =	stream.indirect.scatter.add.f32 @!p3 [tilespmem:s22], [sflag:$0x1], $0x20, s18, s22, $0xb8;
	[tilespmem:$0x1EDC0] =	vst v63  }
0x25: {  	s19 =	simm.s32 $0x20;
	p2 =	sgt.u32 s31, $0x3E7;
	_ =	swait.ge @!p3 [sflag:s21], $0x6400  }
0x26: {  	s20 =	sadd.s32 $0x640, s10;
	s18 =	sadd.s32 $0x32000, s11;
	[sflag:s21] =	ssyncset.done @!p3 $0x0  }
.LBB2_2:
0x27: {  	s22 =	simm.s32 @!p2 $0x0;
	s23 =	simm.s32 @!p2 $0x2;
	[sflag:s21] =	ssyncadd.s32 @!p3 $0xFFFF9C00  }
0x28: {  	[tilespmem:s22], [sflag:$0x2] =	stream.linear.gather @!p2 [hbm4b:s20+s22], $0x320, $0x38;
	[tilespmem:$0x1EDC0] =	vst v63  }
0x29: {  	s24 =	smov.u32 s19;
	s19 =	sadd.s32 $0x10, s19;
	_ =	swait.ge @!p2 [sflag:s23], $0x320  }
0x2a: {  	s25 =	simm.s32 @!p2 $0x320;
	p4 =	sne.s32 s19, $0x3F0;
	[sflag:s23] =	ssyncset.done @!p2 $0x0  }
0x2b: {  	s21 =	simm.s32 @!p2 $0x20;
	s26 =	simm.s32 @!p2 $0x80;
	[sflag:s23] =	ssyncadd.s32 @!p2 $0xFFFFFCE0  }
0x2c: {  	[tilespmem:s25], [sflag:$0x2] =	stream.strided.gather @!p2 [hbm4b:s18+s21], $0x6400, s26, s21, $0x38;
	[tilespmem:$0x1EDC0] =	vst v63  }
0x2d: {  	p3 =	por p2, p2;
	_ =	swait.ge @!p2 [sflag:s23], $0x6400  }
.Ltmp0:
0x2e: {  	[sflag:s23] =	ssyncset.done @!p3 $0x0;
	(pc) =	sbr.rel @p4 .LBB2_2-.Ltmp0, $4  }
0x2f: {  	s21 =	simm.s32 @!p3 $0x1;
	[sflag:s23] =	ssyncadd.s32 @!p3 $0xFFFF9C00  }
0x30: {  	[spmem:s2] =	stream.indirect.scatter.add.f32 @!p3 [tilespmem:s25], [sflag:$0x1], $0x20, s22, s25, $0xb8;
	[tilespmem:$0x1EDC0] =	vst v63  }
0x31: {  	s18 =	sadd.s32 $0x32000, s18;
	s22 =	sadd.s32 s24, s1;
	_ =	swait.ge @!p3 [sflag:s21], $0x6400  }
0x32: {  	s20 =	sadd.s32 $0x640, s20;
	p2 =	sgt.u32 s22, $0x3E7;
	[sflag:s21] =	ssyncset.done @!p3 $0x0  }
0x33: {  	s19 =	simm.s32 @!p2 $0x0;
	s22 =	simm.s32 @!p2 $0x2;
	[sflag:s21] =	ssyncadd.s32 @!p3 $0xFFFF9C00  }
0x34: {  	[tilespmem:s19], [sflag:$0x2] =	stream.linear.gather @!p2 [hbm4b:s20+s19], $0x320, $0x38;
	[tilespmem:$0x1EDC0] =	vst v63  }
0x35: {  	_ =	swait.ge @!p2 [sflag:s22], $0x320  }
0x36: {  	s21 =	simm.s32 @!p2 $0x20;
	[sflag:s22] =	ssyncset.done @!p2 $0x0  }
0x37: {  	s23 =	simm.s32 @!p2 $0x80;
	s20 =	simm.s32 @!p2 $0x320;
	[sflag:s22] =	ssyncadd.s32 @!p2 $0xFFFFFCE0  }
0x38: {  	[tilespmem:s20], [sflag:$0x2] =	stream.strided.gather @!p2 [hbm4b:s18+s21], $0x6400, s23, s21, $0x38;
	[tilespmem:$0x1EDC0] =	vst v63  }
0x39: {  	_ =	swait.ge @!p2 [sflag:s22], $0x6400;
	p2 =	por p2, p2  }
0x3a: {  	[sflag:s22] =	ssyncset.done @!p2 $0x0  }
0x3b: {  	s18 =	simm.s32 @!p2 $0x1;
	[sflag:s22] =	ssyncadd.s32 @!p2 $0xFFFF9C00  }
0x3c: {  	[spmem:s2] =	stream.indirect.scatter.add.f32 @!p2 [tilespmem:s20], [sflag:$0x1], $0x20, s19, s20, $0xb8;
	[tilespmem:$0x1EDC0] =	vst v63  }
0x3d: {  	_ =	swait.ge @!p2 [sflag:s18], $0x6400  }
0x3e: {  	[sflag:s18] =	ssyncset.done @!p2 $0x0  }
0x3f: {  	s31 =	sshll.u32 s1, $0x6;
	[sflag:s18] =	ssyncadd.s32 @!p2 $0xFFFF9C00  }
0x40: {  	s18 =	sor.u32 $0x1C01, s31;
	[bflag:$0x0] =	sbarrier.arrive $0xFFFF  }
0x41: {  	[hbm:s5], [sflag:s18] =	dma.local [spmem:s13], $0xFA0  }
0x42: {  	_ =	swait.ge [sflag:s14], $0xFA0  }
0x43: {  	[sflag:s14] =	ssyncset.done $0x0  }
0x44: {  	[sflag:s14] =	ssyncadd.s32 $0xFFFFF060  }
0x45: {  	[hbm:s6], [sflag:s18] =	dma.local [spmem:s15], $0xFA0  }
0x46: {  	_ =	swait.ge [sflag:s14], $0xFA0  }
0x47: {  	[sflag:s14] =	ssyncset.done $0x0  }
0x48: {  	[sflag:s14] =	ssyncadd.s32 $0xFFFFF060  }
0x49: {  	[hbm:s7], [sflag:s18] =	dma.local [spmem:s16], $0xFA0  }
0x4a: {  	_ =	swait.ge [sflag:s14], $0xFA0  }
0x4b: {  	s3 =	sadd.s32 $0x1, s3;
	[sflag:s14] =	ssyncset.done $0x0  }
0x4c: {  	p2 =	sne.s32 s3, s9;
	[sflag:s14] =	ssyncadd.s32 $0xFFFFF060  }
0x4d: {  	[hbm:s8], [sflag:s18] =	dma.local @!p1 [spmem:s17], $0xFA0  }
.Ltmp1:
0x4e: {  	_ = 	snop;
	(pc) =	sbr.rel @p2 .LBB2_1-.Ltmp1, $4  }
0x4f: {  	s18 =	simm.s32 @!p1 $0x1  }
0x50: {  	_ =	swait.ge @!p1 [sflag:s18], $0xFA0  }
0x51: {  	[sflag:s18] =	ssyncset.done @!p1 $0x0  }
0x52: {  	[sflag:s18] =	ssyncadd.s32 @!p1 $0xFFFFF060  }
0x53: {  	_ =	sfence.sel $0x180000  }
0x54: {  	[bflag:$0x0] =	sbarrier.arrive $0xFFFF  }
0x55: {  	_ =	strace $0x90000056  }
0x56: {  	s0 =	sadd.s32 @!p0 $0x100000, s0;
	[bflag:$0x2] =	sbarrier.arrive $0xFFFF  }
0x57: {  	[sflag:s0] =	ssyncadd.tile.s32 @!p0 $0x1;
	_ =	shalt  }
.Lfunc_end2:
_tile_overlayer_lowered:
.L_overlay_start_2:
0x58: {  	(tag) =	ssettag $0x2  }
0x59: {  	s0 =	rddreg [dreg:$0x0];
	s2 =	stileid.u32  }
0x5a: {  	s1 =	rddreg [dreg:$0x1];
	p0 =	sne.s32 s2, $0x0  }
0x5b: {  	s3 =	rddreg [dreg:$0x2];
	[bflag:$0x3] =	sbarrier.arrive $0xFFFF;
	s2 =	simm.s32 @!p0 $0x1C01  }
0x5c: {  	[timem:s3], [sflag:s2] =	dma.local @!p0 [hbm:s0], s1  }
0x5d: {  	s0 =	simm.s32 @!p0 $0x1  }
0x5e: {  	_ =	swait.ge @!p0 [sflag:s0], s1  }
0x5f: {  	s1 =	ssub.s32 @!p0 $0x0, s1;
	[sflag:s0] =	ssyncset.done @!p0 $0x0  }
0x60: {  	[sflag:s0] =	ssyncadd.s32 @!p0 s1  }
0x61: {  	[bflag:$0x3] =	sbarrier.arrive $0xFFFF  }
0x62: {  	_ =	shalt  }

// kernel: scatter_offload_async_start
scs
__scs_entry_jumppad:
0x0: {  	(pc) =	sbr.rel $0x88, $3  }
0x1: {  	(tag) =	ssettag $0x0;
	lr =	simm.s32 $0x1  }
0x2: {  	[smem:$0x3F91] =	sst lr;
	_ =	strace $0xD0000000  }
0x3: {  	_ = 	snop  }
0x4: {  	_ = 	snop  }
0x5: {  	_ = 	snop  }
0x6: {  	_ = 	snop  }
0x7: {  	_ = 	snop  }
__scs_overlays_trampoline_lowered:
0x8: {  	[smem:$0x3FA0] =	sst s0  }
0x9: {  	[smem:$0x3FA1] =	sst s1  }
0xa: {  	[smem:$0x3FA2] =	sst s2  }
0xb: {  	[smem:$0x3FA3] =	sst s3  }
0xc: {  	[smem:$0x3FA4] =	sst s4  }
0xd: {  	[smem:$0x3FA5] =	sst s5  }
0xe: {  	[smem:$0x3FA6] =	sst s6  }
0xf: {  	[smem:$0x3FA7] =	sst s7  }
0x10: {  	[smem:$0x3FA8] =	sst s8  }
0x11: {  	[smem:$0x3FA9] =	sst s9;
	s0 =	simm.s32 @!p0 $0x0  }
0x12: {  	s1 =	sld [smem:$0x3F8F];
	s0 =	simm.s32 @p0 $0x1  }
0x13: {  	[smem:$0x3FAA] =	sst s0;
	s0 =	simm.s32 @!p1 $0x0  }
0x14: {  	s2 =	sld [smem:$0x3F8E];
	s0 =	simm.s32 @p1 $0x1  }
0x15: {  	[smem:$0x3FAB] =	sst s0;
	s0 =	simm.s32 @!p2 $0x0  }
0x16: {  	s3 =	sld [smem:$0x3FDB];
	s0 =	simm.s32 @p2 $0x1  }
0x17: {  	s4 =	simm.s32 $0x1BF5;
	[smem:$0x3FAD] =	sst s0  }
0x18: {  	s0 =	sld [smem:$0x3F90];
	_ =	swait.ge [sflag:s4], $0x0  }
0x19: {  	s7 =	sld [smem:$0x3F91]  }
0x1a: {  	s8 =	sadd.s32 $0xFFFFE003, lr  }
0x1b: {  	s9 =	sadd.s32 $0xFFFFFEF7, lr;
	s5 =	simm.s32 $0xFFFFFFFF;
	p2 =	slt.u32 s8, $0xFFFFF086  }
0x1c: {  	p1 =	slt.u32 s9, $0xF7A;
	s5 =	simm.s32 @!p2 $0x0  }
0x1d: {  	s5 =	simm.s32 @p1 $0x1;
	p0 =	seq.s32 s7, s2  }
0x1e: {  	s7 =	smul.u32 @!p0 $0xF7A, s2;
	p2 =	seq.s32 @!p0 s5, $0x0  }
0x1f: {  	s9 =	smul.u32 $0xF7A, s1;
	s8 =	simm.s32 @!p0 $0x1BF5;
	p2 =	por !p2, p0  }
0x20: {  	[sflag:s8] =	ssyncset.s32 @!p0 $0xFFFFF086;
	s6 =	sadd.s32 @!p0 s3, s7;
	s7 =	simm.s32 @!p0 $0x108  }
0x21: {  	s3 =	sadd.s32 s3, s9;
	s6 =	sadd.s32 @!p0 $0x88, s6;
	s7 =	simm.s32 @p2 $0x1082  }
0x22: {  	[simem:s7], [sflag:s8] =	dma.local @!p0 [hbm:s6], $0xF7A  }
0x23: {  	s9 =	sor.u32 $0xD0000000, s2;
	s6 =	simm.s32 $0x108;
	_ =	swait.ge @!p0 [sflag:s8], $0x0  }
0x24: {  	s3 =	sadd.s32 $0x88, s3;
	s6 =	simm.s32 @!p1 $0x1082;
	[sflag:s4] =	ssyncset.s32 $0xFFFFF086  }
0x25: {  	[simem:s6], [sflag:s4] =	dma.local [hbm:s3], $0xF7A  }
0x26: {  	[smem:$0x3F91] =	sst s1;
	(tag) =	ssettag s2;
	_ =	strace s9  }
0x27: {  	s1 =	sld [smem:$0x3FA1]  }
0x28: {  	s2 =	sld [smem:$0x3FA2]  }
0x29: {  	s4 =	sld [smem:$0x3FA4]  }
0x2a: {  	p0 =	seq.s32 s5, $0x0;
	s5 =	sld [smem:$0x3FA5]  }
0x2b: {  	s6 =	sld [smem:$0x3FA6]  }
0x2c: {  	s7 =	sld [smem:$0x3FA7]  }
0x2d: {  	s3 =	simm.s32 $0x108;
	s8 =	sld [smem:$0x3FA8]  }
0x2e: {  	s3 =	simm.s32 @!p0 $0x1082;
	s9 =	sld [smem:$0x3FA9]  }
0x2f: {  	lr =	sadd.s32 s0, s3;
	s0 =	sld [smem:$0x3FA0]  }
0x30: {  	s3 =	sld [smem:$0x3FA3]  }
0x31: {  	[smem:$0x3FAC] =	sst s10  }
0x32: {  	s10 =	sld [smem:$0x3FAA];
	_ =	sdelay $0x3  }
0x33: {  	p0 =	seq.s32 s10, $0x1;
	s10 =	sld [smem:$0x3FAC];
	_ =	sdelay $0x3  }
0x34: {  	[smem:$0x3FAC] =	sst s10  }
0x35: {  	s10 =	sld [smem:$0x3FAB];
	_ =	sdelay $0x3  }
0x36: {  	p1 =	seq.s32 s10, $0x1;
	s10 =	sld [smem:$0x3FAC];
	_ =	sdelay $0x3  }
0x37: {  	[smem:$0x3FAC] =	sst s10  }
0x38: {  	s10 =	sld [smem:$0x3FAD]  }
0x39: {  	_ = 	snop;
	(pc) =	sbr.ind lr, $3  }
0x3a: {  	_ = 	snop  }
0x3b: {  	_ = 	snop  }
0x3c: {  	p2 =	seq.s32 s10, $0x1;
	s10 =	sld [smem:$0x3FAC]  }
0x3d: {  	_ =	shalt  }
0x3e: {  	_ =	shalt  }
0x3f: {  	_ =	shalt  }
0x40: {  	_ =	shalt  }
0x41: {  	_ =	shalt  }
0x42: {  	_ =	shalt  }
0x43: {  	_ =	shalt  }
0x44: {  	_ =	shalt  }
0x45: {  	_ =	shalt  }
0x46: {  	_ =	shalt  }
0x47: {  	_ =	shalt  }
0x48: {  	_ =	shalt  }
0x49: {  	_ =	shalt  }
0x4a: {  	_ =	shalt  }
0x4b: {  	_ =	shalt  }
0x4c: {  	_ =	shalt  }
0x4d: {  	_ =	shalt  }
0x4e: {  	_ =	shalt  }
0x4f: {  	_ =	shalt  }
0x50: {  	_ =	shalt  }
0x51: {  	_ =	shalt  }
0x52: {  	_ =	shalt  }
0x53: {  	_ =	shalt  }
0x54: {  	_ =	shalt  }
0x55: {  	_ =	shalt  }
0x56: {  	_ =	shalt  }
0x57: {  	_ =	shalt  }
0x58: {  	_ =	shalt  }
0x59: {  	_ =	shalt  }
0x5a: {  	_ =	shalt  }
0x5b: {  	_ =	shalt  }
0x5c: {  	_ =	shalt  }
0x5d: {  	_ =	shalt  }
0x5e: {  	_ =	shalt  }
0x5f: {  	_ =	shalt  }
0x60: {  	_ =	shalt  }
0x61: {  	_ =	shalt  }
0x62: {  	_ =	shalt  }
0x63: {  	_ =	shalt  }
0x64: {  	_ =	shalt  }
0x65: {  	_ =	shalt  }
0x66: {  	_ =	shalt  }
0x67: {  	_ =	shalt  }
0x68: {  	_ =	shalt  }
0x69: {  	_ =	shalt  }
0x6a: {  	_ =	shalt  }
0x6b: {  	_ =	shalt  }
0x6c: {  	_ =	shalt  }
0x6d: {  	_ =	shalt  }
0x6e: {  	_ =	shalt  }
0x6f: {  	_ =	shalt  }
0x70: {  	_ =	shalt  }
0x71: {  	_ =	shalt  }
0x72: {  	_ =	shalt  }
0x73: {  	_ =	shalt  }
0x74: {  	_ =	shalt  }
0x75: {  	_ =	shalt  }
0x76: {  	_ =	shalt  }
0x77: {  	_ =	shalt  }
0x78: {  	_ =	shalt  }
0x79: {  	_ =	shalt  }
0x7a: {  	_ =	shalt  }
0x7b: {  	_ =	shalt  }
0x7c: {  	_ =	shalt  }
0x7d: {  	_ =	shalt  }
0x7e: {  	_ =	shalt  }
0x7f: {  	_ =	shalt  }
0x80: {  	_ =	shalt  }
0x81: {  	_ =	shalt  }
0x82: {  	_ =	shalt  }
0x83: {  	_ =	shalt  }
0x84: {  	_ =	shalt  }
0x85: {  	_ =	shalt  }
0x86: {  	_ =	shalt  }
0x87: {  	_ =	shalt  }
.Lfunc_end0:
.L_simem_size_0:
called_computation_lowered:
.L_overlay_start_0:
0x88: {  	s0 =	sld [smem:$0x3FD9]  }
0x89: {  	s1 =	sld [smem:$0x3FFE];
	_ =	sdelay $0x3  }
0x8a: {  	s0 =	sadd.s32 s1, s0  }
0x8b: {  	[smem:$0x3FB8] =	sst s0  }
0x8c: {  	_ = 	snop  }
0x8d: {  	s0 =	sld [smem:$0x3FC7];
	(tm) =	ssettm $0x1  }
0x8e: {  	s16 =	sld [smem:$0x3FFB];
	_ =	sdelay $0x3  }
0x8f: {  	_ =	strace s16  }
0x90: {  	s1 =	sld [smem:$0x3FFC];
	_ =	sdelay $0x3  }
0x91: {  	_ =	strace s1  }
0x92: {  	s1 =	sld [smem:$0x3FFD];
	_ =	sdelay $0x3  }
0x93: {  	_ =	strace s1  }
0x94: {  	_ =	strace $0x8FFFFFFF  }
0x95: {  	s17 =	sld [smem:$0x3FDB];
	_ =	sdelay $0x1  }
0x96: {  	s2 =	simm.s32 $_scs_section_size  }
0x97: {  	s3 =	simm.s32 $_size__tile_overlayer_lowered;
	s4 =	simm.s32 $_tile_overlayer_lowered  }
0x98: {  	s20 =	simm.s32 $0x1BFF;
	s19 =	sshll.u32 s4, $0x1;
	s1 =	sadd.s32 s2, s17  }
0x99: {  	s5 =	simm.s32 $0x0;
	s18 =	sshll.u32 s3, $0x1;
	s3 =	sadd.s32 s19, s1  }
0x9a: {  	[timem:s5], [sflag:s20] =	dma.local [hbm:s3], s18  }
0x9b: {  	_ =	swait.ge [sflag:s20], s18  }
0x9c: {  	s2 =	ssub.s32 $0x0, s18;
	[sflag:s20] =	ssyncset.done $0x0  }
0x9d: {  	[sflag:s20] =	ssyncadd.s32 s2;
	_ =	sdelay $0x1  }
0x9e: {  	s21 =	simm.s32 $0x1B8B  }
0x9f: {  	_ =	swait.ge [sflag:s21], $0x1  }
0xa0: {  	[sflag:s21] =	ssyncset.done $0x0  }
0xa1: {  	s23 =	simm.s32 $0x1B8E;
	s22 =	sld [smem:$0x3FFE];
	[sflag:s21] =	ssyncadd.s32 $0xFFFFFFFF  }
0xa2: {  	s24 =	simm.s32 $execute0_lowered;
	[smem:$0x3FD2] =	sst s23  }
0xa3: {  	s3 =	sshll.u32 s24, $0x1;
	_ =	strace $0x80000058;
	[dreg:$0x1] =	wrdreg $0xFFFFFFFF  }
0xa4: {  	s25 =	simm.s32 $_size_execute0_lowered;
	s1 =	sadd.s32 s1, s3;
	[dreg:$0x0] =	wrdreg $0x0  }
0xa5: {  	s3 =	sshll.u32 s25, $0x1;
	[dreg:$0x2] =	wrdreg s1  }
0xa6: {  	[dreg:$0x3] =	wrdreg s3  }
0xa7: {  	[dreg:$0x4] =	wrdreg $0xC0  }
0xa8: {  	_ =	task [dreg:s5], $0x5FFFF  }
0xa9: {  	[dreg:$0x1] =	wrdreg $0xFFFFFFFF  }
0xaa: {  	[dreg:$0x0] =	wrdreg $0x60  }
0xab: {  	[dreg:$0x2] =	wrdreg s22  }
0xac: {  	[dreg:$0x3] =	wrdreg s0  }
0xad: {  	[dreg:$0x4] =	wrdreg $0x9  }
0xae: {  	_ =	task.clear_ibuf [dreg:s5], $0x5FFFF;
	_ =	strace $0x90000058  }
0xaf: {  	s26 =	simm.s32 $0x9;
	_ =	strace $0x8000005A  }
0xb0: {  	_ =	swait.ge [sflag:s26], $0x1  }
0xb1: {  	[sflag:s26] =	ssyncadd.s32 $0xFFFFFFFF  }
0xb2: {  	_ =	strace $0x9000005A  }
0xb3: {  	_ =	sfence  }
0xb4: {  	s28 =	sld [smem:$0x0];
	_ =	sdelay $0x1  }
0xb5: {  	s29 =	srdreg.scid  }
0xb6: {  	s30 =	sshll.u32 s29, $0xD;
	s31 =	sshrl.u32 s29, $0x2  }
0xb7: {  	s2 =	sand.u32 $0x4000, s30;
	s1 =	sand.u32 $0x1, s29;
	s0 =	sadd.s32 s31, s28  }
0xb8: {  	s1 =	sor.u32 s2, s1;
	s0 =	sshll.u32 s0, $0x11  }
0xb9: {  	s0 =	sor.u32 s0, s1  }
0xba: {  	s0 =	sadd.s32 $0x8F2B, s0  }
0xbb: {  	[sflag:s0] =	ssyncadd.remote.s32 $0x1  }
0xbc: {  	_ =	sfence.sel $0xFFFF  }
0xbd: {  	[dreg:$0x0] =	wrdreg $0xFFFFFFFF;
	(pc) =	sbr.abs _section_cstart, $3  }
0xbe: {  	[dreg:$0x1] =	wrdreg $0xFFFFFFFF  }
0xbf: {  	_ =	task.clear_ibuf [dreg:s5], $0x2FFFF;
	_ =	strace $0x9FFFFFFF  }
0xc0: {  	(tm) =	ssettm $0x7FFFFFFF  }
0xc1: {  	_ =	shalt  }
tec
execute0_lowered:
.L_overlay_start_1:
0x0: {  	(tag) =	ssettag $0x1  }
0x1: {  	s3 =	stileid.u32  }
0x2: {  	s1 =	smin.u32 s3, $0x9  }
0x3: {  	s0 =	rddreg [dreg:$0x0];
	s1 =	sadd.s32 s3, s1  }
0x4: {  	p0 =	slt.u32 s3, $0x9;
	s4 =	smul.u32 $0x7D0, s1;
	s1 =	simm.s32 $0xFA0  }
0x5: {  	_ =	strace $0x80000059;
	s2 =	simm.s32 $0x1;
	s1 =	simm.s32 @!p0 $0x7D0  }
0x6: {  	v1 =	vimm.s32 $0xFFFFFFFF;
	[sflag:s2] =	ssyncpa.u1 $0x0;
	s1 =	sadd.s32 s1, s4  }
0x7: {  	[tilespmem:$0x10] =	vst v1;
	s5 =	smin.u32 s1, $0xC350  }
0x8: {  	v0 =	vimm.f32 $0.0e+00;
	[tilespmem:$0x20] =	vst v1;
	s9 =	ssub.s32 s5, s4  }
0x9: {  	[tilespmem:$0x30] =	vst v0;
	p0 =	sgt.s32 s9, $0x0  }
0xa: {  	[tilespmem:$0x40] =	vst v0;
	s9 =	simm.s32 @!p0 $0x0  }
0xb: {  	s7 =	simm.s32 $0x2;
	[tilespmem:$0x50] =	vst v0;
	s30 =	sand.u32 $0xFFF0, s9  }
0xc: {  	s8 =	simm.s32 $0x8;
	s31 =	simm.s32 $0x9;
	[tilespmem:$0x60] =	vst v1;
	s1 =	sshrl.u32 s30, $0x4  }
0xd: {  	s16 =	simm.s32 $0x0;
	s17 =	simm.s32 $0xF0;
	[tilespmem:$0x70] =	vst v1;
	s1 =	smul.u32 $0x1063, s1  }
0xe: {  	s18 =	simm.s32 $0xFFFFFFFF;
	s19 =	simm.s32 $0xFFFFF160;
	s20 =	simm.s32 $0xFFFFFFFE;
	[tilespmem:$0x80] =	vst v1  }
0xf: {  	s21 =	simm.s32 $0xF;
	s25 =	simm.s32 $0x0;
	v1 =	vimm.s32 $0x0;
	[tilespmem:$0xB0] =	vst v0;
	s10 =	sshrl.u32 s1, $0x13  }
0x10: {  	s24 =	simm.s32 $0x0;
	s6 =	sadd.s32 $0x8C00, s0;
	[tilespmem:$0x90] =	vst v1;
	s11 =	smul.u32 $0x7D0, s10  }
0x11: {  	s14 =	sshllo.u32 s3, $0x1;
	[tilespmem:$0xA0] =	vst v1;
	[sflag:s7] =	ssyncpa.u1 $0x0;
	s7 =	simm.s32 $0x7  }
.Ltmp0:
0x12: {  	[sflag:s7] =	ssyncpa.u1 $0x0;
	p0 =	sne.s32 s9, s11;
	(pc) =	sbr.rel .LBB2_1-.Ltmp0, $4  }
0x13: {  	[sflag:s8] =	ssyncpa.u1 $0x0;
	s23 =	smov.u32 s4;
	s2 =	simm.s32 @!p0 $0x0  }
0x14: {  	[sflag:s31] =	ssyncpa.u1 $0x0;
	s1 =	sadd.s32 $0xA600, s0;
	s9 =	sadd.s32 s10, s2  }
0x15: {  	vm0 =	vmmov $0xffff;
	v2 =	vlaneseq.u32;
	p0 =	por $0x0, $0x0;
	s10 =	sshll.u32 s3, $0x1;
	s11 =	sadd.s32 $0x1, s9  }
0x16: {  	vm1 =	vmxor vm1, vm1;
	vm2 =	vmmov $0x1;
	vm3 =	vcmask $0x3F3C;
	s12 =	sadd.s32 $0x2, s9;
	s13 =	sor.u32 $0x81, s10;
	s15 =	sor.u32 $0x80, s10  }
.LBB2_9:
0x17: {  	p1 =	slt.u32 s24, $0x3  }
0x18: {  	s0 =	simm.s32 @!p1 $0x2  }
0x19: {  	_ =	swait.ge @!p1 [sflag:s0], $0x7D0  }
0x1a: {  	[sflag:s0] =	ssyncset.done @!p1 $0x0  }
0x1b: {  	[sflag:s0] =	ssyncadd.s32 @!p1 $0xFFFFF830;
	s0 =	simm.s32 @!p1 $0x9  }
0x1c: {  	_ =	swait.ge @!p1 [sflag:s0], $0x10  }
0x1d: {  	[sflag:s0] =	ssyncset.done @!p1 $0x0  }
0x1e: {  	[sflag:s0] =	ssyncadd.s32 @!p1 $0xFFFFFFF0;
	p1 =	sne.s32 s24, s12  }
.Ltmp1:
0x1f: {  	s2 =	sadd.s32 $0x7D0, s23;
	(pc) =	sbr.rel @!p1 .LBB2_10-.Ltmp1, $4  }
0x20: {  	s3 =	smov.u32 s4;
	s31 =	sadd.s32 $0x1, s24;
	s17 =	sadd.s32 $0x7D0, s17  }
0x21: {  	s18 =	sadd.s32 $0x1, s18;
	s25 =	smov.u32 s23;
	p2 =	slt.s32 s2, s5  }
0x22: {  	p0 =	por !p0, !p0;
	s19 =	sadd.s32 $0x7D0, s19;
	s3 =	smov.u32 @p2 s2  }
0x23: {  	s20 =	sadd.s32 $0x1, s20;
	s23 =	smov.u32 s3;
	s24 =	smov.u32 s31  }
.LBB2_1:
0x24: {  	p1 =	sge.u32 s24, s9  }
0x25: {  	s0 =	smulhi.u32 @!p1 $0xAAAAAAAB, s24;
	_ =	sdelay $0x1  }
0x26: {  	s0 =	sshrl.u32 @!p1 s0, $0x1  }
0x27: {  	s0 =	smul.u32 @!p1 $0x3, s0;
	_ =	sdelay $0x1  }
0x28: {  	s0 =	ssub.s32 @!p1 s24, s0  }
0x29: {  	s0 =	smul.u32 @!p1 $0x1F40, s0;
	_ =	sdelay $0x1  }
0x2a: {  	s3 =	rddreg [dreg:$0x1];
	s2 =	sshrl.u32 @!p1 s23, $0x3;
	s0 =	sshrl.u32 @!p1 s0, $0x2  }
0x2b: {  	s22 =	sand.u32 @!p1 $0x7, s23;
	s2 =	sadd.s32 @!p1 s3, s2;
	s0 =	sadd.s32 @!p1 $0x100, s0  }
0x2c: {  	[tilespmem:s0], [sflag:$0x7] =	stream.linear.gather @!p1 [hbm4b:s2+s22], $0x7D0, $0x38;
	[tilespmem:$0x4770] =	vst v63  }
0x2d: {  	s0 =	sadd.s32 $0xFFFFFFFF, s24  }
0x2e: {  	p1 =	sge.u32 s0, s9  }
.Ltmp2:
0x2f: {  	_ = 	snop;
	(pc) =	sbr.rel @p1 .LBB2_5-.Ltmp2, $1  }
0x30: {  	_ =	sdelay $0x3  }
0x31: {  	s2 =	smulhi.u32 $0xAAAAAAAB, s0;
	_ =	sdelay $0x1  }
0x32: {  	s2 =	sshrl.u32 s2, $0x1  }
0x33: {  	s2 =	smul.u32 $0x3, s2;
	_ =	sdelay $0x1  }
0x34: {  	s2 =	ssub.s32 s0, s2  }
0x35: {  	s2 =	smul.u32 $0x1F40, s2  }
0x36: {  	_ =	swait.ge [sflag:s7], $0x7D0  }
0x37: {  	[sflag:s7] =	ssyncset.done $0x0;
	s2 =	sshrl.u32 s2, $0x2  }
0x38: {  	[sflag:s7] =	ssyncadd.s32 $0xFFFFF830;
	(ifvalue) =	ssetifvalue $0xFFFFFFFF;
	v3 =	vld.msk [tilespmem:s2+$0x100 ss:$0x1], $0xffff;
	_ =	sdelay $0x2  }
0x39: {  	s30 =	smulhi.u32 $0xAAAAAAAB, s18;
	p1 =	sne.s32 s24, $0x1  }
0x3a: {  	v4 =	vimm.s32 @!p1 $0x0  }
0x3b: {  	s2 =	sshrl.u32 s30, $0x1;
	v4 =	vperm.xlane @!p1 v3, v4  }
0x3c: {  	s22 =	sshll.u32 s24, $0x4;
	s2 =	smul.u32 $0xFFFFA240, s2;
	vm4 =	vlt.u32 v3, $0xC00  }
0x3d: {  	s22 =	sand.u32 $0x10, s22;
	v3 =	vnsel vm4, $0xFFFFFFFE, v3;
	vm4 =	vlt.u32 @!p1 v4, $0xC00  }
0x3e: {  	s2 =	sshra.s32 s2, $0x2;
	[tilespmem:s22+$0x60] =	vst v3;
	v3 =	vnsel @!p1 vm4, $0xFFFFFFFE, v4  }
0x3f: {  	s28 =	sadd.s32 s2, s17;
	[tilespmem:$0x80] =	vst @!p1 v3  }
0x40: {  	v3 =	vld.msk [tilespmem:s28+$0x0 ss:$0x1], $0xffff;
	_ =	sdelay $0x4  }
0x41: {  	(xrf1) =	vunique.msk.u32 $0xffff, v3;
	_ =	sdelay $0xd  }
0x42: {  	v4 =	vimm.s32 $0xFFFFFFFF;
	v5, _, _ =	vpop (xrf1)  }
0x43: {  	vm5 =	vne.s32 v3, v4;
	vm4 =	veq.s32 v5, v2  }
0x44: {  	vm6 =	vlt.u32 v3, $0xC00;
	vm4 =	vmand vm5, vm4  }
0x45: {  	vm4 =	vmand vm6, vm4  }
0x46: {  	v4 =	vnsel vm4, $0xFFFFFFFF, v3  }
0x47: {  	s31 =	sand.u32 $0x1, s0  }
0x48: {  	s0 =	simm.s32 $0x7D0;
	p1 =	seq.s32 s31, $0x1  }
0x49: {  	s0 =	simm.s32 @!p1 $0x0  }
0x4a: {  	s26 =	sadd.s32 $0x2030, s0;
	(ifvalue) =	ssetifvalue $0xFFFFFFFF  }
0x4b: {  	v3 =	vperm.xlane v3, v1;
	[tilespmem:s26], [sflag:$0x8] =	stream.indirect_vreg.gather [hbm4b:s1+s16], $0x1, v4, vm0, $0x4038;
	v4 =	vnsel vm6, $0xFFFFFFFE, v4;
	[tilespmem:$0x4770] =	vst v63  }
0x4c: {  	s2 =	simm.s32 $0x0;
	s22 =	sadd.s32 $0xFFFFFFF0, s28;
	[tilespmem:s28+$0x0] =	vst v4  }
.LBB2_3:
0x4d: {  	v4 =	vld.msk [tilespmem:s22+$0x0 ss:$0x1], $0xffff;
	s2 =	sadd.s32 $0x10, s2;
	v5 =	vmov v3;
	s28 =	smov.u32 s22  }
0x4e: {  	p1 =	slt.u32 s2, $0x7C0;
	_ =	sdelay $0x4  }
0x4f: {  	v3 =	vperm.xlane v4, v1;
	(xrf1) =	vunique.msk.u32 $0xffff, v4;
	_ =	sdelay $0xd  }
0x50: {  	v6, _, _ =	vpop (xrf1)  }
0x51: {  	vm5 =	vne.s32 v4, v5;
	vm4 =	veq.s32 v6, v2  }
0x52: {  	vm6 =	vlt.u32 v4, $0xC00;
	vm4 =	vmand vm5, vm4  }
0x53: {  	vm4 =	vmand vm6, vm4  }
0x54: {  	v4 =	vnsel vm4, $0xFFFFFFFF, v4  }
.Ltmp3:
0x55: {  	v5 =	vnsel vm6, $0xFFFFFFFE, v4;
	(pc) =	sbr.rel @p1 .LBB2_3-.Ltmp3, $3  }
0x56: {  	_ =	sdelay $0x1  }
0x57: {  	s22 =	sadd.s32 $0xFFFFFFF0, s22;
	s26 =	sadd.s32 $0xFFFFFFF0, s26;
	(ifvalue) =	ssetifvalue $0xFFFFFFFF  }
0x58: {  	[tilespmem:s26], [sflag:$0x8] =	stream.indirect_vreg.gather [hbm4b:s1+s16], $0x1, v4, vm0, $0x4038;
	[tilespmem:s28+$0x0] =	vst v5  }
0x59: {  	s2 =	sshrl.u32 s25, $0x3  }
0x5a: {  	s0 =	sadd.s32 $0x2810, s0;
	s2 =	sadd.s32 s6, s2  }
0x5b: {  	[tilespmem:s0], [sflag:$0x8] =	stream.linear.gather [hbm:s2], $0x7D0, $0x38;
	[tilespmem:$0x4770] =	vst v63  }
.LBB2_5:
0x5c: {  	p1 =	slt.u32 s24, $0x2  }
0x5d: {  	p2 =	sge.u32 @!p1 s24, s12  }
0x5e: {  	p1 =	por p1, p2  }
.Ltmp4:
0x5f: {  	_ = 	snop;
	(pc) =	sbr.rel @p1 .LBB2_9-.Ltmp4, $1  }
0x60: {  	_ =	sdelay $0x3  }
0x61: {  	s0 =	sadd.s32 $0xFFFFFFFE, s24  }
0x62: {  	s2 =	smulhi.u32 $0xAAAAAAAB, s0;
	_ =	sdelay $0x1  }
0x63: {  	s2 =	sshrl.u32 s2, $0x1  }
0x64: {  	s2 =	smul.u32 $0x3, s2;
	_ =	sdelay $0x1  }
0x65: {  	s0 =	ssub.s32 s0, s2  }
0x66: {  	_ =	swait.ge [sflag:s8], $0xFA0;
	s0 =	smul.u32 $0x7D0, s0  }
0x67: {  	p1 =	sne.s32 s24, s11;
	[sflag:s8] =	ssyncset.done $0x0  }
0x68: {  	[sflag:s8] =	ssyncadd.s32 $0xFFFFF060;
	s2 =	sadd.s32 @!p1 $0x8CF, s0  }
0x69: {  	[spmem:s13] =	stream.linear.scatter @!p1 [tilespmem:s2], [sflag:$0x1], $0x1, $0x38;
	[tilespmem:$0x4770] =	vst v63  }
0x6a: {  	s2 =	simm.s32 @!p1 $0x1  }
0x6b: {  	_ =	swait.ge @!p1 [sflag:s2], $0x1  }
0x6c: {  	s22 =	sshll.u32 s24, $0x4;
	[sflag:s2] =	ssyncset.done @!p1 $0x0  }
0x6d: {  	s25 =	sand.u32 $0x10, s22;
	[sflag:s2] =	ssyncadd.s32 @!p1 $0xFFFFFFFF  }
0x6e: {  	s2 =	sxor.u32 $0x10, s25;
	v4 =	vld [tilespmem:s25+$0x10]  }
0x6f: {  	v5 =	vld [tilespmem:s2+$0x60]  }
0x70: {  	v3 =	vld [tilespmem:$0x80];
	_ =	sdelay $0x2  }
0x71: {  	(v2sf) =	vpush v4, $0x0  }
0x72: {  	(v2sf) =	vpush v5, $0x0  }
0x73: {  	(v2sf) =	vpush v3, $0x0;
	_ =	sdelay $0xc  }
0x74: {  	s3 =	spop (v2sf)  }
0x75: {  	s28 =	spop (v2sf)  }
0x76: {  	s26 =	spop (v2sf)  }
0x77: {  	p2 =	seq.s32 s3, s28;
	p3 =	seq.s32 s26, s3  }
0x78: {  	p3 =	por p2, p3  }
0x79: {  	s3 =	sand.u32 $0x1, s24;
	v4 =	vpsel p3, $0xFFFFFFFF, v4  }
0x7a: {  	s28 =	smul.u32 $0x7D0, s3;
	[tilespmem:s25+$0x10] =	vst.msk $0x1, v4  }
0x7b: {  	v4 =	vld [tilespmem:$0x30]  }
0x7c: {  	v5 =	vld [tilespmem:s28+$0x2810]  }
0x7d: {  	v6 =	vld [tilespmem:s25+$0x40];
	_ =	sdelay $0x3  }
0x7e: {  	vm4 =	vmmov vm1;
	v5 =	vadd.f32 v5, v4  }
0x7f: {  	vm5 =	vmmov vm2;
	vm4 =	vmmov @p2 vm2;
	v4 =	vadd.f32 v6, v4  }
0x80: {  	s22 =	sshll.u32 s3, $0x4;
	vm5 =	vmmov @p3 vm1;
	[tilespmem:s28+$0x2810] =	vst.msk vm4, v5  }
0x81: {  	[tilespmem:s22+$0x4750] =	vst.msk vm5, v4  }
0x82: {  	v4 =	vld [tilespmem:s28+$0x2030];
	_ =	sdelay $0x3  }
0x83: {  	v5 =	vimm.f32 $0.0e+00  }
0x84: {  	v4 =	vshift.insert v4, v5, s21  }
0x85: {  	s29 =	sor.u32 $0x40, s2  }
0x86: {  	[tilespmem:s29+$0x0] =	vst.msk $0x1, v4  }
0x87: {  	[tilespmem:s28+$0x203F] =	vst.msk $0x1, v5  }
0x88: {  	v4 =	vld [tilespmem:s0+$0x8C0];
	_ =	sdelay $0x1  }
0x89: {  	s29 =	smulhi.u32 $0xAAAAAAAB, s20;
	s0 =	simm.s32 $0x1  }
0x8a: {  	s0 =	simm.s32 @!p0 $0x0  }
0x8b: {  	s29 =	sshrl.u32 s29, $0x1;
	s0 =	smul.u32 $0x1F40, s0  }
0x8c: {  	s29 =	smul.u32 $0xFFFFA240, s29;
	v4 =	vshift.insert v4, v1, s21  }
0x8d: {  	s0 =	sshrl.u32 s0, $0x2  }
0x8e: {  	s29 =	sshra.s32 s29, $0x2;
	s30 =	sadd.s32 $0x2810, s0;
	[tilespmem:s2+$0x10] =	vst.msk $0x1, v4  }
0x8f: {  	s3 =	sadd.s32 s29, s19;
	v6 =	vld [tilespmem:s30+$0x0]  }
0x90: {  	v7 =	vld [tilespmem:s3+$0x0];
	_ =	sdelay $0x3  }
0x91: {  	v5 =	vadd.f32 v6, v5  }
0x92: {  	vm4 =	vne.s32 v7, $0xFFFFFFFF  }
0x93: {  	(xrf2) =	vadd.seg.scan.f32 vm4, v5;
	_ =	sdelay $0x3  }
0x94: {  	s31 =	sadd.s32 $0x1870, s0;
	v5 =	vperm.xlane v4, v1  }
0x95: {  	v6 =	vld [tilespmem:s31+$0x0]  }
0x96: {  	vm5 =	veq.s32 v7, v3;
	vm6 =	veq.s32 v7, v5  }
0x97: {  	vm7 =	vgt.u32 v7, $0xFFFFFFFD;
	vm6 =	vmor vm6, vm5  }
0x98: {  	vm6 =	vmor vm6, vm7  }
0x99: {  	v9 =	vld [tilespmem:$0xA0];
	v7 =	vsel vm6, $0xFFFFFFFF, v7  }
0x9a: {  	v10 =	vld [tilespmem:$0x90];
	v6 =	vsel vm5, $0x0, v6;
	v8, _, _ =	vpop (xrf2)  }
0x9b: {  	v6 =	vadd.f32 v8, v6  }
0x9c: {  	s0 =	sadd.s32 $0x37B0, s0  }
0x9d: {  	vm4 =	vmand vm4, vm3;
	[tilespmem:s0+$0x0] =	vst v6;
	(ifvalue) =	ssetifvalue $0xFFFFFFFF  }
0x9e: {  	vm6 =	veq.s32 v9, $0x1;
	[hbm4b:s1+s16] =	stream.indirect_vreg.scatter [tilespmem:s0], [sflag:$0x2], $0x1, v7, vm0, $0x4038;
	v7 =	vsel vm4, $0x0, v8;
	[tilespmem:$0x4770] =	vst v63  }
0x9f: {  	s29 =	sadd.s32 $0x4750, s22;
	s22 =	sadd.s32 $0x10, s3;
	s2 =	simm.s32 $0x0;
	vm4 =	vmor vm6, vm5;
	v6 =	vsel vm5, v8, v10;
	v7 =	vshift.insert v7, v0, s21  }
.LBB2_7:
0xa0: {  	v8 =	vld [tilespmem:s22+$0x0];
	s30 =	sadd.s32 $0x10, s30  }
0xa1: {  	s31 =	sadd.s32 $0x10, s31;
	v9 =	vld [tilespmem:s30+$0x0]  }
0xa2: {  	s2 =	sadd.s32 $0x10, s2;
	v10 =	vld [tilespmem:s31+$0x0]  }
0xa3: {  	p2 =	slt.u32 s2, $0x7C0;
	_ =	sdelay $0x2  }
0xa4: {  	v7 =	vadd.f32 v9, v7  }
0xa5: {  	vm5 =	vne.s32 v8, $0xFFFFFFFF  }
0xa6: {  	vm6 =	vmand vm5, vm3;
	(xrf2) =	vadd.seg.scan.f32 vm5, v7;
	_ =	sdelay $0x5  }
0xa7: {  	vm7 =	veq.s32 v8, v5;
	vm5 =	veq.s32 v8, v3  }
0xa8: {  	vm8 =	vgt.u32 v8, $0xFFFFFFFD;
	vm4 =	vmor vm4, vm5;
	vm7 =	vmor vm7, vm5  }
0xa9: {  	vm7 =	vmor vm7, vm8  }
0xaa: {  	v8 =	vsel vm7, $0xFFFFFFFF, v8  }
.Ltmp5:
0xab: {  	v7 =	vsel vm5, $0x0, v10;
	v9, _, _ =	vpop (xrf2);
	(pc) =	sbr.rel @p2 .LBB2_7-.Ltmp5, $4  }
0xac: {  	v6 =	vsel vm5, v9, v6;
	v10 =	vadd.f32 v9, v7;
	v7 =	vsel vm6, $0x0, v9  }
0xad: {  	s0 =	sadd.s32 $0x10, s0;
	v7 =	vshift.insert v7, v0, s21  }
0xae: {  	s22 =	sadd.s32 $0x10, s22;
	[tilespmem:s0+$0x0] =	vst v10;
	(ifvalue) =	ssetifvalue $0xFFFFFFFF  }
0xaf: {  	[hbm4b:s1+s16] =	stream.indirect_vreg.scatter [tilespmem:s0], [sflag:$0x2], $0x1, v8, vm0, $0x4038;
	[tilespmem:$0x4770] =	vst v63  }
0xb0: {  	v3 =	vld [tilespmem:s28+$0x3F70];
	_ =	sdelay $0x4  }
0xb1: {  	v3 =	vshift.insert v3, v0, s21  }
0xb2: {  	s0 =	simm.s32 $0x30  }
0xb3: {  	[tilespmem:s0+$0x0] =	vst.msk $0x1, v3  }
0xb4: {  	v3 =	vsel vm4, $0x1, v1;
	[tilespmem:$0x90] =	vst v6  }
0xb5: {  	s0 =	sadd.s32 @!p1 $0x3F7F, s28;
	[tilespmem:$0xA0] =	vst v3  }
0xb6: {  	[spmem:s14] =	stream.linear.scatter @!p1 [tilespmem:s0], [sflag:$0x1], $0x1, $0x38;
	[tilespmem:$0x4770] =	vst v63  }
0xb7: {  	s0 =	simm.s32 @!p1 $0x1  }
0xb8: {  	v3 =	vmctz.xlane @!p1 vm4;
	_ =	swait.ge @!p1 [sflag:s0], $0x1  }
0xb9: {  	(v2sf) =	vpush @!p1 v4, $0x0  }
0xba: {  	(v2sf) =	vpush @!p1 v3, $0x0;
	_ =	sdelay $0xd  }
0xbb: {  	s2 =	spop @!p1 (v2sf)  }
0xbc: {  	s3 =	spop @!p1 (v2sf)  }
0xbd: {  	p2 =	sne.s32 @!p1 s26, s2;
	p3 =	slt.s32 @!p1 s3, $0xF  }
0xbe: {  	[sflag:s0] =	ssyncset.done @!p1 $0x0;
	p2 =	por p2, p1;
	p3 =	por !p3, p1  }
0xbf: {  	[sflag:s0] =	ssyncadd.s32 @!p1 $0xFFFFFFFF;
	v3 =	vimm.s32 @!p2 $0xFFFFFFFF;
	s3 =	simm.s32 @p3 $0xF  }
0xc0: {  	[tilespmem:$0x80] =	vst @!p2 v3;
	s2 =	sadd.s32 @!p1 $0x90, s3  }
0xc1: {  	[spmem:s10] =	stream.linear.scatter @!p1 [tilespmem:s2], [sflag:$0x1], $0x1, $0x38;
	[tilespmem:$0x4770] =	vst v63  }
0xc2: {  	_ =	swait.ge @!p1 [sflag:s0], $0x1  }
0xc3: {  	[sflag:s0] =	ssyncset.done @!p1 $0x0  }
0xc4: {  	s2 =	simm.s32 @!p1 $0x80;
	[sflag:s0] =	ssyncadd.s32 @!p1 $0xFFFFFFFF  }
0xc5: {  	[spmem:s15] =	stream.linear.scatter @!p1 [tilespmem:s2], [sflag:$0x1], $0x1, $0x38;
	[tilespmem:$0x4770] =	vst v63  }
0xc6: {  	_ =	swait.ge @!p1 [sflag:s0], $0x1  }
0xc7: {  	[sflag:s0] =	ssyncset.done @!p1 $0x0  }
0xc8: {  	[sflag:s0] =	ssyncadd.s32 @!p1 $0xFFFFFFFF;
	(ifvalue) =	ssetifvalue $0xFFFFFFFF;
	v3 =	vld [tilespmem:s25+$0x10];
	_ =	sdelay $0x3  }
.Ltmp6:
0xc9: {  	_ = 	snop;
	(pc) =	sbr.rel .LBB2_9-.Ltmp6, $3  }
0xca: {  	_ =	sdelay $0x1  }
0xcb: {  	(ifvalue) =	ssetifvalue $0xFFFFFFFF  }
0xcc: {  	[hbm4b:s1+s16] =	stream.indirect_vreg.scatter [tilespmem:s29], [sflag:$0x9], $0x1, v3, vm0, $0x4038;
	[tilespmem:$0x4770] =	vst v63  }
.LBB2_10:
0xcd: {  	_ =	sfence.sel $0x180000  }
0xce: {  	s0 =	simm.s32 $0x7;
	[bflag:$0x0] =	sbarrier.arrive $0xFFFF  }
0xcf: {  	s26 =	simm.s32 $0x8;
	[sflag:s0] =	ssyncpa.u1 $0x1  }
0xd0: {  	s28 =	simm.s32 $0x9;
	[sflag:s26] =	ssyncpa.u1 $0x1  }
0xd1: {  	[sflag:s28] =	ssyncpa.u1 $0x1  }
0xd2: {  	_ =	sfence.stream.spmem  }
0xd3: {  	s29 =	simm.s32 $0x3;
	[bflag:$0x0] =	sbarrier.arrive $0xFFFF  }
0xd4: {  	s30 =	simm.s32 $0x4;
	[sflag:s29] =	ssyncpa.u1 $0x1  }
0xd5: {  	s31 =	simm.s32 $0x3C;
	s2 =	stileid.u32;
	[sflag:s30] =	ssyncpa.u1 $0x1  }
0xd6: {  	p0 =	sne.s32 s2, $0x0;
	[sflag:s31] =	ssyncpa.u1 $0x1  }
0xd7: {  	s0 =	simm.s32 @p0 $0x1;
	_ =	sfence @p0  }
0xd8: {  	[sflag:s0] =	ssyncpa.u1 @p0 $0x1;
	s0 =	simm.s32 @p0 $0x2  }
0xd9: {  	[sflag:s0] =	ssyncpa.u1 @p0 $0x1  }
0xda: {  	_ =	strace @p0 $0x90000059  }
0xdb: {  	[bflag:$0x2] =	sbarrier.arrive @p0 $0xFFFF  }
0xdc: {  	_ =	shalt @p0  }
.LBB2_11:
0xdd: {  	_ =	sfence.stream.spmem;
	s0 =	simm.s32 $0x5  }
0xde: {  	s2 =	simm.s32 $0x80;
	s3 =	simm.s32 $0xC0;
	[sflag:s0] =	ssyncpa.u1 $0x0  }
0xdf: {  	[tilespmem:s3], [sflag:$0x5] =	stream.linear.gather [spmem:s2], $0x20, $0x38;
	[tilespmem:$0x4770] =	vst v63  }
0xe0: {  	s2 =	simm.s32 $0x0;
	s3 =	simm.s32 $0xE0  }
0xe1: {  	[tilespmem:s3], [sflag:$0x5] =	stream.linear.gather [spmem:s2], $0x20, $0x38;
	[tilespmem:$0x4770] =	vst v63  }
.Ltmp7:
0xe2: {  	_ = 	snop;
	(pc) =	sbr.rel .LBB2_12-.Ltmp7, $4  }
0xe3: {  	_ =	swait.ge [sflag:s0], $0x40  }
0xe4: {  	[sflag:s0] =	ssyncset.done $0x0  }
0xe5: {  	s31 =	simm.s32 $0x6;
	[sflag:s0] =	ssyncadd.s32 $0xFFFFFFC0  }
0xe6: {  	s4 =	simm.s32 $0x0;
	[sflag:s31] =	ssyncpa.u1 $0x0  }
.LBB2_17:
0xe7: {  	p0 =	sgt.u32 s5, $0xBFF  }
0xe8: {  	s0 =	sshrl.u32 @!p0 s5, $0x3  }
0xe9: {  	s5 =	sand.u32 @!p0 $0x7, s5;
	s6 =	simm.s32 @!p0 $0xB0;
	s0 =	sadd.s32 @!p0 s1, s0  }
0xea: {  	[tilespmem:s6], [sflag:$0x6] =	stream.linear.gather @!p0 [hbm4b:s0+s5], $0x1, $0x38;
	[tilespmem:$0x4770] =	vst v63  }
0xeb: {  	s0 =	simm.s32 @!p0 $0x6  }
0xec: {  	_ =	swait.ge @!p0 [sflag:s0], $0x1  }
0xed: {  	[sflag:s0] =	ssyncset.done @!p0 $0x0  }
0xee: {  	[sflag:s0] =	ssyncadd.s32 @!p0 $0xFFFFFFFF  }
0xef: {  	v2 =	vmov @!p0 s4;
	v1 =	vld.msk @!p0 [tilespmem:$0xB0], $0x1;
	_ =	sdelay $0x3  }
0xf0: {  	s0 =	simm.s32 @!p0 $0xE0  }
0xf1: {  	[tilespmem:v2+s0+$0x0], v1 =	vst.idx.ret.add.f32.msk @!p0 $0x1, v1  }
0xf2: {  	[tilespmem:s2+$0xC0] =	vst.msk $0x1, v0  }
0xf3: {  	v0 =	vld.msk [tilespmem:s4+$0xE0], $0x1;
	_ =	sdelay $0x4  }
0xf4: {  	[tilespmem:s2+$0xE0] =	vst.msk $0x1, v0;
	s2 =	sadd.s32 $0x1, s2  }
.LBB2_19:
0xf5: {  	s4 =	sadd.s32 $0x1, s4  }
0xf6: {  	p0 =	sne.s32 s4, $0x20  }
.Ltmp8:
0xf7: {  	_ = 	snop;
	(pc) =	sbr.rel @!p0 .LBB2_20-.Ltmp8, $1  }
0xf8: {  	_ =	sdelay $0x3  }
.LBB2_12:
0xf9: {  	v0 =	vld.msk [tilespmem:s4+$0xC0], $0x1;
	_ =	sdelay $0x4  }
0xfa: {  	(v2sf) =	vpush v0, $0x0;
	_ =	sdelay $0xe  }
0xfb: {  	s5 =	spop (v2sf)  }
0xfc: {  	p0 =	seq.s32 s5, $0xFFFFFFFF  }
.Ltmp9:
0xfd: {  	_ = 	snop;
	(pc) =	sbr.rel @p0 .LBB2_19-.Ltmp9, $1  }
0xfe: {  	_ =	sdelay $0x3  }
0xff: {  	p0 =	slt.s32 s2, $0x1  }
.Ltmp10:
0x100: {  	_ = 	snop;
	(pc) =	sbr.rel @p0 .LBB2_17-.Ltmp10, $1  }
0x101: {  	_ =	sdelay $0x3  }
0x102: {  	s0 =	simm.s32 $0xC0;
	p0 =	por $0x0, $0x0  }
0x103: {  	v1 =	vld.msk @!p0 [tilespmem:s0+$0x0], $0x1;
	_ =	sdelay $0x4  }
0x104: {  	(v2sf) =	vpush @!p0 v1, $0x0;
	_ =	sdelay $0xd  }
0x105: {  	p2 =	sne.s32 s2, $0x1  }
.Ltmp11:
0x106: {  	s6 =	spop @!p0 (v2sf);
	(pc) =	sbr.rel @!p2 .LBB2_16-.Ltmp11, $4  }
0x107: {  	p1 =	seq.s32 @!p0 s5, s6  }
0x108: {  	s6 =	simm.s32 $0x0;
	p1 =	por !p1, p0  }
0x109: {  	s8 =	simm.s32 $0xFFFFFFFF;
	s6 =	simm.s32 @p1 $0xFFFFFFFF  }
0x10a: {  	s7 =	simm.s32 $0x1;
	s6 =	smov.u32 @p0 s8  }
.LBB2_15:
0x10b: {  	s8 =	smov.u32 s6;
	p0 =	sne.s32 s6, $0xFFFFFFFF  }
0x10c: {  	s0 =	sadd.s32 $0x1, s0;
	s6 =	smov.u32 s7;
	s7 =	sadd.s32 $0x1, s7  }
0x10d: {  	p1 =	sne.s32 s2, s7;
	v1 =	vld.msk @!p0 [tilespmem:s0+$0x0], $0x1;
	_ =	sdelay $0x4  }
0x10e: {  	(v2sf) =	vpush @!p0 v1, $0x0;
	_ =	sdelay $0xe  }
.Ltmp12:
0x10f: {  	s9 =	spop @!p0 (v2sf);
	(pc) =	sbr.rel @p1 .LBB2_15-.Ltmp12, $4  }
0x110: {  	p2 =	seq.s32 @!p0 s5, s9  }
0x111: {  	p2 =	por !p2, p0  }
0x112: {  	s6 =	simm.s32 @p2 $0xFFFFFFFF  }
0x113: {  	s6 =	smov.u32 @p0 s8  }
.LBB2_16:
0x114: {  	p0 =	sne.s32 s6, $0xFFFFFFFF  }
.Ltmp13:
0x115: {  	_ = 	snop;
	(pc) =	sbr.rel @!p0 .LBB2_17-.Ltmp13, $1  }
0x116: {  	_ =	sdelay $0x3  }
0x117: {  	v0 =	vld.msk [tilespmem:s4+$0xE0], $0x1;
	v1 =	vmov s6  }
.Ltmp14:
0x118: {  	_ = 	snop;
	(pc) =	sbr.rel .LBB2_19-.Ltmp14, $2  }
0x119: {  	_ =	sdelay $0x2  }
0x11a: {  	[tilespmem:v1+s3+$0x0], v0 =	vst.idx.ret.add.f32.msk $0x1, v0  }
.LBB2_20:
0x11b: {  	p0 =	slt.s32 s2, $0x1  }
.Ltmp15:
0x11c: {  	_ = 	snop;
	(pc) =	sbr.rel @p0 .LBB2_24-.Ltmp15, $3  }
0x11d: {  	_ =	sdelay $0x1  }
0x11e: {  	s0 =	simm.s32 $0x6  }
0x11f: {  	s3 =	simm.s32 $0x0;
	[sflag:s0] =	ssyncpa.u1 $0x1  }
0x120: {  	s0 =	simm.s32 $0xC0  }
0x121: {  	v0 =	vld.msk [tilespmem:s0+$0x0], $0x1;
	_ =	sdelay $0x4  }
0x122: {  	(v2sf) =	vpush v0, $0x0;
	_ =	sdelay $0xe  }
0x123: {  	s2 =	sadd.s32 $0xFFFFFFFF, s2;
	s4 =	spop (v2sf)  }
0x124: {  	p1 =	sne.s32 s2, $0x0;
	p0 =	sgt.u32 s4, $0xBFF  }
.Ltmp16:
0x125: {  	s5 =	sshrl.u32 @!p0 s4, $0x3;
	(pc) =	sbr.rel @!p1 .LBB2_23-.Ltmp16, $4  }
0x126: {  	s0 =	simm.s32 $0xE0;
	s4 =	sand.u32 @!p0 $0x7, s4;
	s5 =	sadd.s32 @!p0 s1, s5  }
0x127: {  	[hbm4b:s5+s4] =	stream.linear.scatter @!p0 [tilespmem:s0], [sflag:$0x5], $0x1, $0x38;
	[tilespmem:$0x4770] =	vst v63  }
0x128: {  	s5 =	simm.s32 $0x0  }
0x129: {  	s4 =	simm.s32 $0xC1;
	s5 =	simm.s32 @!p0 $0x4  }
.LBB2_22:
0x12a: {  	v0 =	vld.msk [tilespmem:s4+$0x0], $0x1;
	s2 =	sadd.s32 $0xFFFFFFFF, s2;
	s3 =	sadd.s32 s3, s5  }
0x12b: {  	p0 =	sne.s32 s2, $0x0;
	_ =	sdelay $0x3  }
0x12c: {  	(v2sf) =	vpush v0, $0x0;
	_ =	sdelay $0xe  }
.Ltmp17:
0x12d: {  	s6 =	spop (v2sf);
	(pc) =	sbr.rel @p0 .LBB2_22-.Ltmp17, $4  }
0x12e: {  	s5 =	simm.s32 $0x0;
	p1 =	sgt.u32 s6, $0xBFF  }
0x12f: {  	s0 =	sadd.s32 $0x1, s0;
	s5 =	simm.s32 @!p1 $0x4;
	s7 =	sshrl.u32 @!p1 s6, $0x3  }
0x130: {  	s4 =	sadd.s32 $0x1, s4;
	s6 =	sand.u32 @!p1 $0x7, s6;
	s7 =	sadd.s32 @!p1 s1, s7  }
0x131: {  	[hbm4b:s7+s6] =	stream.linear.scatter @!p1 [tilespmem:s0], [sflag:$0x5], $0x1, $0x38;
	[tilespmem:$0x4770] =	vst v63  }
.LBB2_23:
0x132: {  	s0 =	sadd.s32 s3, s5  }
0x133: {  	s3 =	sshrl.u32 s0, $0x2  }
.LBB2_24:
0x134: {  	s0 =	simm.s32 $0x5  }
0x135: {  	_ =	swait.ge [sflag:s0], s3  }
0x136: {  	s1 =	ssub.s32 $0x0, s3;
	[sflag:s0] =	ssyncset.done $0x0  }
0x137: {  	[sflag:s0] =	ssyncadd.s32 s1  }
0x138: {  	[sflag:s0] =	ssyncpa.u1 $0x1  }
0x139: {  	s29 =	simm.s32 $0x1;
	_ =	sfence  }
0x13a: {  	s30 =	simm.s32 $0x2;
	[sflag:s29] =	ssyncpa.u1 $0x1  }
0x13b: {  	[sflag:s30] =	ssyncpa.u1 $0x1  }
0x13c: {  	_ =	strace $0x90000059  }
0x13d: {  	[bflag:$0x2] =	sbarrier.arrive $0xFFFF  }
0x13e: {  	s31 =	rddreg [dreg:$0x2]  }
0x13f: {  	s0 =	sadd.s32 $0x100000, s31  }
0x140: {  	[sflag:s0] =	ssyncadd.tile.s32 $0x1;
	_ =	shalt  }
.Lfunc_end2:
_tile_overlayer_lowered:
.L_overlay_start_2:
0x141: {  	(tag) =	ssettag $0x2  }
0x142: {  	s0 =	rddreg [dreg:$0x0];
	s2 =	stileid.u32  }
0x143: {  	s1 =	rddreg [dreg:$0x1];
	p0 =	sne.s32 s2, $0x0  }
0x144: {  	s3 =	rddreg [dreg:$0x2];
	[bflag:$0x3] =	sbarrier.arrive $0xFFFF;
	s2 =	simm.s32 @!p0 $0x1C01  }
0x145: {  	[timem:s3], [sflag:s2] =	dma.local @!p0 [hbm:s0], s1  }
0x146: {  	s0 =	simm.s32 @!p0 $0x1  }
0x147: {  	_ =	swait.ge @!p0 [sflag:s0], s1  }
0x148: {  	s1 =	ssub.s32 @!p0 $0x0, s1;
	[sflag:s0] =	ssyncset.done @!p0 $0x0  }
0x149: {  	[sflag:s0] =	ssyncadd.s32 @!p0 s1  }
0x14a: {  	[bflag:$0x3] =	sbarrier.arrive $0xFFFF  }
0x14b: {  	_ =	shalt  }

</sc_bundles>
